<compile_context>
chip_gen: v7x
topology: tpu7x:2x2x1
jax: 0.10.2.dev20260603
libtpu: 0.0.44.dev20260713+nightly
codegen_flags: <defaults>
</compile_context>

<pallas_src>
import jax
import jax.numpy as jnp
from jax import lax
from jax.experimental import pallas as pl
from jax.experimental.pallas import tpu as pltpu
from jax.experimental.pallas import tpu_sc as plsc

K = 256
B = 64
N = 32768
MIN32 = -2147483648
MAX32 = 2147483647
L = 16
THETA = -2.2


UNROLL = 4
CUNROLL = 8
NCHUNK = 4


def _ikey_vec(v):
    u = jax.lax.bitcast_convert_type(v, jnp.int32)
    return u ^ ((u >> 31) & jnp.int32(0x7FFFFFFF))


def _sc_select_body(s_hbm, out_hbm, row_a, row_b, key_v, stage_v, *sems):
    wid = lax.axis_index("s") * 2 + lax.axis_index("c")
    lanes = lax.iota(jnp.int32, L)
    CH = N // NCHUNK

    def chunk_copy(row, buf, c, sem):
        return pltpu.async_copy(
            s_hbm.at[row, pl.ds(c * CH, CH)], buf.at[pl.ds(c * CH, CH)], sem)

    cps_a = [chunk_copy(wid * 2, row_a, c, sems[c]) for c in range(NCHUNK)]
    cps_b = []

    def count_vec(nsteps, mask_of):
        z = jnp.zeros((L,), jnp.int32)

        @plsc.parallel_loop(0, nsteps * UNROLL, unroll=UNROLL, carry=z)
        def cv(j, acc):
            return acc + mask_of(j).astype(jnp.int32)

        return jnp.sum(cv)

    def radix_select(n, nbits, tb0, nsteps, key_of):

        def bit_step(bi, tb):
            cb = tb | (jnp.int32(1) << (nbits - 1 - bi))
            thr = cb ^ jnp.int32(MIN32)
            cnt = count_vec(nsteps, lambda j: key_of(j) < thr)
            return jnp.where(cnt >= n, tb, cb)

        tb = lax.fori_loop(0, nbits, bit_step, tb0)
        return tb ^ jnp.int32(MIN32)

    for r, row_v in enumerate((row_a, row_b)):
        row = wid * 2 + r

        def rowvec(j):
            return row_v[pl.ds(j * L, L)]

        def rowkey(j):
            return _ikey_vec(rowvec(j))

        def rowcol(j):
            return lanes + j * L

        sptrs = jnp.zeros((L,), jnp.int32)
        for c in range(NCHUNK):
            cps_a[c].wait() if r == 0 else cps_b[c].wait()
            if r == 0:
                cps_b.append(chunk_copy(wid * 2 + 1, row_b, c, sems[c]))

            @plsc.parallel_loop(c * (CH // L), (c + 1) * (CH // L),
                                unroll=CUNROLL, carry=sptrs)
            def collect(i, sp):
                v = rowvec(i)
                m = v < THETA
                k = jax.lax.bitcast_convert_type(v, jnp.int32)
                plsc.store_scatter(key_v, [sp | lanes], k, mask=m)
                return sp + (m.astype(jnp.int32) << 4)

            sptrs = collect

        ptrs = sptrs >> 4
        m_tot = jnp.sum(ptrs)
        jmax = jnp.max(ptrs)
        fast = m_tot >= K

        def tie_cutoff(t_f, n_t, tie_cnt):

            def full_radix(n):
                def bit_step(bi, tb):
                    cb = tb | (jnp.int32(1) << (14 - bi))
                    cnt = count_vec(
                        N // L // UNROLL,
                        lambda j: (rowvec(j) == t_f) & (rowcol(j) < cb))
                    return jnp.where(cnt >= n, tb, cb)

                return lax.fori_loop(0, 15, bit_step, jnp.int32(0))

            return lax.cond(tie_cnt == n_t,
                            lambda n: jnp.int32(N - 1), full_radix, n_t)

        def fast_path(_):
            nsteps = (jmax + UNROLL - 1) // UNROLL

            def ckey(j):
                return key_v[pl.ds(j * L, L)]

            def valid(j):
                return j < ptrs

            def bit_step(bi, tb):
                cb = tb | (jnp.int32(1) << (29 - bi))
                thr = cb ^ jnp.int32(MIN32)
                cnt = count_vec(nsteps, lambda j: (ckey(j) < thr) & valid(j))
                return jnp.where(cnt >= m_tot - (K - 1), tb, cb)

            tb = lax.fori_loop(0, 30, bit_step, jnp.int32(1 << 30))
            t_raw = tb ^ jnp.int32(MIN32)
            cnt_lt = count_vec(nsteps, lambda j: (ckey(j) > t_raw) & valid(j))
            tie_cnt = count_vec(nsteps, lambda j: (ckey(j) == t_raw) & valid(j))
            t_f = jax.lax.bitcast_convert_type(t_raw, jnp.float32)
            return t_raw, tie_cutoff(t_f, K - cnt_lt, tie_cnt)

        def slow_path(_):
            n_steps = N // L // UNROLL
            t_ik = radix_select(K, 32, jnp.int32(0), n_steps, rowkey)
            t_raw = jnp.where(t_ik < 0, t_ik ^ jnp.int32(MAX32), t_ik)
            t_f = jax.lax.bitcast_convert_type(t_raw, jnp.float32)
            cnt_lt = count_vec(n_steps, lambda j: rowvec(j) < t_f)
            tie_cnt = count_vec(n_steps, lambda j: rowvec(j) == t_f)
            return t_raw, tie_cutoff(t_f, K - cnt_lt, tie_cnt)

        t_raw, cutoff = lax.cond(fast, fast_path, slow_path, 0)
        stage_v[...] = jnp.where(
            lanes == 0, t_raw, jnp.where(lanes == 1, cutoff, jnp.int32(0)))
        pltpu.sync_copy(stage_v, out_hbm.at[row])


def _colsum_body(s_ref, t_ref, out_ref):
    d = s_ref[...] - t_ref[...]
    out_ref[...] = jnp.sum(d * d, axis=0, keepdims=True)


def _combine_body(s_ref, cs_ref, sel_ref, out_ref):
    pid = pl.program_id(0)
    blk = s_ref.shape[1]
    s = s_ref[...]
    colsum = cs_ref[...]
    t_f = jax.lax.bitcast_convert_type(sel_ref[:, 0:1], jnp.float32)
    cutoff = sel_ref[:, 1:2]
    col = jax.lax.broadcasted_iota(jnp.int32, (B, blk), 1) + pid * blk
    sel = (s < t_f) | ((s == t_f) & (col <= cutoff))
    part = jnp.sum(jnp.where(sel, colsum, 0.0)).reshape(1, 1)

    @pl.when(pid == 0)
    def _():
        out_ref[...] = jnp.zeros((1, 1), jnp.float32)

    out_ref[...] += part


def kernel(student, teacher):
    colsum = pl.pallas_call(
        _colsum_body,
        grid=(2,),
        in_specs=[
            pl.BlockSpec((B, N // 2), lambda i: (0, i)),
            pl.BlockSpec((B, N // 2), lambda i: (0, i)),
        ],
        out_specs=pl.BlockSpec((1, N // 2), lambda i: (0, i)),
        out_shape=jax.ShapeDtypeStruct((1, N), jnp.float32),
    )(student, teacher)

    selinfo = pl.kernel(
        _sc_select_body,
        out_type=jax.ShapeDtypeStruct((B, L), jnp.int32),
        mesh=plsc.VectorSubcoreMesh(core_axis_name="c", subcore_axis_name="s"),
        compiler_params=pltpu.CompilerParams(needs_layout_passes=False),
        scratch_types=[
            pltpu.VMEM((N,), jnp.float32),
            pltpu.VMEM((N,), jnp.float32),
            pltpu.VMEM((N + UNROLL * L,), jnp.int32),
            pltpu.VMEM((L,), jnp.int32),
        ] + [pltpu.SemaphoreType.DMA] * NCHUNK,
    )(student)

    out = pl.pallas_call(
        _combine_body,
        grid=(2,),
        in_specs=[
            pl.BlockSpec((B, N // 2), lambda i: (0, i)),
            pl.BlockSpec((1, N // 2), lambda i: (0, i)),
            pl.BlockSpec((B, L), lambda i: (0, 0)),
        ],
        out_specs=pl.BlockSpec((1, 1), lambda i: (0, 0)),
        out_shape=jax.ShapeDtypeStruct((1, 1), jnp.float32),
    )(student, colsum, selinfo)
    return out[0, 0]

# --- scband reference (transcript-rebuilt; emitter-appended) ---
"""Pipeline reference for scband-topn-mseloss-44787918962929 (READ-ONLY COPY).

The authoritative reference and input builder live on the scoring server;
editing this copy changes nothing except your own understanding.
"""

import jax, jax.numpy as jnp
import numpy as np

K = 256

def setup_inputs(seed: int = 0) -> dict:
    key = jax.random.key(seed)
    k1, k2 = jax.random.split(key)
    student = jax.random.normal(k1, (64, 32768), dtype=jnp.float32)
    teacher = jax.random.normal(k2, (64, 32768), dtype=jnp.float32)
    return {"student": student, "teacher": teacher}

def reference(student, teacher):
    # torch.topk(student, largest=False, k=K) over last dim -> indices [B, K]
    _, idx = jax.lax.top_k(-student, K)
    # Faithful to torch fancy indexing: student[:, idx] with idx [B, K] -> [B, B, K]
    gs = jnp.take(student, idx, axis=1)
    gt = jnp.take(teacher, idx, axis=1)
    # nn.MSELoss(reduction='sum')
    return jnp.sum((gs - gt) ** 2)

if __name__ == "__main__":
    import jax
    _d = setup_inputs()
    print(jax.jit(kernel)(*tuple(_d.values())))

</pallas_src>

<mosaic_0001>
#map = affine_map<(d0, d1) -> (0, 0)>
module attributes {stable_mosaic.version = 14 : i64} {
  func.func @_sc_select_body(%arg0: i32, %arg1: i32, %arg2: memref<64x32768xf32, #tpu.memory_space<hbm>>, %arg3: memref<64x16xi32, #tpu.memory_space<hbm>>, %arg4: memref<32768xf32, #tpu.memory_space<vmem>>, %arg5: memref<32768xf32, #tpu.memory_space<vmem>>, %arg6: memref<32832xi32, #tpu.memory_space<vmem>>, %arg7: memref<16xi32, #tpu.memory_space<vmem>>, %arg8: memref<!tpu.dma_semaphore, #tpu.memory_space<semaphore_mem>>, %arg9: memref<!tpu.dma_semaphore, #tpu.memory_space<semaphore_mem>>, %arg10: memref<!tpu.dma_semaphore, #tpu.memory_space<semaphore_mem>>, %arg11: memref<!tpu.dma_semaphore, #tpu.memory_space<semaphore_mem>>) attributes {dimension_semantics = [#tpu.dimension_semantics<core_parallel>, #tpu.dimension_semantics<subcore_parallel>], iteration_bounds = array<i64: 2, 16>, scalar_prefetch = 0 : i64, scratch_operands = 8 : i64, tpu.core_type = #tpu.core_type<sc_vector_subcore>, window_params = [{transform_indices = #map}, {transform_indices = #map}]} {
    %mul3A = arith.constant 2 : i32
    %mul3A_0 = arith.muli %arg1, %mul3A : i32
    %add3A = arith.addi %mul3A_0, %arg0 : i32
    %iota3A = tpu.iota {dimensions = array<i32: 0>} : vector<16xi32>
    %mul3A_1 = arith.constant 2 : i32
    %mul3A_2 = arith.muli %add3A, %mul3A_1 : i32
    %dma_start3A = arith.constant 0 : i32
    %dma_start3A_3 = tpu.memref_slice %arg4[%dma_start3A] : memref<32768xf32, #tpu.memory_space<vmem>> -> memref<8192xf32, #tpu.memory_space<vmem>>
    %dma_start3A_4 = arith.constant 0 : i32
    %dma_start3A_5 = tpu.memref_slice %arg2[%mul3A_2, %dma_start3A_4] : memref<64x32768xf32, #tpu.memory_space<hbm>> -> memref<1x8192xf32, #tpu.memory_space<hbm>>
    %dma_start3A_6 = tpu.memref_squeeze %dma_start3A_5 : memref<1x8192xf32, #tpu.memory_space<hbm>> -> memref<8192xf32, #tpu.memory_space<hbm>>
    %dma_start3A_7 = arith.constant 0 : i32
    %dma_start3A_8 = tpu.memref_slice %arg4[%dma_start3A_7] : memref<32768xf32, #tpu.memory_space<vmem>> -> memref<8192xf32, #tpu.memory_space<vmem>>
    %dma_start3A_9 = arith.constant 0 : i32
    %dma_start3A_10 = tpu.memref_slice %arg2[%mul3A_2, %dma_start3A_9] : memref<64x32768xf32, #tpu.memory_space<hbm>> -> memref<1x8192xf32, #tpu.memory_space<hbm>>
    %dma_start3A_11 = tpu.memref_squeeze %dma_start3A_10 : memref<1x8192xf32, #tpu.memory_space<hbm>> -> memref<8192xf32, #tpu.memory_space<hbm>>
    tpu.enqueue_dma source(%dma_start3A_11 : memref<8192xf32, #tpu.memory_space<hbm>>) target(%dma_start3A_8 : memref<8192xf32, #tpu.memory_space<vmem>>) target_semaphore(%arg8 : memref<!tpu.dma_semaphore, #tpu.memory_space<semaphore_mem>>)
    %mul3A_12 = arith.constant 2 : i32
    %mul3A_13 = arith.muli %add3A, %mul3A_12 : i32
    %dma_start3A_14 = arith.constant 8192 : i32
    %dma_start3A_15 = tpu.memref_slice %arg4[%dma_start3A_14] : memref<32768xf32, #tpu.memory_space<vmem>> -> memref<8192xf32, #tpu.memory_space<vmem>>
    %dma_start3A_16 = arith.constant 8192 : i32
    %dma_start3A_17 = tpu.memref_slice %arg2[%mul3A_13, %dma_start3A_16] : memref<64x32768xf32, #tpu.memory_space<hbm>> -> memref<1x8192xf32, #tpu.memory_space<hbm>>
    %dma_start3A_18 = tpu.memref_squeeze %dma_start3A_17 : memref<1x8192xf32, #tpu.memory_space<hbm>> -> memref<8192xf32, #tpu.memory_space<hbm>>
    %dma_start3A_19 = arith.constant 8192 : i32
    %dma_start3A_20 = tpu.memref_slice %arg4[%dma_start3A_19] : memref<32768xf32, #tpu.memory_space<vmem>> -> memref<8192xf32, #tpu.memory_space<vmem>>
    %dma_start3A_21 = arith.constant 8192 : i32
    %dma_start3A_22 = tpu.memref_slice %arg2[%mul3A_13, %dma_start3A_21] : memref<64x32768xf32, #tpu.memory_space<hbm>> -> memref<1x8192xf32, #tpu.memory_space<hbm>>
    %dma_start3A_23 = tpu.memref_squeeze %dma_start3A_22 : memref<1x8192xf32, #tpu.memory_space<hbm>> -> memref<8192xf32, #tpu.memory_space<hbm>>
    tpu.enqueue_dma source(%dma_start3A_23 : memref<8192xf32, #tpu.memory_space<hbm>>) target(%dma_start3A_20 : memref<8192xf32, #tpu.memory_space<vmem>>) target_semaphore(%arg9 : memref<!tpu.dma_semaphore, #tpu.memory_space<semaphore_mem>>)
    %mul3A_24 = arith.constant 2 : i32
    %mul3A_25 = arith.muli %add3A, %mul3A_24 : i32
    %dma_start3A_26 = arith.constant 16384 : i32
    %dma_start3A_27 = tpu.memref_slice %arg4[%dma_start3A_26] : memref<32768xf32, #tpu.memory_space<vmem>> -> memref<8192xf32, #tpu.memory_space<vmem>>
    %dma_start3A_28 = arith.constant 16384 : i32
    %dma_start3A_29 = tpu.memref_slice %arg2[%mul3A_25, %dma_start3A_28] : memref<64x32768xf32, #tpu.memory_space<hbm>> -> memref<1x8192xf32, #tpu.memory_space<hbm>>
    %dma_start3A_30 = tpu.memref_squeeze %dma_start3A_29 : memref<1x8192xf32, #tpu.memory_space<hbm>> -> memref<8192xf32, #tpu.memory_space<hbm>>
    %dma_start3A_31 = arith.constant 16384 : i32
    %dma_start3A_32 = tpu.memref_slice %arg4[%dma_start3A_31] : memref<32768xf32, #tpu.memory_space<vmem>> -> memref<8192xf32, #tpu.memory_space<vmem>>
    %dma_start3A_33 = arith.constant 16384 : i32
    %dma_start3A_34 = tpu.memref_slice %arg2[%mul3A_25, %dma_start3A_33] : memref<64x32768xf32, #tpu.memory_space<hbm>> -> memref<1x8192xf32, #tpu.memory_space<hbm>>
    %dma_start3A_35 = tpu.memref_squeeze %dma_start3A_34 : memref<1x8192xf32, #tpu.memory_space<hbm>> -> memref<8192xf32, #tpu.memory_space<hbm>>
    tpu.enqueue_dma source(%dma_start3A_35 : memref<8192xf32, #tpu.memory_space<hbm>>) target(%dma_start3A_32 : memref<8192xf32, #tpu.memory_space<vmem>>) target_semaphore(%arg10 : memref<!tpu.dma_semaphore, #tpu.memory_space<semaphore_mem>>)
    %mul3A_36 = arith.constant 2 : i32
    %mul3A_37 = arith.muli %add3A, %mul3A_36 : i32
    %dma_start3A_38 = arith.constant 24576 : i32
    %dma_start3A_39 = tpu.memref_slice %arg4[%dma_start3A_38] : memref<32768xf32, #tpu.memory_space<vmem>> -> memref<8192xf32, #tpu.memory_space<vmem>>
    %dma_start3A_40 = arith.constant 24576 : i32
    %dma_start3A_41 = tpu.memref_slice %arg2[%mul3A_37, %dma_start3A_40] : memref<64x32768xf32, #tpu.memory_space<hbm>> -> memref<1x8192xf32, #tpu.memory_space<hbm>>
    %dma_start3A_42 = tpu.memref_squeeze %dma_start3A_41 : memref<1x8192xf32, #tpu.memory_space<hbm>> -> memref<8192xf32, #tpu.memory_space<hbm>>
    %dma_start3A_43 = arith.constant 24576 : i32
    %dma_start3A_44 = tpu.memref_slice %arg4[%dma_start3A_43] : memref<32768xf32, #tpu.memory_space<vmem>> -> memref<8192xf32, #tpu.memory_space<vmem>>
    %dma_start3A_45 = arith.constant 24576 : i32
    %dma_start3A_46 = tpu.memref_slice %arg2[%mul3A_37, %dma_start3A_45] : memref<64x32768xf32, #tpu.memory_space<hbm>> -> memref<1x8192xf32, #tpu.memory_space<hbm>>
    %dma_start3A_47 = tpu.memref_squeeze %dma_start3A_46 : memref<1x8192xf32, #tpu.memory_space<hbm>> -> memref<8192xf32, #tpu.memory_space<hbm>>
    tpu.enqueue_dma source(%dma_start3A_47 : memref<8192xf32, #tpu.memory_space<hbm>>) target(%dma_start3A_44 : memref<8192xf32, #tpu.memory_space<vmem>>) target_semaphore(%arg11 : memref<!tpu.dma_semaphore, #tpu.memory_space<semaphore_mem>>)
    %mul3A_48 = arith.constant 2 : i32
    %mul3A_49 = arith.muli %add3A, %mul3A_48 : i32
    %add3A_50 = arith.constant 0 : i32
    %add3A_51 = arith.addi %mul3A_49, %add3A_50 : i32
    %broadcast_in_dim3A = arith.constant 0 : i32
    %broadcast_in_dim3A_52 = vector.broadcast %broadcast_in_dim3A : i32 to vector<16xi32>
    %dma_wait3A = arith.constant 0 : i32
    %dma_wait3A_53 = tpu.memref_slice %arg4[%dma_wait3A] : memref<32768xf32, #tpu.memory_space<vmem>> -> memref<8192xf32, #tpu.memory_space<vmem>>
    %dma_wait3A_54 = arith.constant 0 : i32
    %dma_wait3A_55 = tpu.memref_slice %arg2[%mul3A_2, %dma_wait3A_54] : memref<64x32768xf32, #tpu.memory_space<hbm>> -> memref<1x8192xf32, #tpu.memory_space<hbm>>
    %dma_wait3A_56 = tpu.memref_squeeze %dma_wait3A_55 : memref<1x8192xf32, #tpu.memory_space<hbm>> -> memref<8192xf32, #tpu.memory_space<hbm>>
    %dma_wait3A_57 = arith.constant 0 : i32
    %dma_wait3A_58 = tpu.memref_slice %arg4[%dma_wait3A_57] : memref<32768xf32, #tpu.memory_space<vmem>> -> memref<8192xf32, #tpu.memory_space<vmem>>
    %dma_wait3A_59 = arith.constant 0 : i32
    %dma_wait3A_60 = tpu.memref_slice %arg2[%mul3A_2, %dma_wait3A_59] : memref<64x32768xf32, #tpu.memory_space<hbm>> -> memref<1x8192xf32, #tpu.memory_space<hbm>>
    %dma_wait3A_61 = tpu.memref_squeeze %dma_wait3A_60 : memref<1x8192xf32, #tpu.memory_space<hbm>> -> memref<8192xf32, #tpu.memory_space<hbm>>
    tpu.wait_dma2 semaphore(%arg8 : memref<!tpu.dma_semaphore, #tpu.memory_space<semaphore_mem>>) src(%dma_wait3A_61 : memref<8192xf32, #tpu.memory_space<hbm>>) dst(%dma_wait3A_58 : memref<8192xf32, #tpu.memory_space<vmem>>)
    %mul3A_62 = arith.constant 2 : i32
    %mul3A_63 = arith.muli %add3A, %mul3A_62 : i32
    %add3A_64 = arith.constant 1 : i32
    %add3A_65 = arith.addi %mul3A_63, %add3A_64 : i32
    %dma_start3A_66 = arith.constant 0 : i32
    %dma_start3A_67 = tpu.memref_slice %arg5[%dma_start3A_66] : memref<32768xf32, #tpu.memory_space<vmem>> -> memref<8192xf32, #tpu.memory_space<vmem>>
    %dma_start3A_68 = arith.constant 0 : i32
    %dma_start3A_69 = tpu.memref_slice %arg2[%add3A_65, %dma_start3A_68] : memref<64x32768xf32, #tpu.memory_space<hbm>> -> memref<1x8192xf32, #tpu.memory_space<hbm>>
    %dma_start3A_70 = tpu.memref_squeeze %dma_start3A_69 : memref<1x8192xf32, #tpu.memory_space<hbm>> -> memref<8192xf32, #tpu.memory_space<hbm>>
    %dma_start3A_71 = arith.constant 0 : i32
    %dma_start3A_72 = tpu.memref_slice %arg5[%dma_start3A_71] : memref<32768xf32, #tpu.memory_space<vmem>> -> memref<8192xf32, #tpu.memory_space<vmem>>
    %dma_start3A_73 = arith.constant 0 : i32
    %dma_start3A_74 = tpu.memref_slice %arg2[%add3A_65, %dma_start3A_73] : memref<64x32768xf32, #tpu.memory_space<hbm>> -> memref<1x8192xf32, #tpu.memory_space<hbm>>
    %dma_start3A_75 = tpu.memref_squeeze %dma_start3A_74 : memref<1x8192xf32, #tpu.memory_space<hbm>> -> memref<8192xf32, #tpu.memory_space<hbm>>
    tpu.enqueue_dma source(%dma_start3A_75 : memref<8192xf32, #tpu.memory_space<hbm>>) target(%dma_start3A_72 : memref<8192xf32, #tpu.memory_space<vmem>>) target_semaphore(%arg8 : memref<!tpu.dma_semaphore, #tpu.memory_space<semaphore_mem>>)
    %parallel_loop3A = arith.constant 0 : i32
    %parallel_loop3A_76 = arith.constant 512 : i32
    %parallel_loop3A_77 = arith.constant 1 : i32
    %parallel_loop3A_78 = scf.for %parallel_loop3A_287 = %parallel_loop3A to %parallel_loop3A_76 step %parallel_loop3A_77 iter_args(%parallel_loop3A_288 = %broadcast_in_dim3A_52) -> (vector<16xi32>)  : i32 {
      %parallel_loop3A_289 = arith.constant 16 : i32
      %parallel_loop3A_290 = arith.muli %parallel_loop3A_287, %parallel_loop3A_289 : i32
      %parallel_loop3A_291 = arith.index_cast %parallel_loop3A_290 : i32 to index
      %parallel_loop3A_292 = tpu.vector_load %arg4[%parallel_loop3A_291] {strides = array<i32>} : memref<32768xf32, #tpu.memory_space<vmem>>, vector<16xf32>,
      %parallel_loop3A_293 = arith.constant -2.200000e+00 : f32
      %parallel_loop3A_294 = vector.broadcast %parallel_loop3A_293 : f32 to vector<16xf32>
      %parallel_loop3A_295 = arith.cmpf olt, %parallel_loop3A_292, %parallel_loop3A_294 : vector<16xf32>
      %parallel_loop3A_296 = tpu.bitcast %parallel_loop3A_292 : vector<16xf32> -> vector<16xi32>
      %parallel_loop3A_297 = arith.ori %parallel_loop3A_288, %iota3A : vector<16xi32>
      tpu.vector_store_idx %arg6[%parallel_loop3A_297], %parallel_loop3A_296 masked %parallel_loop3A_295 : memref<32832xi32, #tpu.memory_space<vmem>>[vector<16xi32>], vector<16xi32>, vector<16xi1>
      %parallel_loop3A_298 = arith.extui %parallel_loop3A_295 : vector<16xi1> to vector<16xi32>
      %parallel_loop3A_299 = arith.constant 4 : i32
      %parallel_loop3A_300 = vector.broadcast %parallel_loop3A_299 : i32 to vector<16xi32>
      %parallel_loop3A_301 = arith.shli %parallel_loop3A_298, %parallel_loop3A_300 : vector<16xi32>
      %parallel_loop3A_302 = arith.addi %parallel_loop3A_288, %parallel_loop3A_301 : vector<16xi32>
      scf.yield %parallel_loop3A_302 : vector<16xi32>
    } {sc.loop_unroll_factor = 8 : i64, sc.parallel_access}
    %dma_wait3A_79 = arith.constant 8192 : i32
    %dma_wait3A_80 = tpu.memref_slice %arg4[%dma_wait3A_79] : memref<32768xf32, #tpu.memory_space<vmem>> -> memref<8192xf32, #tpu.memory_space<vmem>>
    %dma_wait3A_81 = arith.constant 8192 : i32
    %dma_wait3A_82 = tpu.memref_slice %arg2[%mul3A_13, %dma_wait3A_81] : memref<64x32768xf32, #tpu.memory_space<hbm>> -> memref<1x8192xf32, #tpu.memory_space<hbm>>
    %dma_wait3A_83 = tpu.memref_squeeze %dma_wait3A_82 : memref<1x8192xf32, #tpu.memory_space<hbm>> -> memref<8192xf32, #tpu.memory_space<hbm>>
    %dma_wait3A_84 = arith.constant 8192 : i32
    %dma_wait3A_85 = tpu.memref_slice %arg4[%dma_wait3A_84] : memref<32768xf32, #tpu.memory_space<vmem>> -> memref<8192xf32, #tpu.memory_space<vmem>>
    %dma_wait3A_86 = arith.constant 8192 : i32
    %dma_wait3A_87 = tpu.memref_slice %arg2[%mul3A_13, %dma_wait3A_86] : memref<64x32768xf32, #tpu.memory_space<hbm>> -> memref<1x8192xf32, #tpu.memory_space<hbm>>
    %dma_wait3A_88 = tpu.memref_squeeze %dma_wait3A_87 : memref<1x8192xf32, #tpu.memory_space<hbm>> -> memref<8192xf32, #tpu.memory_space<hbm>>
    tpu.wait_dma2 semaphore(%arg9 : memref<!tpu.dma_semaphore, #tpu.memory_space<semaphore_mem>>) src(%dma_wait3A_88 : memref<8192xf32, #tpu.memory_space<hbm>>) dst(%dma_wait3A_85 : memref<8192xf32, #tpu.memory_space<vmem>>)
    %mul3A_89 = arith.constant 2 : i32
    %mul3A_90 = arith.muli %add3A, %mul3A_89 : i32
    %add3A_91 = arith.constant 1 : i32
    %add3A_92 = arith.addi %mul3A_90, %add3A_91 : i32
    %dma_start3A_93 = arith.constant 8192 : i32
    %dma_start3A_94 = tpu.memref_slice %arg5[%dma_start3A_93] : memref<32768xf32, #tpu.memory_space<vmem>> -> memref<8192xf32, #tpu.memory_space<vmem>>
    %dma_start3A_95 = arith.constant 8192 : i32
    %dma_start3A_96 = tpu.memref_slice %arg2[%add3A_92, %dma_start3A_95] : memref<64x32768xf32, #tpu.memory_space<hbm>> -> memref<1x8192xf32, #tpu.memory_space<hbm>>
    %dma_start3A_97 = tpu.memref_squeeze %dma_start3A_96 : memref<1x8192xf32, #tpu.memory_space<hbm>> -> memref<8192xf32, #tpu.memory_space<hbm>>
    %dma_start3A_98 = arith.constant 8192 : i32
    %dma_start3A_99 = tpu.memref_slice %arg5[%dma_start3A_98] : memref<32768xf32, #tpu.memory_space<vmem>> -> memref<8192xf32, #tpu.memory_space<vmem>>
    %dma_start3A_100 = arith.constant 8192 : i32
    %dma_start3A_101 = tpu.memref_slice %arg2[%add3A_92, %dma_start3A_100] : memref<64x32768xf32, #tpu.memory_space<hbm>> -> memref<1x8192xf32, #tpu.memory_space<hbm>>
    %dma_start3A_102 = tpu.memref_squeeze %dma_start3A_101 : memref<1x8192xf32, #tpu.memory_space<hbm>> -> memref<8192xf32, #tpu.memory_space<hbm>>
    tpu.enqueue_dma source(%dma_start3A_102 : memref<8192xf32, #tpu.memory_space<hbm>>) target(%dma_start3A_99 : memref<8192xf32, #tpu.memory_space<vmem>>) target_semaphore(%arg9 : memref<!tpu.dma_semaphore, #tpu.memory_space<semaphore_mem>>)
    %parallel_loop3A_103 = arith.constant 512 : i32
    %parallel_loop3A_104 = arith.constant 1024 : i32
    %parallel_loop3A_105 = arith.constant 1 : i32
    %parallel_loop3A_106 = scf.for %parallel_loop3A_287 = %parallel_loop3A_103 to %parallel_loop3A_104 step %parallel_loop3A_105 iter_args(%parallel_loop3A_288 = %parallel_loop3A_78) -> (vector<16xi32>)  : i32 {
      %parallel_loop3A_289 = arith.constant 16 : i32
      %parallel_loop3A_290 = arith.muli %parallel_loop3A_287, %parallel_loop3A_289 : i32
      %parallel_loop3A_291 = arith.index_cast %parallel_loop3A_290 : i32 to index
      %parallel_loop3A_292 = tpu.vector_load %arg4[%parallel_loop3A_291] {strides = array<i32>} : memref<32768xf32, #tpu.memory_space<vmem>>, vector<16xf32>,
      %parallel_loop3A_293 = arith.constant -2.200000e+00 : f32
      %parallel_loop3A_294 = vector.broadcast %parallel_loop3A_293 : f32 to vector<16xf32>
      %parallel_loop3A_295 = arith.cmpf olt, %parallel_loop3A_292, %parallel_loop3A_294 : vector<16xf32>
      %parallel_loop3A_296 = tpu.bitcast %parallel_loop3A_292 : vector<16xf32> -> vector<16xi32>
      %parallel_loop3A_297 = arith.ori %parallel_loop3A_288, %iota3A : vector<16xi32>
      tpu.vector_store_idx %arg6[%parallel_loop3A_297], %parallel_loop3A_296 masked %parallel_loop3A_295 : memref<32832xi32, #tpu.memory_space<vmem>>[vector<16xi32>], vector<16xi32>, vector<16xi1>
      %parallel_loop3A_298 = arith.extui %parallel_loop3A_295 : vector<16xi1> to vector<16xi32>
      %parallel_loop3A_299 = arith.constant 4 : i32
      %parallel_loop3A_300 = vector.broadcast %parallel_loop3A_299 : i32 to vector<16xi32>
      %parallel_loop3A_301 = arith.shli %parallel_loop3A_298, %parallel_loop3A_300 : vector<16xi32>
      %parallel_loop3A_302 = arith.addi %parallel_loop3A_288, %parallel_loop3A_301 : vector<16xi32>
      scf.yield %parallel_loop3A_302 : vector<16xi32>
    } {sc.loop_unroll_factor = 8 : i64, sc.parallel_access}
    %dma_wait3A_107 = arith.constant 16384 : i32
    %dma_wait3A_108 = tpu.memref_slice %arg4[%dma_wait3A_107] : memref<32768xf32, #tpu.memory_space<vmem>> -> memref<8192xf32, #tpu.memory_space<vmem>>
    %dma_wait3A_109 = arith.constant 16384 : i32
    %dma_wait3A_110 = tpu.memref_slice %arg2[%mul3A_25, %dma_wait3A_109] : memref<64x32768xf32, #tpu.memory_space<hbm>> -> memref<1x8192xf32, #tpu.memory_space<hbm>>
    %dma_wait3A_111 = tpu.memref_squeeze %dma_wait3A_110 : memref<1x8192xf32, #tpu.memory_space<hbm>> -> memref<8192xf32, #tpu.memory_space<hbm>>
    %dma_wait3A_112 = arith.constant 16384 : i32
    %dma_wait3A_113 = tpu.memref_slice %arg4[%dma_wait3A_112] : memref<32768xf32, #tpu.memory_space<vmem>> -> memref<8192xf32, #tpu.memory_space<vmem>>
    %dma_wait3A_114 = arith.constant 16384 : i32
    %dma_wait3A_115 = tpu.memref_slice %arg2[%mul3A_25, %dma_wait3A_114] : memref<64x32768xf32, #tpu.memory_space<hbm>> -> memref<1x8192xf32, #tpu.memory_space<hbm>>
    %dma_wait3A_116 = tpu.memref_squeeze %dma_wait3A_115 : memref<1x8192xf32, #tpu.memory_space<hbm>> -> memref<8192xf32, #tpu.memory_space<hbm>>
    tpu.wait_dma2 semaphore(%arg10 : memref<!tpu.dma_semaphore, #tpu.memory_space<semaphore_mem>>) src(%dma_wait3A_116 : memref<8192xf32, #tpu.memory_space<hbm>>) dst(%dma_wait3A_113 : memref<8192xf32, #tpu.memory_space<vmem>>)
    %mul3A_117 = arith.constant 2 : i32
    %mul3A_118 = arith.muli %add3A, %mul3A_117 : i32
    %add3A_119 = arith.constant 1 : i32
    %add3A_120 = arith.addi %mul3A_118, %add3A_119 : i32
    %dma_start3A_121 = arith.constant 16384 : i32
    %dma_start3A_122 = tpu.memref_slice %arg5[%dma_start3A_121] : memref<32768xf32, #tpu.memory_space<vmem>> -> memref<8192xf32, #tpu.memory_space<vmem>>
    %dma_start3A_123 = arith.constant 16384 : i32
    %dma_start3A_124 = tpu.memref_slice %arg2[%add3A_120, %dma_start3A_123] : memref<64x32768xf32, #tpu.memory_space<hbm>> -> memref<1x8192xf32, #tpu.memory_space<hbm>>
    %dma_start3A_125 = tpu.memref_squeeze %dma_start3A_124 : memref<1x8192xf32, #tpu.memory_space<hbm>> -> memref<8192xf32, #tpu.memory_space<hbm>>
    %dma_start3A_126 = arith.constant 16384 : i32
    %dma_start3A_127 = tpu.memref_slice %arg5[%dma_start3A_126] : memref<32768xf32, #tpu.memory_space<vmem>> -> memref<8192xf32, #tpu.memory_space<vmem>>
    %dma_start3A_128 = arith.constant 16384 : i32
    %dma_start3A_129 = tpu.memref_slice %arg2[%add3A_120, %dma_start3A_128] : memref<64x32768xf32, #tpu.memory_space<hbm>> -> memref<1x8192xf32, #tpu.memory_space<hbm>>
    %dma_start3A_130 = tpu.memref_squeeze %dma_start3A_129 : memref<1x8192xf32, #tpu.memory_space<hbm>> -> memref<8192xf32, #tpu.memory_space<hbm>>
    tpu.enqueue_dma source(%dma_start3A_130 : memref<8192xf32, #tpu.memory_space<hbm>>) target(%dma_start3A_127 : memref<8192xf32, #tpu.memory_space<vmem>>) target_semaphore(%arg10 : memref<!tpu.dma_semaphore, #tpu.memory_space<semaphore_mem>>)
    %parallel_loop3A_131 = arith.constant 1024 : i32
    %parallel_loop3A_132 = arith.constant 1536 : i32
    %parallel_loop3A_133 = arith.constant 1 : i32
    %parallel_loop3A_134 = scf.for %parallel_loop3A_287 = %parallel_loop3A_131 to %parallel_loop3A_132 step %parallel_loop3A_133 iter_args(%parallel_loop3A_288 = %parallel_loop3A_106) -> (vector<16xi32>)  : i32 {
      %parallel_loop3A_289 = arith.constant 16 : i32
      %parallel_loop3A_290 = arith.muli %parallel_loop3A_287, %parallel_loop3A_289 : i32
      %parallel_loop3A_291 = arith.index_cast %parallel_loop3A_290 : i32 to index
      %parallel_loop3A_292 = tpu.vector_load %arg4[%parallel_loop3A_291] {strides = array<i32>} : memref<32768xf32, #tpu.memory_space<vmem>>, vector<16xf32>,
      %parallel_loop3A_293 = arith.constant -2.200000e+00 : f32
      %parallel_loop3A_294 = vector.broadcast %parallel_loop3A_293 : f32 to vector<16xf32>
      %parallel_loop3A_295 = arith.cmpf olt, %parallel_loop3A_292, %parallel_loop3A_294 : vector<16xf32>
      %parallel_loop3A_296 = tpu.bitcast %parallel_loop3A_292 : vector<16xf32> -> vector<16xi32>
      %parallel_loop3A_297 = arith.ori %parallel_loop3A_288, %iota3A : vector<16xi32>
      tpu.vector_store_idx %arg6[%parallel_loop3A_297], %parallel_loop3A_296 masked %parallel_loop3A_295 : memref<32832xi32, #tpu.memory_space<vmem>>[vector<16xi32>], vector<16xi32>, vector<16xi1>
      %parallel_loop3A_298 = arith.extui %parallel_loop3A_295 : vector<16xi1> to vector<16xi32>
      %parallel_loop3A_299 = arith.constant 4 : i32
      %parallel_loop3A_300 = vector.broadcast %parallel_loop3A_299 : i32 to vector<16xi32>
      %parallel_loop3A_301 = arith.shli %parallel_loop3A_298, %parallel_loop3A_300 : vector<16xi32>
      %parallel_loop3A_302 = arith.addi %parallel_loop3A_288, %parallel_loop3A_301 : vector<16xi32>
      scf.yield %parallel_loop3A_302 : vector<16xi32>
    } {sc.loop_unroll_factor = 8 : i64, sc.parallel_access}
    %dma_wait3A_135 = arith.constant 24576 : i32
    %dma_wait3A_136 = tpu.memref_slice %arg4[%dma_wait3A_135] : memref<32768xf32, #tpu.memory_space<vmem>> -> memref<8192xf32, #tpu.memory_space<vmem>>
    %dma_wait3A_137 = arith.constant 24576 : i32
    %dma_wait3A_138 = tpu.memref_slice %arg2[%mul3A_37, %dma_wait3A_137] : memref<64x32768xf32, #tpu.memory_space<hbm>> -> memref<1x8192xf32, #tpu.memory_space<hbm>>
    %dma_wait3A_139 = tpu.memref_squeeze %dma_wait3A_138 : memref<1x8192xf32, #tpu.memory_space<hbm>> -> memref<8192xf32, #tpu.memory_space<hbm>>
    %dma_wait3A_140 = arith.constant 24576 : i32
    %dma_wait3A_141 = tpu.memref_slice %arg4[%dma_wait3A_140] : memref<32768xf32, #tpu.memory_space<vmem>> -> memref<8192xf32, #tpu.memory_space<vmem>>
    %dma_wait3A_142 = arith.constant 24576 : i32
    %dma_wait3A_143 = tpu.memref_slice %arg2[%mul3A_37, %dma_wait3A_142] : memref<64x32768xf32, #tpu.memory_space<hbm>> -> memref<1x8192xf32, #tpu.memory_space<hbm>>
    %dma_wait3A_144 = tpu.memref_squeeze %dma_wait3A_143 : memref<1x8192xf32, #tpu.memory_space<hbm>> -> memref<8192xf32, #tpu.memory_space<hbm>>
    tpu.wait_dma2 semaphore(%arg11 : memref<!tpu.dma_semaphore, #tpu.memory_space<semaphore_mem>>) src(%dma_wait3A_144 : memref<8192xf32, #tpu.memory_space<hbm>>) dst(%dma_wait3A_141 : memref<8192xf32, #tpu.memory_space<vmem>>)
    %mul3A_145 = arith.constant 2 : i32
    %mul3A_146 = arith.muli %add3A, %mul3A_145 : i32
    %add3A_147 = arith.constant 1 : i32
    %add3A_148 = arith.addi %mul3A_146, %add3A_147 : i32
    %dma_start3A_149 = arith.constant 24576 : i32
    %dma_start3A_150 = tpu.memref_slice %arg5[%dma_start3A_149] : memref<32768xf32, #tpu.memory_space<vmem>> -> memref<8192xf32, #tpu.memory_space<vmem>>
    %dma_start3A_151 = arith.constant 24576 : i32
    %dma_start3A_152 = tpu.memref_slice %arg2[%add3A_148, %dma_start3A_151] : memref<64x32768xf32, #tpu.memory_space<hbm>> -> memref<1x8192xf32, #tpu.memory_space<hbm>>
    %dma_start3A_153 = tpu.memref_squeeze %dma_start3A_152 : memref<1x8192xf32, #tpu.memory_space<hbm>> -> memref<8192xf32, #tpu.memory_space<hbm>>
    %dma_start3A_154 = arith.constant 24576 : i32
    %dma_start3A_155 = tpu.memref_slice %arg5[%dma_start3A_154] : memref<32768xf32, #tpu.memory_space<vmem>> -> memref<8192xf32, #tpu.memory_space<vmem>>
    %dma_start3A_156 = arith.constant 24576 : i32
    %dma_start3A_157 = tpu.memref_slice %arg2[%add3A_148, %dma_start3A_156] : memref<64x32768xf32, #tpu.memory_space<hbm>> -> memref<1x8192xf32, #tpu.memory_space<hbm>>
    %dma_start3A_158 = tpu.memref_squeeze %dma_start3A_157 : memref<1x8192xf32, #tpu.memory_space<hbm>> -> memref<8192xf32, #tpu.memory_space<hbm>>
    tpu.enqueue_dma source(%dma_start3A_158 : memref<8192xf32, #tpu.memory_space<hbm>>) target(%dma_start3A_155 : memref<8192xf32, #tpu.memory_space<vmem>>) target_semaphore(%arg11 : memref<!tpu.dma_semaphore, #tpu.memory_space<semaphore_mem>>)
    %parallel_loop3A_159 = arith.constant 1536 : i32
    %parallel_loop3A_160 = arith.constant 2048 : i32
    %parallel_loop3A_161 = arith.constant 1 : i32
    %parallel_loop3A_162 = scf.for %parallel_loop3A_287 = %parallel_loop3A_159 to %parallel_loop3A_160 step %parallel_loop3A_161 iter_args(%parallel_loop3A_288 = %parallel_loop3A_134) -> (vector<16xi32>)  : i32 {
      %parallel_loop3A_289 = arith.constant 16 : i32
      %parallel_loop3A_290 = arith.muli %parallel_loop3A_287, %parallel_loop3A_289 : i32
      %parallel_loop3A_291 = arith.index_cast %parallel_loop3A_290 : i32 to index
      %parallel_loop3A_292 = tpu.vector_load %arg4[%parallel_loop3A_291] {strides = array<i32>} : memref<32768xf32, #tpu.memory_space<vmem>>, vector<16xf32>,
      %parallel_loop3A_293 = arith.constant -2.200000e+00 : f32
      %parallel_loop3A_294 = vector.broadcast %parallel_loop3A_293 : f32 to vector<16xf32>
      %parallel_loop3A_295 = arith.cmpf olt, %parallel_loop3A_292, %parallel_loop3A_294 : vector<16xf32>
      %parallel_loop3A_296 = tpu.bitcast %parallel_loop3A_292 : vector<16xf32> -> vector<16xi32>
      %parallel_loop3A_297 = arith.ori %parallel_loop3A_288, %iota3A : vector<16xi32>
      tpu.vector_store_idx %arg6[%parallel_loop3A_297], %parallel_loop3A_296 masked %parallel_loop3A_295 : memref<32832xi32, #tpu.memory_space<vmem>>[vector<16xi32>], vector<16xi32>, vector<16xi1>
      %parallel_loop3A_298 = arith.extui %parallel_loop3A_295 : vector<16xi1> to vector<16xi32>
      %parallel_loop3A_299 = arith.constant 4 : i32
      %parallel_loop3A_300 = vector.broadcast %parallel_loop3A_299 : i32 to vector<16xi32>
      %parallel_loop3A_301 = arith.shli %parallel_loop3A_298, %parallel_loop3A_300 : vector<16xi32>
      %parallel_loop3A_302 = arith.addi %parallel_loop3A_288, %parallel_loop3A_301 : vector<16xi32>
      scf.yield %parallel_loop3A_302 : vector<16xi32>
    } {sc.loop_unroll_factor = 8 : i64, sc.parallel_access}
    %shift_right_arithmetic3A = arith.constant 4 : i32
    %shift_right_arithmetic3A_163 = vector.broadcast %shift_right_arithmetic3A : i32 to vector<16xi32>
    %shift_right_arithmetic3A_164 = arith.shrsi %parallel_loop3A_162, %shift_right_arithmetic3A_163 : vector<16xi32>
    %reduce_sum3A = arith.constant true
    %reduce_sum3A_165 = vector.broadcast %reduce_sum3A : i1 to vector<16xi1>
    %reduce_sum3A_166 = tpu.scan <sum>, %shift_right_arithmetic3A_164 masked %reduce_sum3A_165 : vector<16xi32>, vector<16xi1> -> vector<16xi32>
    %reduce_sum3A_167 = vector.extract %reduce_sum3A_166[15] : i32 from vector<16xi32>
    %reduce_max3A = arith.constant true
    %reduce_max3A_168 = vector.broadcast %reduce_max3A : i1 to vector<16xi1>
    %reduce_max3A_169 = arith.constant -2147483648 : i32
    %reduce_max3A_170 = vector.broadcast %reduce_max3A_169 : i32 to vector<16xi32>
    %reduce_max3A_171 = arith.xori %shift_right_arithmetic3A_164, %reduce_max3A_170 : vector<16xi32>
    %reduce_max3A_172 = tpu.scan <max>, %reduce_max3A_171 masked %reduce_max3A_168 : vector<16xi32>, vector<16xi1> -> vector<16xi32>
    %reduce_max3A_173 = arith.xori %reduce_max3A_172, %reduce_max3A_170 : vector<16xi32>
    %reduce_max3A_174 = vector.extract %reduce_max3A_173[15] : i32 from vector<16xi32>
    %ge3A = arith.constant 256 : i32
    %ge3A_175 = arith.cmpi sge, %reduce_sum3A_167, %ge3A : i32
    %convert_element_type3A = arith.extui %ge3A_175 : i1 to i32
    %cond3A = arith.constant 0 : i32
    %cond3A_176 = arith.constant 0 : i32
    %cond3A_177 = arith.cmpi ne, %convert_element_type3A, %cond3A_176 : i32
    %cond3A_178:2 = scf.if %cond3A_177 -> (i32, i32) {
      %add3A_287 = arith.constant 4 : i32
      %add3A_288 = arith.addi %reduce_max3A_174, %add3A_287 : i32
      %sub3A = arith.constant 1 : i32
      %sub3A_289 = arith.subi %add3A_288, %sub3A : i32
      %jit3A_290 = arith.constant 4 : i32
      %div3A = arith.divsi %sub3A_289, %jit3A_290 : i32
      %sign3A = arith.constant 0 : i32
      %sign3A_291 = arith.cmpi sgt, %sub3A_289, %sign3A : i32
      %sign3A_292 = arith.extui %sign3A_291 : i1 to i32
      %sign3A_293 = arith.constant 0 : i32
      %sign3A_294 = arith.cmpi slt, %sub3A_289, %sign3A_293 : i32
      %sign3A_295 = arith.extui %sign3A_294 : i1 to i32
      %sign3A_296 = arith.subi %sign3A_292, %sign3A_295 : i32
      %sign3A_297 = arith.constant 0 : i32
      %sign3A_298 = arith.cmpi sgt, %jit3A_290, %sign3A_297 : i32
      %sign3A_299 = arith.extui %sign3A_298 : i1 to i32
      %sign3A_300 = arith.constant 0 : i32
      %sign3A_301 = arith.cmpi slt, %jit3A_290, %sign3A_300 : i32
      %sign3A_302 = arith.extui %sign3A_301 : i1 to i32
      %sign3A_303 = arith.subi %sign3A_299, %sign3A_302 : i32
      %ne3A = arith.cmpi ne, %sign3A_296, %sign3A_303 : i32
      %rem3A = arith.remsi %sub3A_289, %jit3A_290 : i32
      %ne3A_304 = arith.constant 0 : i32
      %ne3A_305 = arith.cmpi ne, %rem3A, %ne3A_304 : i32
      %and3A = arith.andi %ne3A, %ne3A_305 : i1
      %sub3A_306 = arith.constant 1 : i32
      %sub3A_307 = arith.subi %div3A, %sub3A_306 : i32
      %select_n3A_308 = arith.select %and3A, %sub3A_307, %div3A : i32
      %scan3A = arith.constant 1073741824 : i32
      %scan3A_309 = arith.constant 0 : i32
      %scan3A_310 = arith.constant 30 : i32
      %scan3A_311 = arith.addi %scan3A_309, %scan3A_310 : i32
      %scan3A_312 = arith.constant 1 : i32
      %scan3A_313 = scf.for %scan3A_345 = %scan3A_309 to %scan3A_311 step %scan3A_312 iter_args(%scan3A_346 = %scan3A) -> (i32)  : i32 {
        %sub3A_347 = arith.constant 29 : i32
        %sub3A_348 = arith.subi %sub3A_347, %scan3A_345 : i32
        %shift_left3A = arith.constant 1 : i32
        %shift_left3A_349 = arith.shli %shift_left3A, %sub3A_348 : i32
        %or3A = arith.ori %scan3A_346, %shift_left3A_349 : i32
        %xor3A_350 = arith.constant -2147483648 : i32
        %xor3A_351 = arith.xori %or3A, %xor3A_350 : i32
        %broadcast_in_dim3A_352 = arith.constant 0 : i32
        %broadcast_in_dim3A_353 = vector.broadcast %broadcast_in_dim3A_352 : i32 to vector<16xi32>
        %mul3A_354 = arith.constant 4 : i32
        %mul3A_355 = arith.muli %select_n3A_308, %mul3A_354 : i32
        %parallel_loop3A_356 = arith.constant 0 : i32
        %parallel_loop3A_357 = arith.constant 1 : i32
        %parallel_loop3A_358 = scf.for %parallel_loop3A_367 = %parallel_loop3A_356 to %mul3A_355 step %parallel_loop3A_357 iter_args(%parallel_loop3A_368 = %broadcast_in_dim3A_353) -> (vector<16xi32>)  : i32 {
          %parallel_loop3A_369 = arith.constant 16 : i32
          %parallel_loop3A_370 = arith.muli %parallel_loop3A_367, %parallel_loop3A_369 : i32
          %parallel_loop3A_371 = arith.index_cast %parallel_loop3A_370 : i32 to index
          %parallel_loop3A_372 = tpu.vector_load %arg6[%parallel_loop3A_371] {strides = array<i32>} : memref<32832xi32, #tpu.memory_space<vmem>>, vector<16xi32>,
          %parallel_loop3A_373 = vector.broadcast %xor3A_351 : i32 to vector<16xi32>
          %parallel_loop3A_374 = arith.cmpi slt, %parallel_loop3A_372, %parallel_loop3A_373 : vector<16xi32>
          %parallel_loop3A_375 = vector.broadcast %parallel_loop3A_367 : i32 to vector<16xi32>
          %parallel_loop3A_376 = arith.cmpi slt, %parallel_loop3A_375, %shift_right_arithmetic3A_164 : vector<16xi32>
          %parallel_loop3A_377 = arith.andi %parallel_loop3A_374, %parallel_loop3A_376 : vector<16xi1>
          %parallel_loop3A_378 = arith.extui %parallel_loop3A_377 : vector<16xi1> to vector<16xi32>
          %parallel_loop3A_379 = arith.addi %parallel_loop3A_368, %parallel_loop3A_378 : vector<16xi32>
          scf.yield %parallel_loop3A_379 : vector<16xi32>
        } {sc.loop_unroll_factor = 4 : i64, sc.parallel_access}
        %reduce_sum3A_359 = arith.constant true
        %reduce_sum3A_360 = vector.broadcast %reduce_sum3A_359 : i1 to vector<16xi1>
        %reduce_sum3A_361 = tpu.scan <sum>, %parallel_loop3A_358 masked %reduce_sum3A_360 : vector<16xi32>, vector<16xi1> -> vector<16xi32>
        %reduce_sum3A_362 = vector.extract %reduce_sum3A_361[15] : i32 from vector<16xi32>
        %sub3A_363 = arith.constant 255 : i32
        %sub3A_364 = arith.subi %reduce_sum3A_167, %sub3A_363 : i32
        %ge3A_365 = arith.cmpi sge, %reduce_sum3A_362, %sub3A_364 : i32
        %select_n3A_366 = arith.select %ge3A_365, %scan3A_346, %or3A : i32
        scf.yield %select_n3A_366 : i32
      }
      %scan3A_314 = arith.constant 30 : i32
      %xor3A = arith.constant -2147483648 : i32
      %xor3A_315 = arith.xori %scan3A_313, %xor3A : i32
      %broadcast_in_dim3A_316 = arith.constant 0 : i32
      %broadcast_in_dim3A_317 = vector.broadcast %broadcast_in_dim3A_316 : i32 to vector<16xi32>
      %mul3A_318 = arith.constant 4 : i32
      %mul3A_319 = arith.muli %select_n3A_308, %mul3A_318 : i32
      %parallel_loop3A_320 = arith.constant 0 : i32
      %parallel_loop3A_321 = arith.constant 1 : i32
      %parallel_loop3A_322 = scf.for %parallel_loop3A_345 = %parallel_loop3A_320 to %mul3A_319 step %parallel_loop3A_321 iter_args(%parallel_loop3A_346 = %broadcast_in_dim3A_317) -> (vector<16xi32>)  : i32 {
        %parallel_loop3A_347 = arith.constant 16 : i32
        %parallel_loop3A_348 = arith.muli %parallel_loop3A_345, %parallel_loop3A_347 : i32
        %parallel_loop3A_349 = arith.index_cast %parallel_loop3A_348 : i32 to index
        %parallel_loop3A_350 = tpu.vector_load %arg6[%parallel_loop3A_349] {strides = array<i32>} : memref<32832xi32, #tpu.memory_space<vmem>>, vector<16xi32>,
        %parallel_loop3A_351 = vector.broadcast %xor3A_315 : i32 to vector<16xi32>
        %parallel_loop3A_352 = arith.cmpi sgt, %parallel_loop3A_350, %parallel_loop3A_351 : vector<16xi32>
        %parallel_loop3A_353 = vector.broadcast %parallel_loop3A_345 : i32 to vector<16xi32>
        %parallel_loop3A_354 = arith.cmpi slt, %parallel_loop3A_353, %shift_right_arithmetic3A_164 : vector<16xi32>
        %parallel_loop3A_355 = arith.andi %parallel_loop3A_352, %parallel_loop3A_354 : vector<16xi1>
        %parallel_loop3A_356 = arith.extui %parallel_loop3A_355 : vector<16xi1> to vector<16xi32>
        %parallel_loop3A_357 = arith.addi %parallel_loop3A_346, %parallel_loop3A_356 : vector<16xi32>
        scf.yield %parallel_loop3A_357 : vector<16xi32>
      } {sc.loop_unroll_factor = 4 : i64, sc.parallel_access}
      %reduce_sum3A_323 = arith.constant true
      %reduce_sum3A_324 = vector.broadcast %reduce_sum3A_323 : i1 to vector<16xi1>
      %reduce_sum3A_325 = tpu.scan <sum>, %parallel_loop3A_322 masked %reduce_sum3A_324 : vector<16xi32>, vector<16xi1> -> vector<16xi32>
      %reduce_sum3A_326 = vector.extract %reduce_sum3A_325[15] : i32 from vector<16xi32>
      %broadcast_in_dim3A_327 = arith.constant 0 : i32
      %broadcast_in_dim3A_328 = vector.broadcast %broadcast_in_dim3A_327 : i32 to vector<16xi32>
      %mul3A_329 = arith.constant 4 : i32
      %mul3A_330 = arith.muli %select_n3A_308, %mul3A_329 : i32
      %parallel_loop3A_331 = arith.constant 0 : i32
      %parallel_loop3A_332 = arith.constant 1 : i32
      %parallel_loop3A_333 = scf.for %parallel_loop3A_345 = %parallel_loop3A_331 to %mul3A_330 step %parallel_loop3A_332 iter_args(%parallel_loop3A_346 = %broadcast_in_dim3A_328) -> (vector<16xi32>)  : i32 {
        %parallel_loop3A_347 = arith.constant 16 : i32
        %parallel_loop3A_348 = arith.muli %parallel_loop3A_345, %parallel_loop3A_347 : i32
        %parallel_loop3A_349 = arith.index_cast %parallel_loop3A_348 : i32 to index
        %parallel_loop3A_350 = tpu.vector_load %arg6[%parallel_loop3A_349] {strides = array<i32>} : memref<32832xi32, #tpu.memory_space<vmem>>, vector<16xi32>,
        %parallel_loop3A_351 = vector.broadcast %xor3A_315 : i32 to vector<16xi32>
        %parallel_loop3A_352 = arith.cmpi eq, %parallel_loop3A_350, %parallel_loop3A_351 : vector<16xi32>
        %parallel_loop3A_353 = vector.broadcast %parallel_loop3A_345 : i32 to vector<16xi32>
        %parallel_loop3A_354 = arith.cmpi slt, %parallel_loop3A_353, %shift_right_arithmetic3A_164 : vector<16xi32>
        %parallel_loop3A_355 = arith.andi %parallel_loop3A_352, %parallel_loop3A_354 : vector<16xi1>
        %parallel_loop3A_356 = arith.extui %parallel_loop3A_355 : vector<16xi1> to vector<16xi32>
        %parallel_loop3A_357 = arith.addi %parallel_loop3A_346, %parallel_loop3A_356 : vector<16xi32>
        scf.yield %parallel_loop3A_357 : vector<16xi32>
      } {sc.loop_unroll_factor = 4 : i64, sc.parallel_access}
      %reduce_sum3A_334 = arith.constant true
      %reduce_sum3A_335 = vector.broadcast %reduce_sum3A_334 : i1 to vector<16xi1>
      %reduce_sum3A_336 = tpu.scan <sum>, %parallel_loop3A_333 masked %reduce_sum3A_335 : vector<16xi32>, vector<16xi1> -> vector<16xi32>
      %reduce_sum3A_337 = vector.extract %reduce_sum3A_336[15] : i32 from vector<16xi32>
      %bitcast_convert_type3A = arith.bitcast %xor3A_315 : i32 to f32
      %sub3A_338 = arith.constant 256 : i32
      %sub3A_339 = arith.subi %sub3A_338, %reduce_sum3A_326 : i32
      %eq3A_340 = arith.cmpi eq, %reduce_sum3A_337, %sub3A_339 : i32
      %convert_element_type3A_341 = arith.extui %eq3A_340 : i1 to i32
      %cond3A_342 = arith.constant 0 : i32
      %cond3A_343 = arith.cmpi ne, %convert_element_type3A_341, %cond3A_342 : i32
      %cond3A_344 = scf.if %cond3A_343 -> (i32) {
        %cond3A_345 = arith.constant 32767 : i32
        scf.yield %cond3A_345 : i32
      } else {
        %scan3A_345 = arith.constant 0 : i32
        %scan3A_346 = arith.constant 0 : i32
        %scan3A_347 = arith.constant 15 : i32
        %scan3A_348 = arith.addi %scan3A_346, %scan3A_347 : i32
        %scan3A_349 = arith.constant 1 : i32
        %scan3A_350 = scf.for %scan3A_352 = %scan3A_346 to %scan3A_348 step %scan3A_349 iter_args(%scan3A_353 = %scan3A_345) -> (i32)  : i32 {
          %sub3A_354 = arith.constant 14 : i32
          %sub3A_355 = arith.subi %sub3A_354, %scan3A_352 : i32
          %shift_left3A = arith.constant 1 : i32
          %shift_left3A_356 = arith.shli %shift_left3A, %sub3A_355 : i32
          %or3A = arith.ori %scan3A_353, %shift_left3A_356 : i32
          %broadcast_in_dim3A_357 = arith.constant 0 : i32
          %broadcast_in_dim3A_358 = vector.broadcast %broadcast_in_dim3A_357 : i32 to vector<16xi32>
          %parallel_loop3A_359 = arith.constant 0 : i32
          %parallel_loop3A_360 = arith.constant 2048 : i32
          %parallel_loop3A_361 = arith.constant 1 : i32
          %parallel_loop3A_362 = scf.for %parallel_loop3A_369 = %parallel_loop3A_359 to %parallel_loop3A_360 step %parallel_loop3A_361 iter_args(%parallel_loop3A_370 = %broadcast_in_dim3A_358) -> (vector<16xi32>)  : i32 {
            %parallel_loop3A_371 = arith.constant 16 : i32
            %parallel_loop3A_372 = arith.muli %parallel_loop3A_369, %parallel_loop3A_371 : i32
            %parallel_loop3A_373 = arith.index_cast %parallel_loop3A_372 : i32 to index
            %parallel_loop3A_374 = tpu.vector_load %arg4[%parallel_loop3A_373] {strides = array<i32>} : memref<32768xf32, #tpu.memory_space<vmem>>, vector<16xf32>,
            %parallel_loop3A_375 = vector.broadcast %bitcast_convert_type3A : f32 to vector<16xf32>
            %parallel_loop3A_376 = arith.cmpf oeq, %parallel_loop3A_374, %parallel_loop3A_375 : vector<16xf32>
            %parallel_loop3A_377 = arith.constant 16 : i32
            %parallel_loop3A_378 = arith.muli %parallel_loop3A_369, %parallel_loop3A_377 : i32
            %parallel_loop3A_379 = vector.broadcast %parallel_loop3A_378 : i32 to vector<16xi32>
            %parallel_loop3A_380 = arith.addi %iota3A, %parallel_loop3A_379 : vector<16xi32>
            %parallel_loop3A_381 = vector.broadcast %or3A : i32 to vector<16xi32>
            %parallel_loop3A_382 = arith.cmpi slt, %parallel_loop3A_380, %parallel_loop3A_381 : vector<16xi32>
            %parallel_loop3A_383 = arith.andi %parallel_loop3A_376, %parallel_loop3A_382 : vector<16xi1>
            %parallel_loop3A_384 = arith.extui %parallel_loop3A_383 : vector<16xi1> to vector<16xi32>
            %parallel_loop3A_385 = arith.addi %parallel_loop3A_370, %parallel_loop3A_384 : vector<16xi32>
            scf.yield %parallel_loop3A_385 : vector<16xi32>
          } {sc.loop_unroll_factor = 4 : i64, sc.parallel_access}
          %reduce_sum3A_363 = arith.constant true
          %reduce_sum3A_364 = vector.broadcast %reduce_sum3A_363 : i1 to vector<16xi1>
          %reduce_sum3A_365 = tpu.scan <sum>, %parallel_loop3A_362 masked %reduce_sum3A_364 : vector<16xi32>, vector<16xi1> -> vector<16xi32>
          %reduce_sum3A_366 = vector.extract %reduce_sum3A_365[15] : i32 from vector<16xi32>
          %ge3A_367 = arith.cmpi sge, %reduce_sum3A_366, %sub3A_339 : i32
          %select_n3A_368 = arith.select %ge3A_367, %scan3A_353, %or3A : i32
          scf.yield %select_n3A_368 : i32
        }
        %scan3A_351 = arith.constant 15 : i32
        scf.yield %scan3A_350 : i32
      }
      scf.yield %xor3A_315, %cond3A_344 : i32, i32
    } else {
      %scan3A = arith.constant 0 : i32
      %scan3A_287 = arith.constant 0 : i32
      %scan3A_288 = arith.constant 32 : i32
      %scan3A_289 = arith.addi %scan3A_287, %scan3A_288 : i32
      %scan3A_290 = arith.constant 1 : i32
      %scan3A_291 = scf.for %scan3A_324 = %scan3A_287 to %scan3A_289 step %scan3A_290 iter_args(%scan3A_325 = %scan3A) -> (i32)  : i32 {
        %sub3A_326 = arith.constant 31 : i32
        %sub3A_327 = arith.subi %sub3A_326, %scan3A_324 : i32
        %shift_left3A = arith.constant 1 : i32
        %shift_left3A_328 = arith.shli %shift_left3A, %sub3A_327 : i32
        %or3A = arith.ori %scan3A_325, %shift_left3A_328 : i32
        %xor3A_329 = arith.constant -2147483648 : i32
        %xor3A_330 = arith.xori %or3A, %xor3A_329 : i32
        %broadcast_in_dim3A_331 = arith.constant 0 : i32
        %broadcast_in_dim3A_332 = vector.broadcast %broadcast_in_dim3A_331 : i32 to vector<16xi32>
        %parallel_loop3A_333 = arith.constant 0 : i32
        %parallel_loop3A_334 = arith.constant 2048 : i32
        %parallel_loop3A_335 = arith.constant 1 : i32
        %parallel_loop3A_336 = scf.for %parallel_loop3A_344 = %parallel_loop3A_333 to %parallel_loop3A_334 step %parallel_loop3A_335 iter_args(%parallel_loop3A_345 = %broadcast_in_dim3A_332) -> (vector<16xi32>)  : i32 {
          %parallel_loop3A_346 = arith.constant 16 : i32
          %parallel_loop3A_347 = arith.muli %parallel_loop3A_344, %parallel_loop3A_346 : i32
          %parallel_loop3A_348 = arith.index_cast %parallel_loop3A_347 : i32 to index
          %parallel_loop3A_349 = tpu.vector_load %arg4[%parallel_loop3A_348] {strides = array<i32>} : memref<32768xf32, #tpu.memory_space<vmem>>, vector<16xf32>,
          %parallel_loop3A_350 = tpu.bitcast %parallel_loop3A_349 : vector<16xf32> -> vector<16xi32>
          %parallel_loop3A_351 = arith.constant 31 : i32
          %parallel_loop3A_352 = vector.broadcast %parallel_loop3A_351 : i32 to vector<16xi32>
          %parallel_loop3A_353 = arith.shrsi %parallel_loop3A_350, %parallel_loop3A_352 : vector<16xi32>
          %parallel_loop3A_354 = arith.constant 2147483647 : i32
          %parallel_loop3A_355 = vector.broadcast %parallel_loop3A_354 : i32 to vector<16xi32>
          %parallel_loop3A_356 = arith.andi %parallel_loop3A_353, %parallel_loop3A_355 : vector<16xi32>
          %parallel_loop3A_357 = arith.xori %parallel_loop3A_350, %parallel_loop3A_356 : vector<16xi32>
          %parallel_loop3A_358 = vector.broadcast %xor3A_330 : i32 to vector<16xi32>
          %parallel_loop3A_359 = arith.cmpi slt, %parallel_loop3A_357, %parallel_loop3A_358 : vector<16xi32>
          %parallel_loop3A_360 = arith.extui %parallel_loop3A_359 : vector<16xi1> to vector<16xi32>
          %parallel_loop3A_361 = arith.addi %parallel_loop3A_345, %parallel_loop3A_360 : vector<16xi32>
          scf.yield %parallel_loop3A_361 : vector<16xi32>
        } {sc.loop_unroll_factor = 4 : i64, sc.parallel_access}
        %reduce_sum3A_337 = arith.constant true
        %reduce_sum3A_338 = vector.broadcast %reduce_sum3A_337 : i1 to vector<16xi1>
        %reduce_sum3A_339 = tpu.scan <sum>, %parallel_loop3A_336 masked %reduce_sum3A_338 : vector<16xi32>, vector<16xi1> -> vector<16xi32>
        %reduce_sum3A_340 = vector.extract %reduce_sum3A_339[15] : i32 from vector<16xi32>
        %ge3A_341 = arith.constant 256 : i32
        %ge3A_342 = arith.cmpi sge, %reduce_sum3A_340, %ge3A_341 : i32
        %select_n3A_343 = arith.select %ge3A_342, %scan3A_325, %or3A : i32
        scf.yield %select_n3A_343 : i32
      }
      %scan3A_292 = arith.constant 32 : i32
      %xor3A = arith.constant -2147483648 : i32
      %xor3A_293 = arith.xori %scan3A_291, %xor3A : i32
      %lt3A = arith.constant 0 : i32
      %lt3A_294 = arith.cmpi slt, %xor3A_293, %lt3A : i32
      %xor3A_295 = arith.constant 2147483647 : i32
      %xor3A_296 = arith.xori %xor3A_293, %xor3A_295 : i32
      %select_n3A_297 = arith.select %lt3A_294, %xor3A_296, %xor3A_293 : i32
      %bitcast_convert_type3A = arith.bitcast %select_n3A_297 : i32 to f32
      %broadcast_in_dim3A_298 = arith.constant 0 : i32
      %broadcast_in_dim3A_299 = vector.broadcast %broadcast_in_dim3A_298 : i32 to vector<16xi32>
      %parallel_loop3A_300 = arith.constant 0 : i32
      %parallel_loop3A_301 = arith.constant 2048 : i32
      %parallel_loop3A_302 = arith.constant 1 : i32
      %parallel_loop3A_303 = scf.for %parallel_loop3A_324 = %parallel_loop3A_300 to %parallel_loop3A_301 step %parallel_loop3A_302 iter_args(%parallel_loop3A_325 = %broadcast_in_dim3A_299) -> (vector<16xi32>)  : i32 {
        %parallel_loop3A_326 = arith.constant 16 : i32
        %parallel_loop3A_327 = arith.muli %parallel_loop3A_324, %parallel_loop3A_326 : i32
        %parallel_loop3A_328 = arith.index_cast %parallel_loop3A_327 : i32 to index
        %parallel_loop3A_329 = tpu.vector_load %arg4[%parallel_loop3A_328] {strides = array<i32>} : memref<32768xf32, #tpu.memory_space<vmem>>, vector<16xf32>,
        %parallel_loop3A_330 = vector.broadcast %bitcast_convert_type3A : f32 to vector<16xf32>
        %parallel_loop3A_331 = arith.cmpf olt, %parallel_loop3A_329, %parallel_loop3A_330 : vector<16xf32>
        %parallel_loop3A_332 = arith.extui %parallel_loop3A_331 : vector<16xi1> to vector<16xi32>
        %parallel_loop3A_333 = arith.addi %parallel_loop3A_325, %parallel_loop3A_332 : vector<16xi32>
        scf.yield %parallel_loop3A_333 : vector<16xi32>
      } {sc.loop_unroll_factor = 4 : i64, sc.parallel_access}
      %reduce_sum3A_304 = arith.constant true
      %reduce_sum3A_305 = vector.broadcast %reduce_sum3A_304 : i1 to vector<16xi1>
      %reduce_sum3A_306 = tpu.scan <sum>, %parallel_loop3A_303 masked %reduce_sum3A_305 : vector<16xi32>, vector<16xi1> -> vector<16xi32>
      %reduce_sum3A_307 = vector.extract %reduce_sum3A_306[15] : i32 from vector<16xi32>
      %broadcast_in_dim3A_308 = arith.constant 0 : i32
      %broadcast_in_dim3A_309 = vector.broadcast %broadcast_in_dim3A_308 : i32 to vector<16xi32>
      %parallel_loop3A_310 = arith.constant 0 : i32
      %parallel_loop3A_311 = arith.constant 2048 : i32
      %parallel_loop3A_312 = arith.constant 1 : i32
      %parallel_loop3A_313 = scf.for %parallel_loop3A_324 = %parallel_loop3A_310 to %parallel_loop3A_311 step %parallel_loop3A_312 iter_args(%parallel_loop3A_325 = %broadcast_in_dim3A_309) -> (vector<16xi32>)  : i32 {
        %parallel_loop3A_326 = arith.constant 16 : i32
        %parallel_loop3A_327 = arith.muli %parallel_loop3A_324, %parallel_loop3A_326 : i32
        %parallel_loop3A_328 = arith.index_cast %parallel_loop3A_327 : i32 to index
        %parallel_loop3A_329 = tpu.vector_load %arg4[%parallel_loop3A_328] {strides = array<i32>} : memref<32768xf32, #tpu.memory_space<vmem>>, vector<16xf32>,
        %parallel_loop3A_330 = vector.broadcast %bitcast_convert_type3A : f32 to vector<16xf32>
        %parallel_loop3A_331 = arith.cmpf oeq, %parallel_loop3A_329, %parallel_loop3A_330 : vector<16xf32>
        %parallel_loop3A_332 = arith.extui %parallel_loop3A_331 : vector<16xi1> to vector<16xi32>
        %parallel_loop3A_333 = arith.addi %parallel_loop3A_325, %parallel_loop3A_332 : vector<16xi32>
        scf.yield %parallel_loop3A_333 : vector<16xi32>
      } {sc.loop_unroll_factor = 4 : i64, sc.parallel_access}
      %reduce_sum3A_314 = arith.constant true
      %reduce_sum3A_315 = vector.broadcast %reduce_sum3A_314 : i1 to vector<16xi1>
      %reduce_sum3A_316 = tpu.scan <sum>, %parallel_loop3A_313 masked %reduce_sum3A_315 : vector<16xi32>, vector<16xi1> -> vector<16xi32>
      %reduce_sum3A_317 = vector.extract %reduce_sum3A_316[15] : i32 from vector<16xi32>
      %sub3A = arith.constant 256 : i32
      %sub3A_318 = arith.subi %sub3A, %reduce_sum3A_307 : i32
      %eq3A_319 = arith.cmpi eq, %reduce_sum3A_317, %sub3A_318 : i32
      %convert_element_type3A_320 = arith.extui %eq3A_319 : i1 to i32
      %cond3A_321 = arith.constant 0 : i32
      %cond3A_322 = arith.cmpi ne, %convert_element_type3A_320, %cond3A_321 : i32
      %cond3A_323 = scf.if %cond3A_322 -> (i32) {
        %cond3A_324 = arith.constant 32767 : i32
        scf.yield %cond3A_324 : i32
      } else {
        %scan3A_324 = arith.constant 0 : i32
        %scan3A_325 = arith.constant 0 : i32
        %scan3A_326 = arith.constant 15 : i32
        %scan3A_327 = arith.addi %scan3A_325, %scan3A_326 : i32
        %scan3A_328 = arith.constant 1 : i32
        %scan3A_329 = scf.for %scan3A_331 = %scan3A_325 to %scan3A_327 step %scan3A_328 iter_args(%scan3A_332 = %scan3A_324) -> (i32)  : i32 {
          %sub3A_333 = arith.constant 14 : i32
          %sub3A_334 = arith.subi %sub3A_333, %scan3A_331 : i32
          %shift_left3A = arith.constant 1 : i32
          %shift_left3A_335 = arith.shli %shift_left3A, %sub3A_334 : i32
          %or3A = arith.ori %scan3A_332, %shift_left3A_335 : i32
          %broadcast_in_dim3A_336 = arith.constant 0 : i32
          %broadcast_in_dim3A_337 = vector.broadcast %broadcast_in_dim3A_336 : i32 to vector<16xi32>
          %parallel_loop3A_338 = arith.constant 0 : i32
          %parallel_loop3A_339 = arith.constant 2048 : i32
          %parallel_loop3A_340 = arith.constant 1 : i32
          %parallel_loop3A_341 = scf.for %parallel_loop3A_348 = %parallel_loop3A_338 to %parallel_loop3A_339 step %parallel_loop3A_340 iter_args(%parallel_loop3A_349 = %broadcast_in_dim3A_337) -> (vector<16xi32>)  : i32 {
            %parallel_loop3A_350 = arith.constant 16 : i32
            %parallel_loop3A_351 = arith.muli %parallel_loop3A_348, %parallel_loop3A_350 : i32
            %parallel_loop3A_352 = arith.index_cast %parallel_loop3A_351 : i32 to index
            %parallel_loop3A_353 = tpu.vector_load %arg4[%parallel_loop3A_352] {strides = array<i32>} : memref<32768xf32, #tpu.memory_space<vmem>>, vector<16xf32>,
            %parallel_loop3A_354 = vector.broadcast %bitcast_convert_type3A : f32 to vector<16xf32>
            %parallel_loop3A_355 = arith.cmpf oeq, %parallel_loop3A_353, %parallel_loop3A_354 : vector<16xf32>
            %parallel_loop3A_356 = arith.constant 16 : i32
            %parallel_loop3A_357 = arith.muli %parallel_loop3A_348, %parallel_loop3A_356 : i32
            %parallel_loop3A_358 = vector.broadcast %parallel_loop3A_357 : i32 to vector<16xi32>
            %parallel_loop3A_359 = arith.addi %iota3A, %parallel_loop3A_358 : vector<16xi32>
            %parallel_loop3A_360 = vector.broadcast %or3A : i32 to vector<16xi32>
            %parallel_loop3A_361 = arith.cmpi slt, %parallel_loop3A_359, %parallel_loop3A_360 : vector<16xi32>
            %parallel_loop3A_362 = arith.andi %parallel_loop3A_355, %parallel_loop3A_361 : vector<16xi1>
            %parallel_loop3A_363 = arith.extui %parallel_loop3A_362 : vector<16xi1> to vector<16xi32>
            %parallel_loop3A_364 = arith.addi %parallel_loop3A_349, %parallel_loop3A_363 : vector<16xi32>
            scf.yield %parallel_loop3A_364 : vector<16xi32>
          } {sc.loop_unroll_factor = 4 : i64, sc.parallel_access}
          %reduce_sum3A_342 = arith.constant true
          %reduce_sum3A_343 = vector.broadcast %reduce_sum3A_342 : i1 to vector<16xi1>
          %reduce_sum3A_344 = tpu.scan <sum>, %parallel_loop3A_341 masked %reduce_sum3A_343 : vector<16xi32>, vector<16xi1> -> vector<16xi32>
          %reduce_sum3A_345 = vector.extract %reduce_sum3A_344[15] : i32 from vector<16xi32>
          %ge3A_346 = arith.cmpi sge, %reduce_sum3A_345, %sub3A_318 : i32
          %select_n3A_347 = arith.select %ge3A_346, %scan3A_332, %or3A : i32
          scf.yield %select_n3A_347 : i32
        }
        %scan3A_330 = arith.constant 15 : i32
        scf.yield %scan3A_329 : i32
      }
      scf.yield %select_n3A_297, %cond3A_323 : i32, i32
    }
    %eq3A = arith.constant 0 : i32
    %eq3A_179 = vector.broadcast %eq3A : i32 to vector<16xi32>
    %eq3A_180 = arith.cmpi eq, %iota3A, %eq3A_179 : vector<16xi32>
    %eq3A_181 = arith.constant 1 : i32
    %eq3A_182 = vector.broadcast %eq3A_181 : i32 to vector<16xi32>
    %eq3A_183 = arith.cmpi eq, %iota3A, %eq3A_182 : vector<16xi32>
    %jit3A = arith.constant 0 : i32
    %broadcast_in_dim3A_184 = vector.broadcast %cond3A_178#1 : i32 to vector<16xi32>
    %broadcast_in_dim3A_185 = vector.broadcast %jit3A : i32 to vector<16xi32>
    %select_n3A = arith.select %eq3A_183, %broadcast_in_dim3A_184, %broadcast_in_dim3A_185 : vector<16xi1>, vector<16xi32>
    %broadcast_in_dim3A_186 = vector.broadcast %cond3A_178#0 : i32 to vector<16xi32>
    %select_n3A_187 = arith.select %eq3A_180, %broadcast_in_dim3A_186, %select_n3A : vector<16xi1>, vector<16xi32>
    %swap3A = arith.constant 0 : index
    %swap3A_188 = tpu.vector_load %arg7[%swap3A] {strides = array<i32>} : memref<16xi32, #tpu.memory_space<vmem>>, vector<16xi32>,
    tpu.vector_store %arg7[%swap3A], %select_n3A_187 {strides = array<i32>} : memref<16xi32, #tpu.memory_space<vmem>>, vector<16xi32>,
    "tpu.region"() ({
      %run_scoped3A = tpu.sem_alloc : memref<!tpu.dma_semaphore, #tpu.memory_space<semaphore_mem>>
      %dma_start3A_287 = arith.constant 0 : i32
      %dma_start3A_288 = tpu.memref_slice %arg3[%add3A_51, %dma_start3A_287] : memref<64x16xi32, #tpu.memory_space<hbm>> -> memref<1x16xi32, #tpu.memory_space<hbm>>
      %dma_start3A_289 = tpu.memref_squeeze %dma_start3A_288 : memref<1x16xi32, #tpu.memory_space<hbm>> -> memref<16xi32, #tpu.memory_space<hbm>>
      %dma_start3A_290 = arith.constant 0 : i32
      %dma_start3A_291 = tpu.memref_slice %arg3[%add3A_51, %dma_start3A_290] : memref<64x16xi32, #tpu.memory_space<hbm>> -> memref<1x16xi32, #tpu.memory_space<hbm>>
      %dma_start3A_292 = tpu.memref_squeeze %dma_start3A_291 : memref<1x16xi32, #tpu.memory_space<hbm>> -> memref<16xi32, #tpu.memory_space<hbm>>
      tpu.enqueue_dma source(%arg7 : memref<16xi32, #tpu.memory_space<vmem>>) target(%dma_start3A_292 : memref<16xi32, #tpu.memory_space<hbm>>) target_semaphore(%run_scoped3A : memref<!tpu.dma_semaphore, #tpu.memory_space<semaphore_mem>>)
      %dma_wait3A_293 = arith.constant 0 : i32
      %dma_wait3A_294 = tpu.memref_slice %arg3[%add3A_51, %dma_wait3A_293] : memref<64x16xi32, #tpu.memory_space<hbm>> -> memref<1x16xi32, #tpu.memory_space<hbm>>
      %dma_wait3A_295 = tpu.memref_squeeze %dma_wait3A_294 : memref<1x16xi32, #tpu.memory_space<hbm>> -> memref<16xi32, #tpu.memory_space<hbm>>
      %dma_wait3A_296 = arith.constant 0 : i32
      %dma_wait3A_297 = tpu.memref_slice %arg3[%add3A_51, %dma_wait3A_296] : memref<64x16xi32, #tpu.memory_space<hbm>> -> memref<1x16xi32, #tpu.memory_space<hbm>>
      %dma_wait3A_298 = tpu.memref_squeeze %dma_wait3A_297 : memref<1x16xi32, #tpu.memory_space<hbm>> -> memref<16xi32, #tpu.memory_space<hbm>>
      tpu.wait_dma2 semaphore(%run_scoped3A : memref<!tpu.dma_semaphore, #tpu.memory_space<semaphore_mem>>) src(%arg7 : memref<16xi32, #tpu.memory_space<vmem>>) dst(%dma_wait3A_298 : memref<16xi32, #tpu.memory_space<hbm>>)
      tpu.yield
    }) : () -> ()
    %mul3A_189 = arith.constant 2 : i32
    %mul3A_190 = arith.muli %add3A, %mul3A_189 : i32
    %add3A_191 = arith.constant 1 : i32
    %add3A_192 = arith.addi %mul3A_190, %add3A_191 : i32
    %broadcast_in_dim3A_193 = arith.constant 0 : i32
    %broadcast_in_dim3A_194 = vector.broadcast %broadcast_in_dim3A_193 : i32 to vector<16xi32>
    %dma_wait3A_195 = arith.constant 0 : i32
    %dma_wait3A_196 = tpu.memref_slice %arg5[%dma_wait3A_195] : memref<32768xf32, #tpu.memory_space<vmem>> -> memref<8192xf32, #tpu.memory_space<vmem>>
    %dma_wait3A_197 = arith.constant 0 : i32
    %dma_wait3A_198 = tpu.memref_slice %arg2[%add3A_65, %dma_wait3A_197] : memref<64x32768xf32, #tpu.memory_space<hbm>> -> memref<1x8192xf32, #tpu.memory_space<hbm>>
    %dma_wait3A_199 = tpu.memref_squeeze %dma_wait3A_198 : memref<1x8192xf32, #tpu.memory_space<hbm>> -> memref<8192xf32, #tpu.memory_space<hbm>>
    %dma_wait3A_200 = arith.constant 0 : i32
    %dma_wait3A_201 = tpu.memref_slice %arg5[%dma_wait3A_200] : memref<32768xf32, #tpu.memory_space<vmem>> -> memref<8192xf32, #tpu.memory_space<vmem>>
    %dma_wait3A_202 = arith.constant 0 : i32
    %dma_wait3A_203 = tpu.memref_slice %arg2[%add3A_65, %dma_wait3A_202] : memref<64x32768xf32, #tpu.memory_space<hbm>> -> memref<1x8192xf32, #tpu.memory_space<hbm>>
    %dma_wait3A_204 = tpu.memref_squeeze %dma_wait3A_203 : memref<1x8192xf32, #tpu.memory_space<hbm>> -> memref<8192xf32, #tpu.memory_space<hbm>>
    tpu.wait_dma2 semaphore(%arg8 : memref<!tpu.dma_semaphore, #tpu.memory_space<semaphore_mem>>) src(%dma_wait3A_204 : memref<8192xf32, #tpu.memory_space<hbm>>) dst(%dma_wait3A_201 : memref<8192xf32, #tpu.memory_space<vmem>>)
    %parallel_loop3A_205 = arith.constant 0 : i32
    %parallel_loop3A_206 = arith.constant 512 : i32
    %parallel_loop3A_207 = arith.constant 1 : i32
    %parallel_loop3A_208 = scf.for %parallel_loop3A_287 = %parallel_loop3A_205 to %parallel_loop3A_206 step %parallel_loop3A_207 iter_args(%parallel_loop3A_288 = %broadcast_in_dim3A_194) -> (vector<16xi32>)  : i32 {
      %parallel_loop3A_289 = arith.constant 16 : i32
      %parallel_loop3A_290 = arith.muli %parallel_loop3A_287, %parallel_loop3A_289 : i32
      %parallel_loop3A_291 = arith.index_cast %parallel_loop3A_290 : i32 to index
      %parallel_loop3A_292 = tpu.vector_load %arg5[%parallel_loop3A_291] {strides = array<i32>} : memref<32768xf32, #tpu.memory_space<vmem>>, vector<16xf32>,
      %parallel_loop3A_293 = arith.constant -2.200000e+00 : f32
      %parallel_loop3A_294 = vector.broadcast %parallel_loop3A_293 : f32 to vector<16xf32>
      %parallel_loop3A_295 = arith.cmpf olt, %parallel_loop3A_292, %parallel_loop3A_294 : vector<16xf32>
      %parallel_loop3A_296 = tpu.bitcast %parallel_loop3A_292 : vector<16xf32> -> vector<16xi32>
      %parallel_loop3A_297 = arith.ori %parallel_loop3A_288, %iota3A : vector<16xi32>
      tpu.vector_store_idx %arg6[%parallel_loop3A_297], %parallel_loop3A_296 masked %parallel_loop3A_295 : memref<32832xi32, #tpu.memory_space<vmem>>[vector<16xi32>], vector<16xi32>, vector<16xi1>
      %parallel_loop3A_298 = arith.extui %parallel_loop3A_295 : vector<16xi1> to vector<16xi32>
      %parallel_loop3A_299 = arith.constant 4 : i32
      %parallel_loop3A_300 = vector.broadcast %parallel_loop3A_299 : i32 to vector<16xi32>
      %parallel_loop3A_301 = arith.shli %parallel_loop3A_298, %parallel_loop3A_300 : vector<16xi32>
      %parallel_loop3A_302 = arith.addi %parallel_loop3A_288, %parallel_loop3A_301 : vector<16xi32>
      scf.yield %parallel_loop3A_302 : vector<16xi32>
    } {sc.loop_unroll_factor = 8 : i64, sc.parallel_access}
    %dma_wait3A_209 = arith.constant 8192 : i32
    %dma_wait3A_210 = tpu.memref_slice %arg5[%dma_wait3A_209] : memref<32768xf32, #tpu.memory_space<vmem>> -> memref<8192xf32, #tpu.memory_space<vmem>>
    %dma_wait3A_211 = arith.constant 8192 : i32
    %dma_wait3A_212 = tpu.memref_slice %arg2[%add3A_92, %dma_wait3A_211] : memref<64x32768xf32, #tpu.memory_space<hbm>> -> memref<1x8192xf32, #tpu.memory_space<hbm>>
    %dma_wait3A_213 = tpu.memref_squeeze %dma_wait3A_212 : memref<1x8192xf32, #tpu.memory_space<hbm>> -> memref<8192xf32, #tpu.memory_space<hbm>>
    %dma_wait3A_214 = arith.constant 8192 : i32
    %dma_wait3A_215 = tpu.memref_slice %arg5[%dma_wait3A_214] : memref<32768xf32, #tpu.memory_space<vmem>> -> memref<8192xf32, #tpu.memory_space<vmem>>
    %dma_wait3A_216 = arith.constant 8192 : i32
    %dma_wait3A_217 = tpu.memref_slice %arg2[%add3A_92, %dma_wait3A_216] : memref<64x32768xf32, #tpu.memory_space<hbm>> -> memref<1x8192xf32, #tpu.memory_space<hbm>>
    %dma_wait3A_218 = tpu.memref_squeeze %dma_wait3A_217 : memref<1x8192xf32, #tpu.memory_space<hbm>> -> memref<8192xf32, #tpu.memory_space<hbm>>
    tpu.wait_dma2 semaphore(%arg9 : memref<!tpu.dma_semaphore, #tpu.memory_space<semaphore_mem>>) src(%dma_wait3A_218 : memref<8192xf32, #tpu.memory_space<hbm>>) dst(%dma_wait3A_215 : memref<8192xf32, #tpu.memory_space<vmem>>)
    %parallel_loop3A_219 = arith.constant 512 : i32
    %parallel_loop3A_220 = arith.constant 1024 : i32
    %parallel_loop3A_221 = arith.constant 1 : i32
    %parallel_loop3A_222 = scf.for %parallel_loop3A_287 = %parallel_loop3A_219 to %parallel_loop3A_220 step %parallel_loop3A_221 iter_args(%parallel_loop3A_288 = %parallel_loop3A_208) -> (vector<16xi32>)  : i32 {
      %parallel_loop3A_289 = arith.constant 16 : i32
      %parallel_loop3A_290 = arith.muli %parallel_loop3A_287, %parallel_loop3A_289 : i32
      %parallel_loop3A_291 = arith.index_cast %parallel_loop3A_290 : i32 to index
      %parallel_loop3A_292 = tpu.vector_load %arg5[%parallel_loop3A_291] {strides = array<i32>} : memref<32768xf32, #tpu.memory_space<vmem>>, vector<16xf32>,
      %parallel_loop3A_293 = arith.constant -2.200000e+00 : f32
      %parallel_loop3A_294 = vector.broadcast %parallel_loop3A_293 : f32 to vector<16xf32>
      %parallel_loop3A_295 = arith.cmpf olt, %parallel_loop3A_292, %parallel_loop3A_294 : vector<16xf32>
      %parallel_loop3A_296 = tpu.bitcast %parallel_loop3A_292 : vector<16xf32> -> vector<16xi32>
      %parallel_loop3A_297 = arith.ori %parallel_loop3A_288, %iota3A : vector<16xi32>
      tpu.vector_store_idx %arg6[%parallel_loop3A_297], %parallel_loop3A_296 masked %parallel_loop3A_295 : memref<32832xi32, #tpu.memory_space<vmem>>[vector<16xi32>], vector<16xi32>, vector<16xi1>
      %parallel_loop3A_298 = arith.extui %parallel_loop3A_295 : vector<16xi1> to vector<16xi32>
      %parallel_loop3A_299 = arith.constant 4 : i32
      %parallel_loop3A_300 = vector.broadcast %parallel_loop3A_299 : i32 to vector<16xi32>
      %parallel_loop3A_301 = arith.shli %parallel_loop3A_298, %parallel_loop3A_300 : vector<16xi32>
      %parallel_loop3A_302 = arith.addi %parallel_loop3A_288, %parallel_loop3A_301 : vector<16xi32>
      scf.yield %parallel_loop3A_302 : vector<16xi32>
    } {sc.loop_unroll_factor = 8 : i64, sc.parallel_access}
    %dma_wait3A_223 = arith.constant 16384 : i32
    %dma_wait3A_224 = tpu.memref_slice %arg5[%dma_wait3A_223] : memref<32768xf32, #tpu.memory_space<vmem>> -> memref<8192xf32, #tpu.memory_space<vmem>>
    %dma_wait3A_225 = arith.constant 16384 : i32
    %dma_wait3A_226 = tpu.memref_slice %arg2[%add3A_120, %dma_wait3A_225] : memref<64x32768xf32, #tpu.memory_space<hbm>> -> memref<1x8192xf32, #tpu.memory_space<hbm>>
    %dma_wait3A_227 = tpu.memref_squeeze %dma_wait3A_226 : memref<1x8192xf32, #tpu.memory_space<hbm>> -> memref<8192xf32, #tpu.memory_space<hbm>>
    %dma_wait3A_228 = arith.constant 16384 : i32
    %dma_wait3A_229 = tpu.memref_slice %arg5[%dma_wait3A_228] : memref<32768xf32, #tpu.memory_space<vmem>> -> memref<8192xf32, #tpu.memory_space<vmem>>
    %dma_wait3A_230 = arith.constant 16384 : i32
    %dma_wait3A_231 = tpu.memref_slice %arg2[%add3A_120, %dma_wait3A_230] : memref<64x32768xf32, #tpu.memory_space<hbm>> -> memref<1x8192xf32, #tpu.memory_space<hbm>>
    %dma_wait3A_232 = tpu.memref_squeeze %dma_wait3A_231 : memref<1x8192xf32, #tpu.memory_space<hbm>> -> memref<8192xf32, #tpu.memory_space<hbm>>
    tpu.wait_dma2 semaphore(%arg10 : memref<!tpu.dma_semaphore, #tpu.memory_space<semaphore_mem>>) src(%dma_wait3A_232 : memref<8192xf32, #tpu.memory_space<hbm>>) dst(%dma_wait3A_229 : memref<8192xf32, #tpu.memory_space<vmem>>)
    %parallel_loop3A_233 = arith.constant 1024 : i32
    %parallel_loop3A_234 = arith.constant 1536 : i32
    %parallel_loop3A_235 = arith.constant 1 : i32
    %parallel_loop3A_236 = scf.for %parallel_loop3A_287 = %parallel_loop3A_233 to %parallel_loop3A_234 step %parallel_loop3A_235 iter_args(%parallel_loop3A_288 = %parallel_loop3A_222) -> (vector<16xi32>)  : i32 {
      %parallel_loop3A_289 = arith.constant 16 : i32
      %parallel_loop3A_290 = arith.muli %parallel_loop3A_287, %parallel_loop3A_289 : i32
      %parallel_loop3A_291 = arith.index_cast %parallel_loop3A_290 : i32 to index
      %parallel_loop3A_292 = tpu.vector_load %arg5[%parallel_loop3A_291] {strides = array<i32>} : memref<32768xf32, #tpu.memory_space<vmem>>, vector<16xf32>,
      %parallel_loop3A_293 = arith.constant -2.200000e+00 : f32
      %parallel_loop3A_294 = vector.broadcast %parallel_loop3A_293 : f32 to vector<16xf32>
      %parallel_loop3A_295 = arith.cmpf olt, %parallel_loop3A_292, %parallel_loop3A_294 : vector<16xf32>
      %parallel_loop3A_296 = tpu.bitcast %parallel_loop3A_292 : vector<16xf32> -> vector<16xi32>
      %parallel_loop3A_297 = arith.ori %parallel_loop3A_288, %iota3A : vector<16xi32>
      tpu.vector_store_idx %arg6[%parallel_loop3A_297], %parallel_loop3A_296 masked %parallel_loop3A_295 : memref<32832xi32, #tpu.memory_space<vmem>>[vector<16xi32>], vector<16xi32>, vector<16xi1>
      %parallel_loop3A_298 = arith.extui %parallel_loop3A_295 : vector<16xi1> to vector<16xi32>
      %parallel_loop3A_299 = arith.constant 4 : i32
      %parallel_loop3A_300 = vector.broadcast %parallel_loop3A_299 : i32 to vector<16xi32>
      %parallel_loop3A_301 = arith.shli %parallel_loop3A_298, %parallel_loop3A_300 : vector<16xi32>
      %parallel_loop3A_302 = arith.addi %parallel_loop3A_288, %parallel_loop3A_301 : vector<16xi32>
      scf.yield %parallel_loop3A_302 : vector<16xi32>
    } {sc.loop_unroll_factor = 8 : i64, sc.parallel_access}
    %dma_wait3A_237 = arith.constant 24576 : i32
    %dma_wait3A_238 = tpu.memref_slice %arg5[%dma_wait3A_237] : memref<32768xf32, #tpu.memory_space<vmem>> -> memref<8192xf32, #tpu.memory_space<vmem>>
    %dma_wait3A_239 = arith.constant 24576 : i32
    %dma_wait3A_240 = tpu.memref_slice %arg2[%add3A_148, %dma_wait3A_239] : memref<64x32768xf32, #tpu.memory_space<hbm>> -> memref<1x8192xf32, #tpu.memory_space<hbm>>
    %dma_wait3A_241 = tpu.memref_squeeze %dma_wait3A_240 : memref<1x8192xf32, #tpu.memory_space<hbm>> -> memref<8192xf32, #tpu.memory_space<hbm>>
    %dma_wait3A_242 = arith.constant 24576 : i32
    %dma_wait3A_243 = tpu.memref_slice %arg5[%dma_wait3A_242] : memref<32768xf32, #tpu.memory_space<vmem>> -> memref<8192xf32, #tpu.memory_space<vmem>>
    %dma_wait3A_244 = arith.constant 24576 : i32
    %dma_wait3A_245 = tpu.memref_slice %arg2[%add3A_148, %dma_wait3A_244] : memref<64x32768xf32, #tpu.memory_space<hbm>> -> memref<1x8192xf32, #tpu.memory_space<hbm>>
    %dma_wait3A_246 = tpu.memref_squeeze %dma_wait3A_245 : memref<1x8192xf32, #tpu.memory_space<hbm>> -> memref<8192xf32, #tpu.memory_space<hbm>>
    tpu.wait_dma2 semaphore(%arg11 : memref<!tpu.dma_semaphore, #tpu.memory_space<semaphore_mem>>) src(%dma_wait3A_246 : memref<8192xf32, #tpu.memory_space<hbm>>) dst(%dma_wait3A_243 : memref<8192xf32, #tpu.memory_space<vmem>>)
    %parallel_loop3A_247 = arith.constant 1536 : i32
    %parallel_loop3A_248 = arith.constant 2048 : i32
    %parallel_loop3A_249 = arith.constant 1 : i32
    %parallel_loop3A_250 = scf.for %parallel_loop3A_287 = %parallel_loop3A_247 to %parallel_loop3A_248 step %parallel_loop3A_249 iter_args(%parallel_loop3A_288 = %parallel_loop3A_236) -> (vector<16xi32>)  : i32 {
      %parallel_loop3A_289 = arith.constant 16 : i32
      %parallel_loop3A_290 = arith.muli %parallel_loop3A_287, %parallel_loop3A_289 : i32
      %parallel_loop3A_291 = arith.index_cast %parallel_loop3A_290 : i32 to index
      %parallel_loop3A_292 = tpu.vector_load %arg5[%parallel_loop3A_291] {strides = array<i32>} : memref<32768xf32, #tpu.memory_space<vmem>>, vector<16xf32>,
      %parallel_loop3A_293 = arith.constant -2.200000e+00 : f32
      %parallel_loop3A_294 = vector.broadcast %parallel_loop3A_293 : f32 to vector<16xf32>
      %parallel_loop3A_295 = arith.cmpf olt, %parallel_loop3A_292, %parallel_loop3A_294 : vector<16xf32>
      %parallel_loop3A_296 = tpu.bitcast %parallel_loop3A_292 : vector<16xf32> -> vector<16xi32>
      %parallel_loop3A_297 = arith.ori %parallel_loop3A_288, %iota3A : vector<16xi32>
      tpu.vector_store_idx %arg6[%parallel_loop3A_297], %parallel_loop3A_296 masked %parallel_loop3A_295 : memref<32832xi32, #tpu.memory_space<vmem>>[vector<16xi32>], vector<16xi32>, vector<16xi1>
      %parallel_loop3A_298 = arith.extui %parallel_loop3A_295 : vector<16xi1> to vector<16xi32>
      %parallel_loop3A_299 = arith.constant 4 : i32
      %parallel_loop3A_300 = vector.broadcast %parallel_loop3A_299 : i32 to vector<16xi32>
      %parallel_loop3A_301 = arith.shli %parallel_loop3A_298, %parallel_loop3A_300 : vector<16xi32>
      %parallel_loop3A_302 = arith.addi %parallel_loop3A_288, %parallel_loop3A_301 : vector<16xi32>
      scf.yield %parallel_loop3A_302 : vector<16xi32>
    } {sc.loop_unroll_factor = 8 : i64, sc.parallel_access}
    %shift_right_arithmetic3A_251 = arith.constant 4 : i32
    %shift_right_arithmetic3A_252 = vector.broadcast %shift_right_arithmetic3A_251 : i32 to vector<16xi32>
    %shift_right_arithmetic3A_253 = arith.shrsi %parallel_loop3A_250, %shift_right_arithmetic3A_252 : vector<16xi32>
    %reduce_sum3A_254 = arith.constant true
    %reduce_sum3A_255 = vector.broadcast %reduce_sum3A_254 : i1 to vector<16xi1>
    %reduce_sum3A_256 = tpu.scan <sum>, %shift_right_arithmetic3A_253 masked %reduce_sum3A_255 : vector<16xi32>, vector<16xi1> -> vector<16xi32>
    %reduce_sum3A_257 = vector.extract %reduce_sum3A_256[15] : i32 from vector<16xi32>
    %reduce_max3A_258 = arith.constant true
    %reduce_max3A_259 = vector.broadcast %reduce_max3A_258 : i1 to vector<16xi1>
    %reduce_max3A_260 = arith.constant -2147483648 : i32
    %reduce_max3A_261 = vector.broadcast %reduce_max3A_260 : i32 to vector<16xi32>
    %reduce_max3A_262 = arith.xori %shift_right_arithmetic3A_253, %reduce_max3A_261 : vector<16xi32>
    %reduce_max3A_263 = tpu.scan <max>, %reduce_max3A_262 masked %reduce_max3A_259 : vector<16xi32>, vector<16xi1> -> vector<16xi32>
    %reduce_max3A_264 = arith.xori %reduce_max3A_263, %reduce_max3A_261 : vector<16xi32>
    %reduce_max3A_265 = vector.extract %reduce_max3A_264[15] : i32 from vector<16xi32>
    %ge3A_266 = arith.constant 256 : i32
    %ge3A_267 = arith.cmpi sge, %reduce_sum3A_257, %ge3A_266 : i32
    %convert_element_type3A_268 = arith.extui %ge3A_267 : i1 to i32
    %cond3A_269 = arith.constant 0 : i32
    %cond3A_270 = arith.constant 0 : i32
    %cond3A_271 = arith.cmpi ne, %convert_element_type3A_268, %cond3A_270 : i32
    %cond3A_272:2 = scf.if %cond3A_271 -> (i32, i32) {
      %add3A_287 = arith.constant 4 : i32
      %add3A_288 = arith.addi %reduce_max3A_265, %add3A_287 : i32
      %sub3A = arith.constant 1 : i32
      %sub3A_289 = arith.subi %add3A_288, %sub3A : i32
      %jit3A_290 = arith.constant 4 : i32
      %div3A = arith.divsi %sub3A_289, %jit3A_290 : i32
      %sign3A = arith.constant 0 : i32
      %sign3A_291 = arith.cmpi sgt, %sub3A_289, %sign3A : i32
      %sign3A_292 = arith.extui %sign3A_291 : i1 to i32
      %sign3A_293 = arith.constant 0 : i32
      %sign3A_294 = arith.cmpi slt, %sub3A_289, %sign3A_293 : i32
      %sign3A_295 = arith.extui %sign3A_294 : i1 to i32
      %sign3A_296 = arith.subi %sign3A_292, %sign3A_295 : i32
      %sign3A_297 = arith.constant 0 : i32
      %sign3A_298 = arith.cmpi sgt, %jit3A_290, %sign3A_297 : i32
      %sign3A_299 = arith.extui %sign3A_298 : i1 to i32
      %sign3A_300 = arith.constant 0 : i32
      %sign3A_301 = arith.cmpi slt, %jit3A_290, %sign3A_300 : i32
      %sign3A_302 = arith.extui %sign3A_301 : i1 to i32
      %sign3A_303 = arith.subi %sign3A_299, %sign3A_302 : i32
      %ne3A = arith.cmpi ne, %sign3A_296, %sign3A_303 : i32
      %rem3A = arith.remsi %sub3A_289, %jit3A_290 : i32
      %ne3A_304 = arith.constant 0 : i32
      %ne3A_305 = arith.cmpi ne, %rem3A, %ne3A_304 : i32
      %and3A = arith.andi %ne3A, %ne3A_305 : i1
      %sub3A_306 = arith.constant 1 : i32
      %sub3A_307 = arith.subi %div3A, %sub3A_306 : i32
      %select_n3A_308 = arith.select %and3A, %sub3A_307, %div3A : i32
      %scan3A = arith.constant 1073741824 : i32
      %scan3A_309 = arith.constant 0 : i32
      %scan3A_310 = arith.constant 30 : i32
      %scan3A_311 = arith.addi %scan3A_309, %scan3A_310 : i32
      %scan3A_312 = arith.constant 1 : i32
      %scan3A_313 = scf.for %scan3A_345 = %scan3A_309 to %scan3A_311 step %scan3A_312 iter_args(%scan3A_346 = %scan3A) -> (i32)  : i32 {
        %sub3A_347 = arith.constant 29 : i32
        %sub3A_348 = arith.subi %sub3A_347, %scan3A_345 : i32
        %shift_left3A = arith.constant 1 : i32
        %shift_left3A_349 = arith.shli %shift_left3A, %sub3A_348 : i32
        %or3A = arith.ori %scan3A_346, %shift_left3A_349 : i32
        %xor3A_350 = arith.constant -2147483648 : i32
        %xor3A_351 = arith.xori %or3A, %xor3A_350 : i32
        %broadcast_in_dim3A_352 = arith.constant 0 : i32
        %broadcast_in_dim3A_353 = vector.broadcast %broadcast_in_dim3A_352 : i32 to vector<16xi32>
        %mul3A_354 = arith.constant 4 : i32
        %mul3A_355 = arith.muli %select_n3A_308, %mul3A_354 : i32
        %parallel_loop3A_356 = arith.constant 0 : i32
        %parallel_loop3A_357 = arith.constant 1 : i32
        %parallel_loop3A_358 = scf.for %parallel_loop3A_367 = %parallel_loop3A_356 to %mul3A_355 step %parallel_loop3A_357 iter_args(%parallel_loop3A_368 = %broadcast_in_dim3A_353) -> (vector<16xi32>)  : i32 {
          %parallel_loop3A_369 = arith.constant 16 : i32
          %parallel_loop3A_370 = arith.muli %parallel_loop3A_367, %parallel_loop3A_369 : i32
          %parallel_loop3A_371 = arith.index_cast %parallel_loop3A_370 : i32 to index
          %parallel_loop3A_372 = tpu.vector_load %arg6[%parallel_loop3A_371] {strides = array<i32>} : memref<32832xi32, #tpu.memory_space<vmem>>, vector<16xi32>,
          %parallel_loop3A_373 = vector.broadcast %xor3A_351 : i32 to vector<16xi32>
          %parallel_loop3A_374 = arith.cmpi slt, %parallel_loop3A_372, %parallel_loop3A_373 : vector<16xi32>
          %parallel_loop3A_375 = vector.broadcast %parallel_loop3A_367 : i32 to vector<16xi32>
          %parallel_loop3A_376 = arith.cmpi slt, %parallel_loop3A_375, %shift_right_arithmetic3A_253 : vector<16xi32>
          %parallel_loop3A_377 = arith.andi %parallel_loop3A_374, %parallel_loop3A_376 : vector<16xi1>
          %parallel_loop3A_378 = arith.extui %parallel_loop3A_377 : vector<16xi1> to vector<16xi32>
          %parallel_loop3A_379 = arith.addi %parallel_loop3A_368, %parallel_loop3A_378 : vector<16xi32>
          scf.yield %parallel_loop3A_379 : vector<16xi32>
        } {sc.loop_unroll_factor = 4 : i64, sc.parallel_access}
        %reduce_sum3A_359 = arith.constant true
        %reduce_sum3A_360 = vector.broadcast %reduce_sum3A_359 : i1 to vector<16xi1>
        %reduce_sum3A_361 = tpu.scan <sum>, %parallel_loop3A_358 masked %reduce_sum3A_360 : vector<16xi32>, vector<16xi1> -> vector<16xi32>
        %reduce_sum3A_362 = vector.extract %reduce_sum3A_361[15] : i32 from vector<16xi32>
        %sub3A_363 = arith.constant 255 : i32
        %sub3A_364 = arith.subi %reduce_sum3A_257, %sub3A_363 : i32
        %ge3A_365 = arith.cmpi sge, %reduce_sum3A_362, %sub3A_364 : i32
        %select_n3A_366 = arith.select %ge3A_365, %scan3A_346, %or3A : i32
        scf.yield %select_n3A_366 : i32
      }
      %scan3A_314 = arith.constant 30 : i32
      %xor3A = arith.constant -2147483648 : i32
      %xor3A_315 = arith.xori %scan3A_313, %xor3A : i32
      %broadcast_in_dim3A_316 = arith.constant 0 : i32
      %broadcast_in_dim3A_317 = vector.broadcast %broadcast_in_dim3A_316 : i32 to vector<16xi32>
      %mul3A_318 = arith.constant 4 : i32
      %mul3A_319 = arith.muli %select_n3A_308, %mul3A_318 : i32
      %parallel_loop3A_320 = arith.constant 0 : i32
      %parallel_loop3A_321 = arith.constant 1 : i32
      %parallel_loop3A_322 = scf.for %parallel_loop3A_345 = %parallel_loop3A_320 to %mul3A_319 step %parallel_loop3A_321 iter_args(%parallel_loop3A_346 = %broadcast_in_dim3A_317) -> (vector<16xi32>)  : i32 {
        %parallel_loop3A_347 = arith.constant 16 : i32
        %parallel_loop3A_348 = arith.muli %parallel_loop3A_345, %parallel_loop3A_347 : i32
        %parallel_loop3A_349 = arith.index_cast %parallel_loop3A_348 : i32 to index
        %parallel_loop3A_350 = tpu.vector_load %arg6[%parallel_loop3A_349] {strides = array<i32>} : memref<32832xi32, #tpu.memory_space<vmem>>, vector<16xi32>,
        %parallel_loop3A_351 = vector.broadcast %xor3A_315 : i32 to vector<16xi32>
        %parallel_loop3A_352 = arith.cmpi sgt, %parallel_loop3A_350, %parallel_loop3A_351 : vector<16xi32>
        %parallel_loop3A_353 = vector.broadcast %parallel_loop3A_345 : i32 to vector<16xi32>
        %parallel_loop3A_354 = arith.cmpi slt, %parallel_loop3A_353, %shift_right_arithmetic3A_253 : vector<16xi32>
        %parallel_loop3A_355 = arith.andi %parallel_loop3A_352, %parallel_loop3A_354 : vector<16xi1>
        %parallel_loop3A_356 = arith.extui %parallel_loop3A_355 : vector<16xi1> to vector<16xi32>
        %parallel_loop3A_357 = arith.addi %parallel_loop3A_346, %parallel_loop3A_356 : vector<16xi32>
        scf.yield %parallel_loop3A_357 : vector<16xi32>
      } {sc.loop_unroll_factor = 4 : i64, sc.parallel_access}
      %reduce_sum3A_323 = arith.constant true
      %reduce_sum3A_324 = vector.broadcast %reduce_sum3A_323 : i1 to vector<16xi1>
      %reduce_sum3A_325 = tpu.scan <sum>, %parallel_loop3A_322 masked %reduce_sum3A_324 : vector<16xi32>, vector<16xi1> -> vector<16xi32>
      %reduce_sum3A_326 = vector.extract %reduce_sum3A_325[15] : i32 from vector<16xi32>
      %broadcast_in_dim3A_327 = arith.constant 0 : i32
      %broadcast_in_dim3A_328 = vector.broadcast %broadcast_in_dim3A_327 : i32 to vector<16xi32>
      %mul3A_329 = arith.constant 4 : i32
      %mul3A_330 = arith.muli %select_n3A_308, %mul3A_329 : i32
      %parallel_loop3A_331 = arith.constant 0 : i32
      %parallel_loop3A_332 = arith.constant 1 : i32
      %parallel_loop3A_333 = scf.for %parallel_loop3A_345 = %parallel_loop3A_331 to %mul3A_330 step %parallel_loop3A_332 iter_args(%parallel_loop3A_346 = %broadcast_in_dim3A_328) -> (vector<16xi32>)  : i32 {
        %parallel_loop3A_347 = arith.constant 16 : i32
        %parallel_loop3A_348 = arith.muli %parallel_loop3A_345, %parallel_loop3A_347 : i32
        %parallel_loop3A_349 = arith.index_cast %parallel_loop3A_348 : i32 to index
        %parallel_loop3A_350 = tpu.vector_load %arg6[%parallel_loop3A_349] {strides = array<i32>} : memref<32832xi32, #tpu.memory_space<vmem>>, vector<16xi32>,
        %parallel_loop3A_351 = vector.broadcast %xor3A_315 : i32 to vector<16xi32>
        %parallel_loop3A_352 = arith.cmpi eq, %parallel_loop3A_350, %parallel_loop3A_351 : vector<16xi32>
        %parallel_loop3A_353 = vector.broadcast %parallel_loop3A_345 : i32 to vector<16xi32>
        %parallel_loop3A_354 = arith.cmpi slt, %parallel_loop3A_353, %shift_right_arithmetic3A_253 : vector<16xi32>
        %parallel_loop3A_355 = arith.andi %parallel_loop3A_352, %parallel_loop3A_354 : vector<16xi1>
        %parallel_loop3A_356 = arith.extui %parallel_loop3A_355 : vector<16xi1> to vector<16xi32>
        %parallel_loop3A_357 = arith.addi %parallel_loop3A_346, %parallel_loop3A_356 : vector<16xi32>
        scf.yield %parallel_loop3A_357 : vector<16xi32>
      } {sc.loop_unroll_factor = 4 : i64, sc.parallel_access}
      %reduce_sum3A_334 = arith.constant true
      %reduce_sum3A_335 = vector.broadcast %reduce_sum3A_334 : i1 to vector<16xi1>
      %reduce_sum3A_336 = tpu.scan <sum>, %parallel_loop3A_333 masked %reduce_sum3A_335 : vector<16xi32>, vector<16xi1> -> vector<16xi32>
      %reduce_sum3A_337 = vector.extract %reduce_sum3A_336[15] : i32 from vector<16xi32>
      %bitcast_convert_type3A = arith.bitcast %xor3A_315 : i32 to f32
      %sub3A_338 = arith.constant 256 : i32
      %sub3A_339 = arith.subi %sub3A_338, %reduce_sum3A_326 : i32
      %eq3A_340 = arith.cmpi eq, %reduce_sum3A_337, %sub3A_339 : i32
      %convert_element_type3A_341 = arith.extui %eq3A_340 : i1 to i32
      %cond3A_342 = arith.constant 0 : i32
      %cond3A_343 = arith.cmpi ne, %convert_element_type3A_341, %cond3A_342 : i32
      %cond3A_344 = scf.if %cond3A_343 -> (i32) {
        %cond3A_345 = arith.constant 32767 : i32
        scf.yield %cond3A_345 : i32
      } else {
        %scan3A_345 = arith.constant 0 : i32
        %scan3A_346 = arith.constant 0 : i32
        %scan3A_347 = arith.constant 15 : i32
        %scan3A_348 = arith.addi %scan3A_346, %scan3A_347 : i32
        %scan3A_349 = arith.constant 1 : i32
        %scan3A_350 = scf.for %scan3A_352 = %scan3A_346 to %scan3A_348 step %scan3A_349 iter_args(%scan3A_353 = %scan3A_345) -> (i32)  : i32 {
          %sub3A_354 = arith.constant 14 : i32
          %sub3A_355 = arith.subi %sub3A_354, %scan3A_352 : i32
          %shift_left3A = arith.constant 1 : i32
          %shift_left3A_356 = arith.shli %shift_left3A, %sub3A_355 : i32
          %or3A = arith.ori %scan3A_353, %shift_left3A_356 : i32
          %broadcast_in_dim3A_357 = arith.constant 0 : i32
          %broadcast_in_dim3A_358 = vector.broadcast %broadcast_in_dim3A_357 : i32 to vector<16xi32>
          %parallel_loop3A_359 = arith.constant 0 : i32
          %parallel_loop3A_360 = arith.constant 2048 : i32
          %parallel_loop3A_361 = arith.constant 1 : i32
          %parallel_loop3A_362 = scf.for %parallel_loop3A_369 = %parallel_loop3A_359 to %parallel_loop3A_360 step %parallel_loop3A_361 iter_args(%parallel_loop3A_370 = %broadcast_in_dim3A_358) -> (vector<16xi32>)  : i32 {
            %parallel_loop3A_371 = arith.constant 16 : i32
            %parallel_loop3A_372 = arith.muli %parallel_loop3A_369, %parallel_loop3A_371 : i32
            %parallel_loop3A_373 = arith.index_cast %parallel_loop3A_372 : i32 to index
            %parallel_loop3A_374 = tpu.vector_load %arg5[%parallel_loop3A_373] {strides = array<i32>} : memref<32768xf32, #tpu.memory_space<vmem>>, vector<16xf32>,
            %parallel_loop3A_375 = vector.broadcast %bitcast_convert_type3A : f32 to vector<16xf32>
            %parallel_loop3A_376 = arith.cmpf oeq, %parallel_loop3A_374, %parallel_loop3A_375 : vector<16xf32>
            %parallel_loop3A_377 = arith.constant 16 : i32
            %parallel_loop3A_378 = arith.muli %parallel_loop3A_369, %parallel_loop3A_377 : i32
            %parallel_loop3A_379 = vector.broadcast %parallel_loop3A_378 : i32 to vector<16xi32>
            %parallel_loop3A_380 = arith.addi %iota3A, %parallel_loop3A_379 : vector<16xi32>
            %parallel_loop3A_381 = vector.broadcast %or3A : i32 to vector<16xi32>
            %parallel_loop3A_382 = arith.cmpi slt, %parallel_loop3A_380, %parallel_loop3A_381 : vector<16xi32>
            %parallel_loop3A_383 = arith.andi %parallel_loop3A_376, %parallel_loop3A_382 : vector<16xi1>
            %parallel_loop3A_384 = arith.extui %parallel_loop3A_383 : vector<16xi1> to vector<16xi32>
            %parallel_loop3A_385 = arith.addi %parallel_loop3A_370, %parallel_loop3A_384 : vector<16xi32>
            scf.yield %parallel_loop3A_385 : vector<16xi32>
          } {sc.loop_unroll_factor = 4 : i64, sc.parallel_access}
          %reduce_sum3A_363 = arith.constant true
          %reduce_sum3A_364 = vector.broadcast %reduce_sum3A_363 : i1 to vector<16xi1>
          %reduce_sum3A_365 = tpu.scan <sum>, %parallel_loop3A_362 masked %reduce_sum3A_364 : vector<16xi32>, vector<16xi1> -> vector<16xi32>
          %reduce_sum3A_366 = vector.extract %reduce_sum3A_365[15] : i32 from vector<16xi32>
          %ge3A_367 = arith.cmpi sge, %reduce_sum3A_366, %sub3A_339 : i32
          %select_n3A_368 = arith.select %ge3A_367, %scan3A_353, %or3A : i32
          scf.yield %select_n3A_368 : i32
        }
        %scan3A_351 = arith.constant 15 : i32
        scf.yield %scan3A_350 : i32
      }
      scf.yield %xor3A_315, %cond3A_344 : i32, i32
    } else {
      %scan3A = arith.constant 0 : i32
      %scan3A_287 = arith.constant 0 : i32
      %scan3A_288 = arith.constant 32 : i32
      %scan3A_289 = arith.addi %scan3A_287, %scan3A_288 : i32
      %scan3A_290 = arith.constant 1 : i32
      %scan3A_291 = scf.for %scan3A_324 = %scan3A_287 to %scan3A_289 step %scan3A_290 iter_args(%scan3A_325 = %scan3A) -> (i32)  : i32 {
        %sub3A_326 = arith.constant 31 : i32
        %sub3A_327 = arith.subi %sub3A_326, %scan3A_324 : i32
        %shift_left3A = arith.constant 1 : i32
        %shift_left3A_328 = arith.shli %shift_left3A, %sub3A_327 : i32
        %or3A = arith.ori %scan3A_325, %shift_left3A_328 : i32
        %xor3A_329 = arith.constant -2147483648 : i32
        %xor3A_330 = arith.xori %or3A, %xor3A_329 : i32
        %broadcast_in_dim3A_331 = arith.constant 0 : i32
        %broadcast_in_dim3A_332 = vector.broadcast %broadcast_in_dim3A_331 : i32 to vector<16xi32>
        %parallel_loop3A_333 = arith.constant 0 : i32
        %parallel_loop3A_334 = arith.constant 2048 : i32
        %parallel_loop3A_335 = arith.constant 1 : i32
        %parallel_loop3A_336 = scf.for %parallel_loop3A_344 = %parallel_loop3A_333 to %parallel_loop3A_334 step %parallel_loop3A_335 iter_args(%parallel_loop3A_345 = %broadcast_in_dim3A_332) -> (vector<16xi32>)  : i32 {
          %parallel_loop3A_346 = arith.constant 16 : i32
          %parallel_loop3A_347 = arith.muli %parallel_loop3A_344, %parallel_loop3A_346 : i32
          %parallel_loop3A_348 = arith.index_cast %parallel_loop3A_347 : i32 to index
          %parallel_loop3A_349 = tpu.vector_load %arg5[%parallel_loop3A_348] {strides = array<i32>} : memref<32768xf32, #tpu.memory_space<vmem>>, vector<16xf32>,
          %parallel_loop3A_350 = tpu.bitcast %parallel_loop3A_349 : vector<16xf32> -> vector<16xi32>
          %parallel_loop3A_351 = arith.constant 31 : i32
          %parallel_loop3A_352 = vector.broadcast %parallel_loop3A_351 : i32 to vector<16xi32>
          %parallel_loop3A_353 = arith.shrsi %parallel_loop3A_350, %parallel_loop3A_352 : vector<16xi32>
          %parallel_loop3A_354 = arith.constant 2147483647 : i32
          %parallel_loop3A_355 = vector.broadcast %parallel_loop3A_354 : i32 to vector<16xi32>
          %parallel_loop3A_356 = arith.andi %parallel_loop3A_353, %parallel_loop3A_355 : vector<16xi32>
          %parallel_loop3A_357 = arith.xori %parallel_loop3A_350, %parallel_loop3A_356 : vector<16xi32>
          %parallel_loop3A_358 = vector.broadcast %xor3A_330 : i32 to vector<16xi32>
          %parallel_loop3A_359 = arith.cmpi slt, %parallel_loop3A_357, %parallel_loop3A_358 : vector<16xi32>
          %parallel_loop3A_360 = arith.extui %parallel_loop3A_359 : vector<16xi1> to vector<16xi32>
          %parallel_loop3A_361 = arith.addi %parallel_loop3A_345, %parallel_loop3A_360 : vector<16xi32>
          scf.yield %parallel_loop3A_361 : vector<16xi32>
        } {sc.loop_unroll_factor = 4 : i64, sc.parallel_access}
        %reduce_sum3A_337 = arith.constant true
        %reduce_sum3A_338 = vector.broadcast %reduce_sum3A_337 : i1 to vector<16xi1>
        %reduce_sum3A_339 = tpu.scan <sum>, %parallel_loop3A_336 masked %reduce_sum3A_338 : vector<16xi32>, vector<16xi1> -> vector<16xi32>
        %reduce_sum3A_340 = vector.extract %reduce_sum3A_339[15] : i32 from vector<16xi32>
        %ge3A_341 = arith.constant 256 : i32
        %ge3A_342 = arith.cmpi sge, %reduce_sum3A_340, %ge3A_341 : i32
        %select_n3A_343 = arith.select %ge3A_342, %scan3A_325, %or3A : i32
        scf.yield %select_n3A_343 : i32
      }
      %scan3A_292 = arith.constant 32 : i32
      %xor3A = arith.constant -2147483648 : i32
      %xor3A_293 = arith.xori %scan3A_291, %xor3A : i32
      %lt3A = arith.constant 0 : i32
      %lt3A_294 = arith.cmpi slt, %xor3A_293, %lt3A : i32
      %xor3A_295 = arith.constant 2147483647 : i32
      %xor3A_296 = arith.xori %xor3A_293, %xor3A_295 : i32
      %select_n3A_297 = arith.select %lt3A_294, %xor3A_296, %xor3A_293 : i32
      %bitcast_convert_type3A = arith.bitcast %select_n3A_297 : i32 to f32
      %broadcast_in_dim3A_298 = arith.constant 0 : i32
      %broadcast_in_dim3A_299 = vector.broadcast %broadcast_in_dim3A_298 : i32 to vector<16xi32>
      %parallel_loop3A_300 = arith.constant 0 : i32
      %parallel_loop3A_301 = arith.constant 2048 : i32
      %parallel_loop3A_302 = arith.constant 1 : i32
      %parallel_loop3A_303 = scf.for %parallel_loop3A_324 = %parallel_loop3A_300 to %parallel_loop3A_301 step %parallel_loop3A_302 iter_args(%parallel_loop3A_325 = %broadcast_in_dim3A_299) -> (vector<16xi32>)  : i32 {
        %parallel_loop3A_326 = arith.constant 16 : i32
        %parallel_loop3A_327 = arith.muli %parallel_loop3A_324, %parallel_loop3A_326 : i32
        %parallel_loop3A_328 = arith.index_cast %parallel_loop3A_327 : i32 to index
        %parallel_loop3A_329 = tpu.vector_load %arg5[%parallel_loop3A_328] {strides = array<i32>} : memref<32768xf32, #tpu.memory_space<vmem>>, vector<16xf32>,
        %parallel_loop3A_330 = vector.broadcast %bitcast_convert_type3A : f32 to vector<16xf32>
        %parallel_loop3A_331 = arith.cmpf olt, %parallel_loop3A_329, %parallel_loop3A_330 : vector<16xf32>
        %parallel_loop3A_332 = arith.extui %parallel_loop3A_331 : vector<16xi1> to vector<16xi32>
        %parallel_loop3A_333 = arith.addi %parallel_loop3A_325, %parallel_loop3A_332 : vector<16xi32>
        scf.yield %parallel_loop3A_333 : vector<16xi32>
      } {sc.loop_unroll_factor = 4 : i64, sc.parallel_access}
      %reduce_sum3A_304 = arith.constant true
      %reduce_sum3A_305 = vector.broadcast %reduce_sum3A_304 : i1 to vector<16xi1>
      %reduce_sum3A_306 = tpu.scan <sum>, %parallel_loop3A_303 masked %reduce_sum3A_305 : vector<16xi32>, vector<16xi1> -> vector<16xi32>
      %reduce_sum3A_307 = vector.extract %reduce_sum3A_306[15] : i32 from vector<16xi32>
      %broadcast_in_dim3A_308 = arith.constant 0 : i32
      %broadcast_in_dim3A_309 = vector.broadcast %broadcast_in_dim3A_308 : i32 to vector<16xi32>
      %parallel_loop3A_310 = arith.constant 0 : i32
      %parallel_loop3A_311 = arith.constant 2048 : i32
      %parallel_loop3A_312 = arith.constant 1 : i32
      %parallel_loop3A_313 = scf.for %parallel_loop3A_324 = %parallel_loop3A_310 to %parallel_loop3A_311 step %parallel_loop3A_312 iter_args(%parallel_loop3A_325 = %broadcast_in_dim3A_309) -> (vector<16xi32>)  : i32 {
        %parallel_loop3A_326 = arith.constant 16 : i32
        %parallel_loop3A_327 = arith.muli %parallel_loop3A_324, %parallel_loop3A_326 : i32
        %parallel_loop3A_328 = arith.index_cast %parallel_loop3A_327 : i32 to index
        %parallel_loop3A_329 = tpu.vector_load %arg5[%parallel_loop3A_328] {strides = array<i32>} : memref<32768xf32, #tpu.memory_space<vmem>>, vector<16xf32>,
        %parallel_loop3A_330 = vector.broadcast %bitcast_convert_type3A : f32 to vector<16xf32>
        %parallel_loop3A_331 = arith.cmpf oeq, %parallel_loop3A_329, %parallel_loop3A_330 : vector<16xf32>
        %parallel_loop3A_332 = arith.extui %parallel_loop3A_331 : vector<16xi1> to vector<16xi32>
        %parallel_loop3A_333 = arith.addi %parallel_loop3A_325, %parallel_loop3A_332 : vector<16xi32>
        scf.yield %parallel_loop3A_333 : vector<16xi32>
      } {sc.loop_unroll_factor = 4 : i64, sc.parallel_access}
      %reduce_sum3A_314 = arith.constant true
      %reduce_sum3A_315 = vector.broadcast %reduce_sum3A_314 : i1 to vector<16xi1>
      %reduce_sum3A_316 = tpu.scan <sum>, %parallel_loop3A_313 masked %reduce_sum3A_315 : vector<16xi32>, vector<16xi1> -> vector<16xi32>
      %reduce_sum3A_317 = vector.extract %reduce_sum3A_316[15] : i32 from vector<16xi32>
      %sub3A = arith.constant 256 : i32
      %sub3A_318 = arith.subi %sub3A, %reduce_sum3A_307 : i32
      %eq3A_319 = arith.cmpi eq, %reduce_sum3A_317, %sub3A_318 : i32
      %convert_element_type3A_320 = arith.extui %eq3A_319 : i1 to i32
      %cond3A_321 = arith.constant 0 : i32
      %cond3A_322 = arith.cmpi ne, %convert_element_type3A_320, %cond3A_321 : i32
      %cond3A_323 = scf.if %cond3A_322 -> (i32) {
        %cond3A_324 = arith.constant 32767 : i32
        scf.yield %cond3A_324 : i32
      } else {
        %scan3A_324 = arith.constant 0 : i32
        %scan3A_325 = arith.constant 0 : i32
        %scan3A_326 = arith.constant 15 : i32
        %scan3A_327 = arith.addi %scan3A_325, %scan3A_326 : i32
        %scan3A_328 = arith.constant 1 : i32
        %scan3A_329 = scf.for %scan3A_331 = %scan3A_325 to %scan3A_327 step %scan3A_328 iter_args(%scan3A_332 = %scan3A_324) -> (i32)  : i32 {
          %sub3A_333 = arith.constant 14 : i32
          %sub3A_334 = arith.subi %sub3A_333, %scan3A_331 : i32
          %shift_left3A = arith.constant 1 : i32
          %shift_left3A_335 = arith.shli %shift_left3A, %sub3A_334 : i32
          %or3A = arith.ori %scan3A_332, %shift_left3A_335 : i32
          %broadcast_in_dim3A_336 = arith.constant 0 : i32
          %broadcast_in_dim3A_337 = vector.broadcast %broadcast_in_dim3A_336 : i32 to vector<16xi32>
          %parallel_loop3A_338 = arith.constant 0 : i32
          %parallel_loop3A_339 = arith.constant 2048 : i32
          %parallel_loop3A_340 = arith.constant 1 : i32
          %parallel_loop3A_341 = scf.for %parallel_loop3A_348 = %parallel_loop3A_338 to %parallel_loop3A_339 step %parallel_loop3A_340 iter_args(%parallel_loop3A_349 = %broadcast_in_dim3A_337) -> (vector<16xi32>)  : i32 {
            %parallel_loop3A_350 = arith.constant 16 : i32
            %parallel_loop3A_351 = arith.muli %parallel_loop3A_348, %parallel_loop3A_350 : i32
            %parallel_loop3A_352 = arith.index_cast %parallel_loop3A_351 : i32 to index
            %parallel_loop3A_353 = tpu.vector_load %arg5[%parallel_loop3A_352] {strides = array<i32>} : memref<32768xf32, #tpu.memory_space<vmem>>, vector<16xf32>,
            %parallel_loop3A_354 = vector.broadcast %bitcast_convert_type3A : f32 to vector<16xf32>
            %parallel_loop3A_355 = arith.cmpf oeq, %parallel_loop3A_353, %parallel_loop3A_354 : vector<16xf32>
            %parallel_loop3A_356 = arith.constant 16 : i32
            %parallel_loop3A_357 = arith.muli %parallel_loop3A_348, %parallel_loop3A_356 : i32
            %parallel_loop3A_358 = vector.broadcast %parallel_loop3A_357 : i32 to vector<16xi32>
            %parallel_loop3A_359 = arith.addi %iota3A, %parallel_loop3A_358 : vector<16xi32>
            %parallel_loop3A_360 = vector.broadcast %or3A : i32 to vector<16xi32>
            %parallel_loop3A_361 = arith.cmpi slt, %parallel_loop3A_359, %parallel_loop3A_360 : vector<16xi32>
            %parallel_loop3A_362 = arith.andi %parallel_loop3A_355, %parallel_loop3A_361 : vector<16xi1>
            %parallel_loop3A_363 = arith.extui %parallel_loop3A_362 : vector<16xi1> to vector<16xi32>
            %parallel_loop3A_364 = arith.addi %parallel_loop3A_349, %parallel_loop3A_363 : vector<16xi32>
            scf.yield %parallel_loop3A_364 : vector<16xi32>
          } {sc.loop_unroll_factor = 4 : i64, sc.parallel_access}
          %reduce_sum3A_342 = arith.constant true
          %reduce_sum3A_343 = vector.broadcast %reduce_sum3A_342 : i1 to vector<16xi1>
          %reduce_sum3A_344 = tpu.scan <sum>, %parallel_loop3A_341 masked %reduce_sum3A_343 : vector<16xi32>, vector<16xi1> -> vector<16xi32>
          %reduce_sum3A_345 = vector.extract %reduce_sum3A_344[15] : i32 from vector<16xi32>
          %ge3A_346 = arith.cmpi sge, %reduce_sum3A_345, %sub3A_318 : i32
          %select_n3A_347 = arith.select %ge3A_346, %scan3A_332, %or3A : i32
          scf.yield %select_n3A_347 : i32
        }
        %scan3A_330 = arith.constant 15 : i32
        scf.yield %scan3A_329 : i32
      }
      scf.yield %select_n3A_297, %cond3A_323 : i32, i32
    }
    %eq3A_273 = arith.constant 0 : i32
    %eq3A_274 = vector.broadcast %eq3A_273 : i32 to vector<16xi32>
    %eq3A_275 = arith.cmpi eq, %iota3A, %eq3A_274 : vector<16xi32>
    %eq3A_276 = arith.constant 1 : i32
    %eq3A_277 = vector.broadcast %eq3A_276 : i32 to vector<16xi32>
    %eq3A_278 = arith.cmpi eq, %iota3A, %eq3A_277 : vector<16xi32>
    %jit3A_279 = arith.constant 0 : i32
    %broadcast_in_dim3A_280 = vector.broadcast %cond3A_272#1 : i32 to vector<16xi32>
    %broadcast_in_dim3A_281 = vector.broadcast %jit3A_279 : i32 to vector<16xi32>
    %select_n3A_282 = arith.select %eq3A_278, %broadcast_in_dim3A_280, %broadcast_in_dim3A_281 : vector<16xi1>, vector<16xi32>
    %broadcast_in_dim3A_283 = vector.broadcast %cond3A_272#0 : i32 to vector<16xi32>
    %select_n3A_284 = arith.select %eq3A_275, %broadcast_in_dim3A_283, %select_n3A_282 : vector<16xi1>, vector<16xi32>
    %swap3A_285 = arith.constant 0 : index
    %swap3A_286 = tpu.vector_load %arg7[%swap3A_285] {strides = array<i32>} : memref<16xi32, #tpu.memory_space<vmem>>, vector<16xi32>,
    tpu.vector_store %arg7[%swap3A_285], %select_n3A_284 {strides = array<i32>} : memref<16xi32, #tpu.memory_space<vmem>>, vector<16xi32>,
    "tpu.region"() ({
      %run_scoped3A = tpu.sem_alloc : memref<!tpu.dma_semaphore, #tpu.memory_space<semaphore_mem>>
      %dma_start3A_287 = arith.constant 0 : i32
      %dma_start3A_288 = tpu.memref_slice %arg3[%add3A_192, %dma_start3A_287] : memref<64x16xi32, #tpu.memory_space<hbm>> -> memref<1x16xi32, #tpu.memory_space<hbm>>
      %dma_start3A_289 = tpu.memref_squeeze %dma_start3A_288 : memref<1x16xi32, #tpu.memory_space<hbm>> -> memref<16xi32, #tpu.memory_space<hbm>>
      %dma_start3A_290 = arith.constant 0 : i32
      %dma_start3A_291 = tpu.memref_slice %arg3[%add3A_192, %dma_start3A_290] : memref<64x16xi32, #tpu.memory_space<hbm>> -> memref<1x16xi32, #tpu.memory_space<hbm>>
      %dma_start3A_292 = tpu.memref_squeeze %dma_start3A_291 : memref<1x16xi32, #tpu.memory_space<hbm>> -> memref<16xi32, #tpu.memory_space<hbm>>
      tpu.enqueue_dma source(%arg7 : memref<16xi32, #tpu.memory_space<vmem>>) target(%dma_start3A_292 : memref<16xi32, #tpu.memory_space<hbm>>) target_semaphore(%run_scoped3A : memref<!tpu.dma_semaphore, #tpu.memory_space<semaphore_mem>>)
      %dma_wait3A_293 = arith.constant 0 : i32
      %dma_wait3A_294 = tpu.memref_slice %arg3[%add3A_192, %dma_wait3A_293] : memref<64x16xi32, #tpu.memory_space<hbm>> -> memref<1x16xi32, #tpu.memory_space<hbm>>
      %dma_wait3A_295 = tpu.memref_squeeze %dma_wait3A_294 : memref<1x16xi32, #tpu.memory_space<hbm>> -> memref<16xi32, #tpu.memory_space<hbm>>
      %dma_wait3A_296 = arith.constant 0 : i32
      %dma_wait3A_297 = tpu.memref_slice %arg3[%add3A_192, %dma_wait3A_296] : memref<64x16xi32, #tpu.memory_space<hbm>> -> memref<1x16xi32, #tpu.memory_space<hbm>>
      %dma_wait3A_298 = tpu.memref_squeeze %dma_wait3A_297 : memref<1x16xi32, #tpu.memory_space<hbm>> -> memref<16xi32, #tpu.memory_space<hbm>>
      tpu.wait_dma2 semaphore(%run_scoped3A : memref<!tpu.dma_semaphore, #tpu.memory_space<semaphore_mem>>) src(%arg7 : memref<16xi32, #tpu.memory_space<vmem>>) dst(%dma_wait3A_298 : memref<16xi32, #tpu.memory_space<hbm>>)
      tpu.yield
    }) : () -> ()
    return
  }
}

module attributes {stable_mosaic.version = 14 : i64} {
  func.func @_colsum_body(%arg0: i32, %arg1: memref<64x16384xf32, #tpu.memory_space<vmem>>, %arg2: memref<64x16384xf32, #tpu.memory_space<vmem>>, %arg3: memref<1x16384xf32, #tpu.memory_space<vmem>>) attributes {dimension_semantics = [#tpu.dimension_semantics<arbitrary>], iteration_bounds = array<i64: 2>, scalar_prefetch = 0 : i64, scratch_operands = 0 : i64, tpu.core_type = #tpu.core_type<tc>, window_params = [{transform_indices = @transform_0, window_bounds = array<i64: 64, 16384>}, {transform_indices = @transform_1, window_bounds = array<i64: 64, 16384>}, {transform_indices = @transform_2, window_bounds = array<i64: 1, 16384>}]} {
    %get3A = arith.constant 0 : index
    %get3A_0 = arith.constant 0 : index
    %get3A_1 = vector.load %arg1[%get3A, %get3A_0] : memref<64x16384xf32, #tpu.memory_space<vmem>>, vector<64x16384xf32>
    %get3A_2 = arith.constant 0 : index
    %get3A_3 = arith.constant 0 : index
    %get3A_4 = vector.load %arg2[%get3A_2, %get3A_3] : memref<64x16384xf32, #tpu.memory_space<vmem>>, vector<64x16384xf32>
    %sub3A = arith.subf %get3A_1, %get3A_4 : vector<64x16384xf32>
    %mul3A = arith.mulf %sub3A, %sub3A : vector<64x16384xf32>
    %reduce_sum3A = arith.constant dense<0.000000e+00> : vector<16384xf32>
    %reduce_sum3A_5 = vector.multi_reduction <add>, %mul3A, %reduce_sum3A [0] : vector<64x16384xf32> to vector<16384xf32>
    %broadcast_in_dim3A = vector.shape_cast %reduce_sum3A_5 : vector<16384xf32> to vector<1x16384xf32>
    %swap3A = arith.constant 0 : index
    %swap3A_6 = arith.constant 0 : index
    %swap3A_7 = vector.load %arg3[%swap3A, %swap3A_6] : memref<1x16384xf32, #tpu.memory_space<vmem>>, vector<1x16384xf32>
    tpu.vector_store %arg3[%swap3A, %swap3A_6], %broadcast_in_dim3A {strides = array<i32>} : memref<1x16384xf32, #tpu.memory_space<vmem>>, vector<1x16384xf32>,
    return
  }
  func.func @transform_0(%arg0: i32) -> (i32, i32) {
    %c0_i32 = arith.constant 0 : i32
    %c0_i32_0 = arith.constant 0 : i32
    return %c0_i32, %arg0 : i32, i32
  }
  func.func @transform_1(%arg0: i32) -> (i32, i32) {
    %c0_i32 = arith.constant 0 : i32
    %c0_i32_0 = arith.constant 0 : i32
    return %c0_i32, %arg0 : i32, i32
  }
  func.func @transform_2(%arg0: i32) -> (i32, i32) {
    %c0_i32 = arith.constant 0 : i32
    %c0_i32_0 = arith.constant 0 : i32
    return %c0_i32, %arg0 : i32, i32
  }
}

module attributes {stable_mosaic.version = 14 : i64} {
  func.func @_combine_body(%arg0: i32, %arg1: memref<64x16384xf32, #tpu.memory_space<vmem>>, %arg2: memref<1x16384xf32, #tpu.memory_space<vmem>>, %arg3: memref<64x16xi32, #tpu.memory_space<vmem>>, %arg4: memref<1x1xf32, #tpu.memory_space<vmem>>) attributes {dimension_semantics = [#tpu.dimension_semantics<arbitrary>], iteration_bounds = array<i64: 2>, scalar_prefetch = 0 : i64, scratch_operands = 0 : i64, tpu.core_type = #tpu.core_type<tc>, window_params = [{transform_indices = @transform_0, window_bounds = array<i64: 64, 16384>}, {transform_indices = @transform_1, window_bounds = array<i64: 1, 16384>}, {pipeline_mode = #tpu.pipeline_mode<synchronous>, transform_indices = @transform_2, window_bounds = array<i64: 64, 16>}, {pipeline_mode = #tpu.pipeline_mode<synchronous>, transform_indices = @transform_3, window_bounds = array<i64: 1, 1>}]} {
    %get3A = arith.constant 0 : index
    %get3A_0 = arith.constant 0 : index
    %get3A_1 = vector.load %arg1[%get3A, %get3A_0] : memref<64x16384xf32, #tpu.memory_space<vmem>>, vector<64x16384xf32>
    %get3A_2 = arith.constant 0 : index
    %get3A_3 = arith.constant 0 : index
    %get3A_4 = vector.load %arg2[%get3A_2, %get3A_3] : memref<1x16384xf32, #tpu.memory_space<vmem>>, vector<1x16384xf32>
    %get3A_5 = arith.constant 0 : index
    %get3A_6 = arith.constant 0 : index
    %get3A_7 = vector.load %arg3[%get3A_5, %get3A_6] : memref<64x16xi32, #tpu.memory_space<vmem>>, vector<64x1xi32>
    %bitcast_convert_type3A = tpu.bitcast %get3A_7 : vector<64x1xi32> -> vector<64x1xf32>
    %get3A_8 = arith.constant 0 : index
    %get3A_9 = arith.constant 1 : index
    %get3A_10 = vector.load %arg3[%get3A_8, %get3A_9] : memref<64x16xi32, #tpu.memory_space<vmem>>, vector<64x1xi32>
    %iota3A = tpu.iota {dimensions = array<i32: 1>} : vector<64x16384xi32>
    %mul3A = arith.constant 16384 : i32
    %mul3A_11 = arith.muli %arg0, %mul3A : i32
    %add3A = vector.broadcast %mul3A_11 : i32 to vector<64x16384xi32>
    %add3A_12 = arith.addi %iota3A, %add3A : vector<64x16384xi32>
    %lt3A = vector.broadcast %bitcast_convert_type3A : vector<64x1xf32> to vector<64x16384xf32>
    %lt3A_13 = arith.cmpf olt, %get3A_1, %lt3A : vector<64x16384xf32>
    %eq3A = vector.broadcast %bitcast_convert_type3A : vector<64x1xf32> to vector<64x16384xf32>
    %eq3A_14 = arith.cmpf oeq, %get3A_1, %eq3A : vector<64x16384xf32>
    %le3A = vector.broadcast %get3A_10 : vector<64x1xi32> to vector<64x16384xi32>
    %le3A_15 = arith.cmpi sle, %add3A_12, %le3A : vector<64x16384xi32>
    %and3A = arith.andi %eq3A_14, %le3A_15 : vector<64x16384xi1>
    %or3A = arith.ori %lt3A_13, %and3A : vector<64x16384xi1>
    %jit3A = arith.constant 0.000000e+00 : f32
    %broadcast_in_dim3A = vector.shape_cast %get3A_4 : vector<1x16384xf32> to vector<1x16384xf32>
    %broadcast_in_dim3A_16 = vector.broadcast %broadcast_in_dim3A : vector<1x16384xf32> to vector<64x16384xf32>
    %broadcast_in_dim3A_17 = vector.broadcast %jit3A : f32 to vector<64x16384xf32>
    %select_n3A = arith.select %or3A, %broadcast_in_dim3A_16, %broadcast_in_dim3A_17 : vector<64x16384xi1>, vector<64x16384xf32>
    %reduce_sum3A = vector.shape_cast %select_n3A : vector<64x16384xf32> to vector<1x64x16384xf32>
    %reduce_sum3A_18 = arith.constant dense<0.000000e+00> : vector<1xf32>
    %reduce_sum3A_19 = vector.multi_reduction <add>, %reduce_sum3A, %reduce_sum3A_18 [1, 2] : vector<1x64x16384xf32> to vector<1xf32>
    %reduce_sum3A_20 = vector.shape_cast %reduce_sum3A_19 : vector<1xf32> to vector<1x1x1xf32>
    %reduce_sum3A_21 = vector.extract %reduce_sum3A_20[0, 0, 0] : f32 from vector<1x1x1xf32>
    %reshape3A = vector.broadcast %reduce_sum3A_21 : f32 to vector<1x1xf32>
    %eq3A_22 = arith.constant 0 : i32
    %eq3A_23 = arith.cmpi eq, %arg0, %eq3A_22 : i32
    %convert_element_type3A = arith.extui %eq3A_23 : i1 to i32
    %cond3A = arith.constant 0 : i32
    %cond3A_24 = arith.cmpi ne, %convert_element_type3A, %cond3A : i32
    scf.if %cond3A_24 {
      %broadcast_in_dim3A_31 = arith.constant 0.000000e+00 : f32
      %broadcast_in_dim3A_32 = vector.broadcast %broadcast_in_dim3A_31 : f32 to vector<1x1xf32>
      %swap3A_33 = arith.constant 0 : index
      %swap3A_34 = arith.constant 0 : index
      %swap3A_35 = vector.load %arg4[%swap3A_33, %swap3A_34] : memref<1x1xf32, #tpu.memory_space<vmem>>, vector<1x1xf32>
      tpu.vector_store %arg4[%swap3A_33, %swap3A_34], %broadcast_in_dim3A_32 {strides = array<i32>} : memref<1x1xf32, #tpu.memory_space<vmem>>, vector<1x1xf32>,
    } else {
    }
    %get3A_25 = arith.constant 0 : index
    %get3A_26 = arith.constant 0 : index
    %get3A_27 = vector.load %arg4[%get3A_25, %get3A_26] : memref<1x1xf32, #tpu.memory_space<vmem>>, vector<1x1xf32>
    %add3A_28 = arith.addf %get3A_27, %reshape3A : vector<1x1xf32>
    %swap3A = arith.constant 0 : index
    %swap3A_29 = arith.constant 0 : index
    %swap3A_30 = vector.load %arg4[%swap3A, %swap3A_29] : memref<1x1xf32, #tpu.memory_space<vmem>>, vector<1x1xf32>
    tpu.vector_store %arg4[%swap3A, %swap3A_29], %add3A_28 {strides = array<i32>} : memref<1x1xf32, #tpu.memory_space<vmem>>, vector<1x1xf32>,
    return
  }
  func.func @transform_0(%arg0: i32) -> (i32, i32) {
    %c0_i32 = arith.constant 0 : i32
    %c0_i32_0 = arith.constant 0 : i32
    return %c0_i32, %arg0 : i32, i32
  }
  func.func @transform_1(%arg0: i32) -> (i32, i32) {
    %c0_i32 = arith.constant 0 : i32
    %c0_i32_0 = arith.constant 0 : i32
    return %c0_i32, %arg0 : i32, i32
  }
  func.func @transform_2(%arg0: i32) -> (i32, i32) {
    %c0_i32 = arith.constant 0 : i32
    %c0_i32_0 = arith.constant 0 : i32
    %c0_i32_1 = arith.constant 0 : i32
    return %c0_i32, %c0_i32_0 : i32, i32
  }
  func.func @transform_3(%arg0: i32) -> (i32, i32) {
    %c0_i32 = arith.constant 0 : i32
    %c0_i32_0 = arith.constant 0 : i32
    %c0_i32_1 = arith.constant 0 : i32
    return %c0_i32, %c0_i32_0 : i32, i32
  }
}

</mosaic_0001>

<sc_bundles>
// kernel: kernel.5.cloned.1.call-start
scs
__scs_entry_jumppad:
0x0: {  	(pc) =	sbr.rel $0x88, $3  }
0x1: {  	(tag) =	ssettag $0x0;
	lr =	simm.s32 $0x1  }
0x2: {  	[smem:$0x3F9F] =	sst lr;
	_ =	strace $0xD0000000  }
0x3: {  	_ = 	snop  }
0x4: {  	_ = 	snop  }
0x5: {  	_ = 	snop  }
0x6: {  	_ = 	snop  }
0x7: {  	_ = 	snop  }
__scs_overlays_trampoline_lowered:
0x8: {  	[smem:$0x3FAE] =	sst s0  }
0x9: {  	[smem:$0x3FAF] =	sst s1  }
0xa: {  	[smem:$0x3FB0] =	sst s2  }
0xb: {  	[smem:$0x3FB1] =	sst s3  }
0xc: {  	[smem:$0x3FB2] =	sst s4  }
0xd: {  	[smem:$0x3FB3] =	sst s5  }
0xe: {  	[smem:$0x3FB4] =	sst s6  }
0xf: {  	[smem:$0x3FB5] =	sst s7  }
0x10: {  	[smem:$0x3FB6] =	sst s8  }
0x11: {  	[smem:$0x3FB7] =	sst s9;
	s0 =	simm.s32 @!p0 $0x0  }
0x12: {  	s1 =	sld [smem:$0x3F9D];
	s0 =	simm.s32 @p0 $0x1  }
0x13: {  	[smem:$0x3FB8] =	sst s0;
	s0 =	simm.s32 @!p1 $0x0  }
0x14: {  	s2 =	sld [smem:$0x3F9C];
	s0 =	simm.s32 @p1 $0x1  }
0x15: {  	[smem:$0x3FB9] =	sst s0;
	s0 =	simm.s32 @!p2 $0x0  }
0x16: {  	s3 =	sld [smem:$0x3FDB];
	s0 =	simm.s32 @p2 $0x1  }
0x17: {  	s4 =	simm.s32 $0x1BF5;
	[smem:$0x3FBB] =	sst s0  }
0x18: {  	s0 =	sld [smem:$0x3F9E];
	_ =	swait.ge [sflag:s4], $0x0  }
0x19: {  	s7 =	sld [smem:$0x3F9F]  }
0x1a: {  	s8 =	sadd.s32 $0xFFFFE003, lr  }
0x1b: {  	s9 =	sadd.s32 $0xFFFFFEF7, lr;
	s5 =	simm.s32 $0xFFFFFFFF;
	p2 =	slt.u32 s8, $0xFFFFF086  }
0x1c: {  	p1 =	slt.u32 s9, $0xF7A;
	s5 =	simm.s32 @!p2 $0x0  }
0x1d: {  	s5 =	simm.s32 @p1 $0x1;
	p0 =	seq.s32 s7, s2  }
0x1e: {  	s7 =	smul.u32 @!p0 $0xF7A, s2;
	p2 =	seq.s32 @!p0 s5, $0x0  }
0x1f: {  	s9 =	smul.u32 $0xF7A, s1;
	s8 =	simm.s32 @!p0 $0x1BF5;
	p2 =	por !p2, p0  }
0x20: {  	[sflag:s8] =	ssyncset.s32 @!p0 $0xFFFFF086;
	s6 =	sadd.s32 @!p0 s3, s7;
	s7 =	simm.s32 @!p0 $0x108  }
0x21: {  	s3 =	sadd.s32 s3, s9;
	s6 =	sadd.s32 @!p0 $0x88, s6;
	s7 =	simm.s32 @p2 $0x1082  }
0x22: {  	[simem:s7], [sflag:s8] =	dma.local @!p0 [hbm:s6], $0xF7A  }
0x23: {  	s9 =	sor.u32 $0xD0000000, s2;
	s6 =	simm.s32 $0x108;
	_ =	swait.ge @!p0 [sflag:s8], $0x0  }
0x24: {  	s3 =	sadd.s32 $0x88, s3;
	s6 =	simm.s32 @!p1 $0x1082;
	[sflag:s4] =	ssyncset.s32 $0xFFFFF086  }
0x25: {  	[simem:s6], [sflag:s4] =	dma.local [hbm:s3], $0xF7A  }
0x26: {  	[smem:$0x3F9F] =	sst s1;
	(tag) =	ssettag s2;
	_ =	strace s9  }
0x27: {  	s1 =	sld [smem:$0x3FAF]  }
0x28: {  	s2 =	sld [smem:$0x3FB0]  }
0x29: {  	s4 =	sld [smem:$0x3FB2]  }
0x2a: {  	p0 =	seq.s32 s5, $0x0;
	s5 =	sld [smem:$0x3FB3]  }
0x2b: {  	s6 =	sld [smem:$0x3FB4]  }
0x2c: {  	s7 =	sld [smem:$0x3FB5]  }
0x2d: {  	s3 =	simm.s32 $0x108;
	s8 =	sld [smem:$0x3FB6]  }
0x2e: {  	s3 =	simm.s32 @!p0 $0x1082;
	s9 =	sld [smem:$0x3FB7]  }
0x2f: {  	lr =	sadd.s32 s0, s3;
	s0 =	sld [smem:$0x3FAE]  }
0x30: {  	s3 =	sld [smem:$0x3FB1]  }
0x31: {  	[smem:$0x3FBA] =	sst s10  }
0x32: {  	s10 =	sld [smem:$0x3FB8];
	_ =	sdelay $0x3  }
0x33: {  	p0 =	seq.s32 s10, $0x1;
	s10 =	sld [smem:$0x3FBA];
	_ =	sdelay $0x3  }
0x34: {  	[smem:$0x3FBA] =	sst s10  }
0x35: {  	s10 =	sld [smem:$0x3FB9];
	_ =	sdelay $0x3  }
0x36: {  	p1 =	seq.s32 s10, $0x1;
	s10 =	sld [smem:$0x3FBA];
	_ =	sdelay $0x3  }
0x37: {  	[smem:$0x3FBA] =	sst s10  }
0x38: {  	s10 =	sld [smem:$0x3FBB]  }
0x39: {  	_ = 	snop;
	(pc) =	sbr.ind lr, $3  }
0x3a: {  	_ = 	snop  }
0x3b: {  	_ = 	snop  }
0x3c: {  	p2 =	seq.s32 s10, $0x1;
	s10 =	sld [smem:$0x3FBA]  }
0x3d: {  	_ =	shalt  }
0x3e: {  	_ =	shalt  }
0x3f: {  	_ =	shalt  }
0x40: {  	_ =	shalt  }
0x41: {  	_ =	shalt  }
0x42: {  	_ =	shalt  }
0x43: {  	_ =	shalt  }
0x44: {  	_ =	shalt  }
0x45: {  	_ =	shalt  }
0x46: {  	_ =	shalt  }
0x47: {  	_ =	shalt  }
0x48: {  	_ =	shalt  }
0x49: {  	_ =	shalt  }
0x4a: {  	_ =	shalt  }
0x4b: {  	_ =	shalt  }
0x4c: {  	_ =	shalt  }
0x4d: {  	_ =	shalt  }
0x4e: {  	_ =	shalt  }
0x4f: {  	_ =	shalt  }
0x50: {  	_ =	shalt  }
0x51: {  	_ =	shalt  }
0x52: {  	_ =	shalt  }
0x53: {  	_ =	shalt  }
0x54: {  	_ =	shalt  }
0x55: {  	_ =	shalt  }
0x56: {  	_ =	shalt  }
0x57: {  	_ =	shalt  }
0x58: {  	_ =	shalt  }
0x59: {  	_ =	shalt  }
0x5a: {  	_ =	shalt  }
0x5b: {  	_ =	shalt  }
0x5c: {  	_ =	shalt  }
0x5d: {  	_ =	shalt  }
0x5e: {  	_ =	shalt  }
0x5f: {  	_ =	shalt  }
0x60: {  	_ =	shalt  }
0x61: {  	_ =	shalt  }
0x62: {  	_ =	shalt  }
0x63: {  	_ =	shalt  }
0x64: {  	_ =	shalt  }
0x65: {  	_ =	shalt  }
0x66: {  	_ =	shalt  }
0x67: {  	_ =	shalt  }
0x68: {  	_ =	shalt  }
0x69: {  	_ =	shalt  }
0x6a: {  	_ =	shalt  }
0x6b: {  	_ =	shalt  }
0x6c: {  	_ =	shalt  }
0x6d: {  	_ =	shalt  }
0x6e: {  	_ =	shalt  }
0x6f: {  	_ =	shalt  }
0x70: {  	_ =	shalt  }
0x71: {  	_ =	shalt  }
0x72: {  	_ =	shalt  }
0x73: {  	_ =	shalt  }
0x74: {  	_ =	shalt  }
0x75: {  	_ =	shalt  }
0x76: {  	_ =	shalt  }
0x77: {  	_ =	shalt  }
0x78: {  	_ =	shalt  }
0x79: {  	_ =	shalt  }
0x7a: {  	_ =	shalt  }
0x7b: {  	_ =	shalt  }
0x7c: {  	_ =	shalt  }
0x7d: {  	_ =	shalt  }
0x7e: {  	_ =	shalt  }
0x7f: {  	_ =	shalt  }
0x80: {  	_ =	shalt  }
0x81: {  	_ =	shalt  }
0x82: {  	_ =	shalt  }
0x83: {  	_ =	shalt  }
0x84: {  	_ =	shalt  }
0x85: {  	_ =	shalt  }
0x86: {  	_ =	shalt  }
0x87: {  	_ =	shalt  }
.Lfunc_end0:
.L_simem_size_0:
called_computation_lowered:
.L_overlay_start_0:
0x88: {  	s2 =	sld [smem:$0x3FD9]  }
0x89: {  	s3 =	sld [smem:$0x3FFE];
	_ =	sdelay $0x1  }
0x8a: {  	s1 =	srdreg.scid  }
0x8b: {  	s0 =	sand.u32 $0x1, s1  }
0x8c: {  	s17 =	sshll.u32 s0, $0xA;
	s2 =	sadd.s32 s3, s2  }
0x8d: {  	s2 =	sadd.s32 s2, s17  }
0x8e: {  	[smem:$0x3FC6] =	sst s2  }
0x8f: {  	_ = 	snop  }
0x90: {  	s2 =	sld [smem:$0x3FC9];
	(tm) =	ssettm $0x1  }
0x91: {  	s18 =	sld [smem:$0x3FFB];
	_ =	sdelay $0x3  }
0x92: {  	_ =	strace s18  }
0x93: {  	s3 =	sld [smem:$0x3FFC];
	_ =	sdelay $0x3  }
0x94: {  	_ =	strace s3  }
0x95: {  	s3 =	sld [smem:$0x3FFD];
	_ =	sdelay $0x3  }
0x96: {  	_ =	strace s3  }
0x97: {  	_ =	strace $0x8FFFFFFF  }
0x98: {  	s19 =	sld [smem:$0x3FDB];
	_ =	sdelay $0x1  }
0x99: {  	s4 =	simm.s32 $_scs_section_size  }
0x9a: {  	s5 =	simm.s32 $_size__tile_overlayer_lowered;
	s6 =	simm.s32 $_tile_overlayer_lowered  }
0x9b: {  	s22 =	simm.s32 $0x1BFF;
	s21 =	sshll.u32 s6, $0x1;
	s3 =	sadd.s32 s4, s19  }
0x9c: {  	s7 =	simm.s32 $0x0;
	s20 =	sshll.u32 s5, $0x1;
	s5 =	sadd.s32 s21, s3  }
0x9d: {  	[timem:s7], [sflag:s22] =	dma.local [hbm:s5], s20  }
0x9e: {  	_ =	swait.ge [sflag:s22], s20  }
0x9f: {  	s4 =	ssub.s32 $0x0, s20;
	[sflag:s22] =	ssyncset.done $0x0  }
0xa0: {  	[sflag:s22] =	ssyncadd.s32 s4;
	_ =	sdelay $0x1  }
0xa1: {  	s23 =	simm.s32 $0x1B8B  }
0xa2: {  	_ =	swait.ge [sflag:s23], $0x1  }
0xa3: {  	[sflag:s23] =	ssyncset.done $0x0  }
0xa4: {  	s25 =	simm.s32 $0x1B8E;
	s24 =	sld [smem:$0x3FFE];
	[sflag:s23] =	ssyncadd.s32 $0xFFFFFFFF  }
0xa5: {  	s26 =	simm.s32 $execute0_lowered;
	[smem:$0x3FD2] =	sst s25  }
0xa6: {  	s5 =	sshll.u32 s26, $0x1;
	_ =	strace $0x80000046;
	[dreg:$0x1] =	wrdreg $0xFFFFFFFF  }
0xa7: {  	s28 =	simm.s32 $_size_execute0_lowered;
	s3 =	sadd.s32 s3, s5;
	[dreg:$0x0] =	wrdreg $0x0  }
0xa8: {  	s5 =	sshll.u32 s28, $0x1;
	[dreg:$0x2] =	wrdreg s3  }
0xa9: {  	[dreg:$0x3] =	wrdreg s5  }
0xaa: {  	[dreg:$0x4] =	wrdreg $0xC0  }
0xab: {  	_ =	task [dreg:s7], $0x5FFFF  }
0xac: {  	[dreg:$0x1] =	wrdreg $0xFFFFFFFF  }
0xad: {  	[dreg:$0x0] =	wrdreg $0x60  }
0xae: {  	[dreg:$0x2] =	wrdreg s2  }
0xaf: {  	[dreg:$0x3] =	wrdreg s24  }
0xb0: {  	[dreg:$0x4] =	wrdreg $0x9  }
0xb1: {  	_ =	task.clear_ibuf [dreg:s7], $0x5FFFF;
	_ =	strace $0x90000046  }
0xb2: {  	s29 =	simm.s32 $0x9;
	_ =	strace $0x80000048  }
0xb3: {  	_ =	swait.ge [sflag:s29], $0x1  }
0xb4: {  	[sflag:s29] =	ssyncadd.s32 $0xFFFFFFFF  }
0xb5: {  	_ =	strace $0x90000048  }
0xb6: {  	_ =	sfence  }
0xb7: {  	s30 =	sld [smem:$0x0];
	_ =	sdelay $0x2  }
0xb8: {  	s31 =	sshll.u32 s1, $0xD;
	s1 =	sshrl.u32 s1, $0x2  }
0xb9: {  	s3 =	sand.u32 $0x4000, s31;
	s1 =	sadd.s32 s1, s30  }
0xba: {  	s0 =	sor.u32 s3, s0;
	s1 =	sshll.u32 s1, $0x11  }
0xbb: {  	s0 =	sor.u32 s1, s0  }
0xbc: {  	s0 =	sadd.s32 $0x8F2B, s0  }
0xbd: {  	[sflag:s0] =	ssyncadd.remote.s32 $0x1  }
0xbe: {  	_ =	sfence.sel $0xFFFF  }
0xbf: {  	[dreg:$0x0] =	wrdreg $0xFFFFFFFF;
	(pc) =	sbr.abs _section_cstart, $3  }
0xc0: {  	[dreg:$0x1] =	wrdreg $0xFFFFFFFF  }
0xc1: {  	_ =	task.clear_ibuf [dreg:s7], $0x2FFFF;
	_ =	strace $0x9FFFFFFF  }
0xc2: {  	(tm) =	ssettm $0x7FFFFFFF  }
0xc3: {  	_ =	shalt  }
tec
execute0_lowered:
.L_overlay_start_1:
0x0: {  	(tag) =	ssettag $0x1  }
0x1: {  	s0 =	rddreg [dreg:$0x0];
	s1 =	simm.s32 $0x0  }
0x2: {  	[smem:$0x7FF] =	sst s1  }
0x3: {  	s2 =	rddreg [dreg:$0x1];
	v0 =	vimm.s32 $0x0;
	_ =	strace $0x80000047  }
0x4: {  	(xrf0) =	vadd.scan.msk.s32 $0xffff, v0;
	_ =	sdelay $0x4  }
0x5: {  	s3 =	srdreg.scid;
	s6 =	stileid.u32;
	s15 =	simm.s32 $0x80  }
0x6: {  	s16 =	simm.s32 $0x400;
	s18 =	simm.s32 $0x4000;
	s20 =	simm.s32 $0x1;
	v1, _, _ =	vpop (xrf0)  }
0x7: {  	s28 =	simm.s32 $0x4;
	s30 =	simm.s32 $0x20000000;
	s14 =	simm.s32 $0x0;
	(v2sf) =	vpush v1, $0xF  }
0x8: {  	s3 =	sand.u32 $0x1, s3;
	s4 =	sshll.u32 s6, $0x9;
	s8 =	sshrl.u32 s6, $0x1  }
0x9: {  	s2 =	sadd.s32 $0xA00, s2;
	s9 =	sadd.s32 $0x2000, s0;
	s11 =	sadd.s32 $0x4000, s0  }
0xa: {  	s12 =	sadd.s32 $0x6000, s0;
	s5 =	sshll.u32 s3, $0x8;
	s4 =	sand.u32 $0x200, s4  }
0xb: {  	s3 =	ssub.s32 $0x2, s3;
	s6 =	sshll.u32 s8, $0x12;
	s4 =	sor.u32 s5, s4  }
0xc: {  	s29 =	sshll.u32 s8, $0xA;
	s22 =	sshrl.u32 s3, $0x1;
	s7 =	sor.u32 s6, s4  }
0xd: {  	s3 =	ssub.s32 s3, s22;
	s10 =	sor.u32 $0x80, s4;
	s7 =	sshrl.u32 s7, $0x3  }
0xe: {  	s4 =	sor.u32 s29, s4;
	s22 =	simm.s32 $0x10000;
	s23 =	sadd.s32 s0, s7  }
0xf: {  	s6 =	sor.u32 s6, s10;
	s24 =	sadd.s32 s7, s9;
	[dreg:$0x3] =	wrdreg s23  }
0x10: {  	s4 =	sshrl.u32 s4, $0x3;
	s25 =	sadd.s32 s7, s11;
	[dreg:$0x4] =	wrdreg s24  }
0x11: {  	s13 =	sshrl.u32 s6, $0x3;
	s26 =	sadd.s32 s7, s12;
	[dreg:$0x5] =	wrdreg s25  }
0x12: {  	[dreg:$0x6] =	wrdreg s26;
	s0 =	sadd.s32 s0, s13;
	s8 =	sadd.s32 s13, s9  }
.Ltmp0:
0x13: {  	s9 =	sadd.s32 s13, s11;
	s11 =	sadd.s32 s2, s4;
	(pc) =	sbr.rel .LBB2_1-.Ltmp0, $4  }
0x14: {  	s23 =	simm.s32 $0x2;
	[dreg:$0x7] =	wrdreg s0;
	s0 =	sor.u32 s29, s10  }
0x15: {  	s25 =	simm.s32 $0x3;
	s10 =	sadd.s32 s13, s12;
	s0 =	sshrl.u32 s0, $0x3  }
0x16: {  	s13 =	smax.u32 s3, $0x1;
	s12 =	sadd.s32 s2, s0;
	s31 =	spop (v2sf)  }
0x17: {  	vm0 =	vcmask $0x300;
	vm1 =	vcmask $0x704;
	v1 =	vlaneseq.u32;
	s0 =	simm.s32 $0x5;
	s2 =	simm.s32 $0x80000000;
	[dreg:$0x8] =	wrdreg s31  }
.LBB2_81:
0x18: {  	v2 =	vmov s17  }
0x19: {  	s14 =	sadd.s32 $0x1, s14;
	v2 =	vnsel vm0, $0x0, v2  }
0x1a: {  	p0 =	sne.s32 s14, s13;
	v2 =	vsel vm1, s19, v2  }
.Ltmp1:
0x1b: {  	s3 =	simm.s32 $0x18080;
	[tilespmem:$0x18080] =	vst v2;
	(pc) =	sbr.rel @!p0 .LBB2_82-.Ltmp1, $4  }
0x1c: {  	[hbm4b:s12+s1] =	stream.linear.scatter [tilespmem:s3], [sflag:$0x5], $0x80, $0x38;
	[tilespmem:$0x18100] =	vst v63  }
0x1d: {  	_ =	swait.ge [sflag:s0], $0x80  }
0x1e: {  	[sflag:s0] =	ssyncset.done $0x0  }
0x1f: {  	[sflag:s0] =	ssyncadd.s32 $0xFFFFFF80  }
.LBB2_1:
0x20: {  	s3 =	rddreg [dreg:$0x3]  }
0x21: {  	[tilespmem:s1], [sflag:$0x1] =	stream.strided.gather [hbm4b:s3+s15], $0x2000, s16, s15, $0x38;
	[tilespmem:$0x18100] =	vst v63  }
0x22: {  	s7 =	rddreg [dreg:$0x4];
	s4 =	simm.s32 $0x2000  }
0x23: {  	[tilespmem:s4], [sflag:$0x2] =	stream.strided.gather [hbm4b:s7+s15], $0x2000, s16, s15, $0x38;
	[tilespmem:$0x18100] =	vst v63  }
0x24: {  	s17 =	rddreg [dreg:$0x5]  }
0x25: {  	[tilespmem:s18], [sflag:$0x3] =	stream.strided.gather [hbm4b:s17+s15], $0x2000, s16, s15, $0x38;
	[tilespmem:$0x18100] =	vst v63  }
0x26: {  	s19 =	rddreg [dreg:$0x6];
	s21 =	simm.s32 $0x6000  }
0x27: {  	[tilespmem:s21], [sflag:$0x4] =	stream.strided.gather [hbm4b:s19+s15], $0x2000, s16, s15, $0x38;
	[tilespmem:$0x18100] =	vst v63  }
0x28: {  	_ =	swait.ge [sflag:s20], $0x2000  }
0x29: {  	s26 =	simm.s32 $0x8000;
	[sflag:s20] =	ssyncset.done $0x0  }
0x2a: {  	s29 =	simm.s32 $0x40;
	s24 =	rddreg [dreg:$0x7];
	[sflag:s20] =	ssyncadd.s32 $0xFFFFE000  }
0x2b: {  	[tilespmem:s26], [sflag:$0x1] =	stream.strided.gather [hbm4b:s24+s15], $0x2000, s16, s15, $0x38;
	[tilespmem:$0x18100] =	vst v63  }
0x2c: {  	v10 =	vld [tilespmem:s29+$0xFFFFFFC0]  }
0x2d: {  	v8 =	vld [tilespmem:s29+$0xFFFFFFD0]  }
0x2e: {  	v11 =	vld [tilespmem:s29+$0xFFFFFFE0]  }
0x2f: {  	v13 =	vld [tilespmem:s29+$0xFFFFFFF0]  }
0x30: {  	v15 =	vld [tilespmem:s29+$0x0]  }
0x31: {  	v16 =	vld [tilespmem:s29+$0x10]  }
0x32: {  	v4 =	vld [tilespmem:s29+$0x20]  }
0x33: {  	v17 =	vor.u32 v1, v0  }
0x34: {  	vm2 =	vlt.f32 v10, $-2.200000050e+00;
	vm4 =	vlt.f32 v8, $-2.200000050e+00;
	vm7 =	vlt.f32 v11, $-2.200000050e+00  }
0x35: {  	s31 =	simm.s32 $0xC0;
	vm5 =	vlt.f32 v13, $-2.200000050e+00;
	vm6 =	vlt.f32 v15, $-2.200000050e+00;
	v2 =	vsel vm2, $0x10, v0  }
0x36: {  	v9 =	vld [tilespmem:s31+$0xFFFFFFE0];
	vm9 =	vlt.f32 v16, $-2.200000050e+00;
	v3 =	vsel vm4, $0x10, v0;
	v2 =	vadd.s32 v0, v2  }
0x37: {  	vm3 =	vlt.f32 v4, $-2.200000050e+00;
	v6 =	vsel vm7, $0x10, v0;
	v5 =	vadd.s32 v2, v3;
	v3 =	vld [tilespmem:s29+$0x30]  }
0x38: {  	v7 =	vsel vm5, $0x10, v0;
	v14 =	vor.u32 v1, v2;
	v2 =	vld [tilespmem:s31+$0xFFFFFFC0];
	v6 =	vadd.s32 v5, v6  }
0x39: {  	v12 =	vsel vm6, $0x10, v0;
	v18 =	vor.u32 v1, v5;
	v5 =	vld [tilespmem:s31+$0xFFFFFFD0];
	v7 =	vadd.s32 v6, v7  }
0x3a: {  	vm10 =	vmmov vm2;
	v19 =	vor.u32 v1, v6;
	v6 =	vld [tilespmem:s31+$0xFFFFFFF0];
	v12 =	vadd.s32 v7, v12  }
0x3b: {  	v21 =	vsel vm9, $0x10, v0;
	v20 =	vor.u32 v1, v7;
	v22 =	vor.u32 v1, v12  }
0x3c: {  	v7 =	vld [tilespmem:s31+$0x0];
	v21 =	vadd.s32 v12, v21;
	v12 =	vsel vm3, $0x10, v0;
	vm2 =	vlt.f32 v3, $-2.200000050e+00  }
0x3d: {  	vm8 =	vlt.f32 v2, $-2.200000050e+00;
	v23 =	vadd.s32 v21, v12;
	[tilespmem:v14+s22+$0x0] =	vst.idx.msk vm4, v8;
	v12 =	vsel vm2, $0x10, v0  }
0x3e: {  	v8 =	vld [tilespmem:s31+$0x10];
	v14 =	vsel vm8, $0x10, v0;
	vm4 =	vlt.f32 v5, $-2.200000050e+00;
	[tilespmem:v18+s22+$0x0] =	vst.idx.msk vm7, v11;
	v11 =	vor.u32 v1, v21  }
0x3f: {  	vm7 =	vlt.f32 v9, $-2.200000050e+00;
	v12 =	vadd.s32 v23, v12;
	[tilespmem:v19+s22+$0x0] =	vst.idx.msk vm5, v13;
	vm5 =	vlt.f32 v6, $-2.200000050e+00  }
0x40: {  	[tilespmem:v17+s22+$0x0] =	vst.idx.msk vm10, v10;
	v13 =	vsel vm7, $0x10, v0;
	v24 =	vadd.s32 v12, v14;
	v14 =	vsel vm4, $0x10, v0  }
0x41: {  	v10 =	vld [tilespmem:s31+$0x30];
	[tilespmem:v20+s22+$0x0] =	vst.idx.msk vm6, v15;
	v19 =	vsel vm5, $0x10, v0;
	vm6 =	vlt.f32 v7, $-2.200000050e+00;
	v14 =	vadd.s32 v24, v14  }
0x42: {  	v15 =	vor.u32 v1, v23;
	v17 =	vsel vm6, $0x10, v0;
	v18 =	vadd.s32 v14, v13;
	v13 =	vld [tilespmem:s31+$0x20]  }
0x43: {  	s17 =	simm.s32 $0x8;
	s19 =	simm.s32 $0x140;
	[tilespmem:v22+s22+$0x0] =	vst.idx.msk vm9, v16;
	v16 =	vor.u32 v1, v24;
	vm9 =	vlt.f32 v8, $-2.200000050e+00;
	v19 =	vadd.s32 v18, v19  }
.LBB2_2:
0x44: {  	v20 =	vld [tilespmem:s19+$0xFFFFFFC0];
	s17 =	sadd.s32 $0x8, s17;
	v21 =	vor.u32 v1, v12;
	v12 =	vor.u32 v1, v14;
	v14 =	vor.u32 v1, v18  }
0x45: {  	vm10 =	vmmov vm8;
	v18 =	vld [tilespmem:s19+$0xFFFFFFD0];
	p0 =	slt.u32 s17, $0x1F8  }
0x46: {  	v23 =	vor.u32 v1, v19;
	v17 =	vadd.s32 v19, v17;
	v22 =	vld [tilespmem:s19+$0xFFFFFFE0];
	[tilespmem:v11+s22+$0x0] =	vst.idx.msk vm3, v4  }
0x47: {  	v11 =	vsel vm9, $0x10, v0;
	v19 =	vld [tilespmem:s19+$0xFFFFFFF0];
	vm3 =	vlt.f32 v13, $-2.200000050e+00;
	[tilespmem:v15+s22+$0x0] =	vst.idx.msk vm2, v3;
	vm2 =	vlt.f32 v10, $-2.200000050e+00;
	v3 =	vmovc v10;
	v4 =	vmovc v13  }
0x48: {  	v13 =	vor.u32 v1, v17;
	v10 =	vadd.s32 v17, v11;
	v24 =	vld [tilespmem:s19+$0x0];
	[tilespmem:v16+s22+$0x0] =	vst.idx.msk vm4, v5;
	v16 =	vsel vm3, $0x10, v0  }
0x49: {  	v11 =	vsel vm2, $0x10, v0;
	vm8 =	vlt.f32 v20, $-2.200000050e+00;
	[tilespmem:v12+s22+$0x0] =	vst.idx.msk vm7, v9;
	v15 =	vadd.s32 v10, v16  }
0x4a: {  	v9 =	vsel vm8, $0x10, v0;
	vm4 =	vlt.f32 v18, $-2.200000050e+00;
	v25 =	vld [tilespmem:s19+$0x10];
	[tilespmem:v14+s22+$0x0] =	vst.idx.msk vm5, v6;
	v12 =	vadd.s32 v15, v11;
	v5 =	vmovc v18  }
.Ltmp2:
0x4b: {  	v11 =	vor.u32 v1, v10;
	v16 =	vadd.s32 v12, v9;
	v17 =	vsel vm4, $0x10, v0;
	[tilespmem:v23+s22+$0x0] =	vst.idx.msk vm6, v7;
	(pc) =	sbr.rel @p0 .LBB2_2-.Ltmp2, $4  }
0x4c: {  	vm7 =	vlt.f32 v22, $-2.200000050e+00;
	v14 =	vadd.s32 v16, v17;
	vm5 =	vlt.f32 v19, $-2.200000050e+00;
	[tilespmem:v21+s22+$0x0] =	vst.idx.msk vm10, v2;
	v2 =	vmovc v20  }
0x4d: {  	v21 =	vsel vm7, $0x10, v0;
	v6 =	vmovc v19;
	v20 =	vsel vm5, $0x10, v0;
	vm6 =	vlt.f32 v24, $-2.200000050e+00;
	v10 =	vld [tilespmem:s19+$0x30];
	[tilespmem:v13+s22+$0x0] =	vst.idx.msk vm9, v8;
	v9 =	vmovc v22  }
0x4e: {  	v15 =	vor.u32 v1, v15;
	v18 =	vadd.s32 v14, v21;
	v7 =	vmovc v24;
	v17 =	vsel vm6, $0x10, v0;
	v13 =	vld [tilespmem:s19+$0x20]  }
0x4f: {  	v16 =	vor.u32 v1, v16;
	v19 =	vadd.s32 v18, v20;
	s19 =	sadd.s32 $0x80, s19;
	vm9 =	vlt.f32 v25, $-2.200000050e+00;
	v8 =	vmovc v25  }
0x50: {  	_ =	sdelay $0x2  }
0x51: {  	v14 =	vor.u32 v1, v14  }
0x52: {  	v18 =	vor.u32 v1, v18  }
0x53: {  	v12 =	vor.u32 v1, v12;
	vm8 =	vmmov vm8;
	v20 =	vor.u32 v1, v19;
	[tilespmem:v11+s22+$0x0] =	vst.idx.msk vm3, v4  }
0x54: {  	v4 =	vadd.s32 v19, v17;
	v11 =	vsel vm9, $0x10, v0;
	[tilespmem:v15+s22+$0x0] =	vst.idx.msk vm2, v3;
	vm3 =	vlt.f32 v13, $-2.200000050e+00  }
0x55: {  	[tilespmem:v16+s22+$0x0] =	vst.idx.msk vm4, v5;
	v3 =	vor.u32 v1, v4;
	v4 =	vadd.s32 v4, v11;
	v5 =	vsel vm3, $0x10, v0  }
0x56: {  	vm2 =	vlt.f32 v10, $-2.200000050e+00;
	[tilespmem:v14+s22+$0x0] =	vst.idx.msk vm7, v9;
	v5 =	vadd.s32 v4, v5;
	v4 =	vor.u32 v1, v4  }
0x57: {  	[tilespmem:v18+s22+$0x0] =	vst.idx.msk vm5, v6;
	v6 =	vor.u32 v1, v5  }
0x58: {  	[tilespmem:v20+s22+$0x0] =	vst.idx.msk vm6, v7  }
0x59: {  	[tilespmem:v12+s22+$0x0] =	vst.idx.msk vm8, v2  }
0x5a: {  	[tilespmem:v3+s22+$0x0] =	vst.idx.msk vm9, v8  }
0x5b: {  	[tilespmem:v4+s22+$0x0] =	vst.idx.msk vm3, v13  }
0x5c: {  	[tilespmem:v6+s22+$0x0] =	vst.idx.msk vm2, v10  }
0x5d: {  	_ =	swait.ge [sflag:s23], $0x2000  }
0x5e: {  	[sflag:s23] =	ssyncset.done $0x0  }
0x5f: {  	s3 =	simm.s32 $0xA000;
	s29 =	simm.s32 $0x2070;
	[sflag:s23] =	ssyncadd.s32 $0xFFFFE000  }
0x60: {  	[tilespmem:s3], [sflag:$0x2] =	stream.strided.gather [hbm4b:s8+s15], $0x2000, s16, s15, $0x38;
	[tilespmem:$0x18100] =	vst v63  }
0x61: {  	v10 =	vld [tilespmem:s29+$0xFFFFFF90]  }
0x62: {  	v8 =	vld [tilespmem:s29+$0xFFFFFFA0]  }
0x63: {  	v11 =	vld [tilespmem:s29+$0xFFFFFFB0]  }
0x64: {  	v13 =	vld [tilespmem:s29+$0xFFFFFFC0]  }
0x65: {  	v15 =	vld [tilespmem:s29+$0xFFFFFFD0]  }
0x66: {  	v2 =	vsel vm2, $0x10, v0;
	v16 =	vld [tilespmem:s29+$0xFFFFFFE0]  }
0x67: {  	v5 =	vadd.s32 v5, v2;
	v4 =	vld [tilespmem:s29+$0xFFFFFFF0]  }
0x68: {  	v18 =	vor.u32 v1, v5  }
0x69: {  	vm2 =	vlt.f32 v10, $-2.200000050e+00;
	vm4 =	vlt.f32 v8, $-2.200000050e+00;
	vm7 =	vlt.f32 v11, $-2.200000050e+00  }
0x6a: {  	s31 =	simm.s32 $0x20F0;
	vm5 =	vlt.f32 v13, $-2.200000050e+00;
	vm6 =	vlt.f32 v15, $-2.200000050e+00;
	v2 =	vsel vm2, $0x10, v0  }
0x6b: {  	vm9 =	vlt.f32 v16, $-2.200000050e+00;
	v3 =	vsel vm4, $0x10, v0;
	v2 =	vadd.s32 v5, v2;
	v5 =	vld [tilespmem:s31+$0xFFFFFFA0]  }
0x6c: {  	vm3 =	vlt.f32 v4, $-2.200000050e+00;
	v7 =	vsel vm7, $0x10, v0;
	v6 =	vadd.s32 v2, v3;
	v3 =	vld [tilespmem:s29+$0x0]  }
0x6d: {  	v9 =	vsel vm5, $0x10, v0;
	v14 =	vor.u32 v1, v2;
	v2 =	vld [tilespmem:s31+$0xFFFFFF90];
	v7 =	vadd.s32 v6, v7  }
0x6e: {  	v12 =	vsel vm6, $0x10, v0;
	v19 =	vor.u32 v1, v6;
	v6 =	vld [tilespmem:s31+$0xFFFFFFC0];
	v17 =	vadd.s32 v7, v9  }
0x6f: {  	vm10 =	vmmov vm2;
	v20 =	vor.u32 v1, v7;
	v9 =	vld [tilespmem:s31+$0xFFFFFFB0];
	v12 =	vadd.s32 v17, v12  }
0x70: {  	v21 =	vor.u32 v1, v17;
	v17 =	vsel vm9, $0x10, v0;
	v22 =	vor.u32 v1, v12  }
0x71: {  	v7 =	vld [tilespmem:s31+$0xFFFFFFD0];
	v17 =	vadd.s32 v12, v17;
	v12 =	vsel vm3, $0x10, v0;
	vm2 =	vlt.f32 v3, $-2.200000050e+00  }
0x72: {  	vm8 =	vlt.f32 v2, $-2.200000050e+00;
	v23 =	vadd.s32 v17, v12;
	[tilespmem:v14+s22+$0x0] =	vst.idx.msk vm4, v8;
	vm4 =	vlt.f32 v5, $-2.200000050e+00  }
0x73: {  	v8 =	vld [tilespmem:s31+$0xFFFFFFE0];
	v12 =	vsel vm2, $0x10, v0;
	v14 =	vsel vm8, $0x10, v0;
	[tilespmem:v19+s22+$0x0] =	vst.idx.msk vm7, v11;
	v11 =	vor.u32 v1, v17  }
0x74: {  	v12 =	vadd.s32 v23, v12;
	[tilespmem:v20+s22+$0x0] =	vst.idx.msk vm5, v13;
	vm7 =	vlt.f32 v9, $-2.200000050e+00;
	vm5 =	vlt.f32 v6, $-2.200000050e+00  }
0x75: {  	[tilespmem:v18+s22+$0x0] =	vst.idx.msk vm10, v10;
	v19 =	vadd.s32 v12, v14;
	v14 =	vsel vm4, $0x10, v0;
	v13 =	vsel vm7, $0x10, v0  }
0x76: {  	v10 =	vld [tilespmem:s31+$0x0];
	[tilespmem:v21+s22+$0x0] =	vst.idx.msk vm6, v15;
	v20 =	vsel vm5, $0x10, v0;
	vm6 =	vlt.f32 v7, $-2.200000050e+00;
	v14 =	vadd.s32 v19, v14  }
0x77: {  	v15 =	vor.u32 v1, v23;
	v17 =	vsel vm6, $0x10, v0;
	v18 =	vadd.s32 v14, v13;
	v13 =	vld [tilespmem:s31+$0xFFFFFFF0]  }
0x78: {  	s17 =	simm.s32 $0x208;
	s19 =	simm.s32 $0x2170;
	[tilespmem:v22+s22+$0x0] =	vst.idx.msk vm9, v16;
	v16 =	vor.u32 v1, v19;
	vm9 =	vlt.f32 v8, $-2.200000050e+00;
	v19 =	vadd.s32 v18, v20  }
.LBB2_4:
0x79: {  	v20 =	vld [tilespmem:s19+$0xFFFFFF90];
	s17 =	sadd.s32 $0x8, s17;
	v21 =	vor.u32 v1, v12;
	v12 =	vor.u32 v1, v14;
	v14 =	vor.u32 v1, v18  }
0x7a: {  	vm10 =	vmmov vm8;
	v18 =	vld [tilespmem:s19+$0xFFFFFFA0];
	p0 =	slt.u32 s17, $0x3F8  }
0x7b: {  	v23 =	vor.u32 v1, v19;
	v17 =	vadd.s32 v19, v17;
	v22 =	vld [tilespmem:s19+$0xFFFFFFB0];
	[tilespmem:v11+s22+$0x0] =	vst.idx.msk vm3, v4  }
0x7c: {  	v11 =	vsel vm9, $0x10, v0;
	v19 =	vld [tilespmem:s19+$0xFFFFFFC0];
	vm3 =	vlt.f32 v13, $-2.200000050e+00;
	[tilespmem:v15+s22+$0x0] =	vst.idx.msk vm2, v3;
	vm2 =	vlt.f32 v10, $-2.200000050e+00;
	v3 =	vmovc v10;
	v4 =	vmovc v13  }
0x7d: {  	v13 =	vor.u32 v1, v17;
	v10 =	vadd.s32 v17, v11;
	v24 =	vld [tilespmem:s19+$0xFFFFFFD0];
	[tilespmem:v16+s22+$0x0] =	vst.idx.msk vm4, v5;
	v16 =	vsel vm3, $0x10, v0  }
0x7e: {  	v11 =	vsel vm2, $0x10, v0;
	vm8 =	vlt.f32 v20, $-2.200000050e+00;
	[tilespmem:v12+s22+$0x0] =	vst.idx.msk vm7, v9;
	v15 =	vadd.s32 v10, v16  }
0x7f: {  	v9 =	vsel vm8, $0x10, v0;
	vm4 =	vlt.f32 v18, $-2.200000050e+00;
	v25 =	vld [tilespmem:s19+$0xFFFFFFE0];
	[tilespmem:v14+s22+$0x0] =	vst.idx.msk vm5, v6;
	v12 =	vadd.s32 v15, v11;
	v5 =	vmovc v18  }
.Ltmp3:
0x80: {  	v11 =	vor.u32 v1, v10;
	v16 =	vadd.s32 v12, v9;
	v17 =	vsel vm4, $0x10, v0;
	[tilespmem:v23+s22+$0x0] =	vst.idx.msk vm6, v7;
	(pc) =	sbr.rel @p0 .LBB2_4-.Ltmp3, $4  }
0x81: {  	vm7 =	vlt.f32 v22, $-2.200000050e+00;
	v14 =	vadd.s32 v16, v17;
	vm5 =	vlt.f32 v19, $-2.200000050e+00;
	[tilespmem:v21+s22+$0x0] =	vst.idx.msk vm10, v2;
	v2 =	vmovc v20  }
0x82: {  	v21 =	vsel vm7, $0x10, v0;
	v6 =	vmovc v19;
	v20 =	vsel vm5, $0x10, v0;
	vm6 =	vlt.f32 v24, $-2.200000050e+00;
	v10 =	vld [tilespmem:s19+$0x0];
	[tilespmem:v13+s22+$0x0] =	vst.idx.msk vm9, v8;
	v9 =	vmovc v22  }
0x83: {  	v15 =	vor.u32 v1, v15;
	v18 =	vadd.s32 v14, v21;
	v7 =	vmovc v24;
	v17 =	vsel vm6, $0x10, v0;
	v13 =	vld [tilespmem:s19+$0xFFFFFFF0]  }
0x84: {  	v16 =	vor.u32 v1, v16;
	v19 =	vadd.s32 v18, v20;
	s19 =	sadd.s32 $0x80, s19;
	vm9 =	vlt.f32 v25, $-2.200000050e+00;
	v8 =	vmovc v25  }
0x85: {  	_ =	sdelay $0x2  }
0x86: {  	v14 =	vor.u32 v1, v14  }
0x87: {  	v18 =	vor.u32 v1, v18  }
0x88: {  	v12 =	vor.u32 v1, v12;
	vm8 =	vmmov vm8;
	v20 =	vor.u32 v1, v19;
	[tilespmem:v11+s22+$0x0] =	vst.idx.msk vm3, v4  }
0x89: {  	v4 =	vadd.s32 v19, v17;
	v11 =	vsel vm9, $0x10, v0;
	[tilespmem:v15+s22+$0x0] =	vst.idx.msk vm2, v3;
	vm3 =	vlt.f32 v13, $-2.200000050e+00  }
0x8a: {  	[tilespmem:v16+s22+$0x0] =	vst.idx.msk vm4, v5;
	v3 =	vor.u32 v1, v4;
	v4 =	vadd.s32 v4, v11;
	v5 =	vsel vm3, $0x10, v0  }
0x8b: {  	vm2 =	vlt.f32 v10, $-2.200000050e+00;
	[tilespmem:v14+s22+$0x0] =	vst.idx.msk vm7, v9;
	v5 =	vadd.s32 v4, v5;
	v4 =	vor.u32 v1, v4  }
0x8c: {  	[tilespmem:v18+s22+$0x0] =	vst.idx.msk vm5, v6;
	v6 =	vor.u32 v1, v5  }
0x8d: {  	[tilespmem:v20+s22+$0x0] =	vst.idx.msk vm6, v7  }
0x8e: {  	[tilespmem:v12+s22+$0x0] =	vst.idx.msk vm8, v2  }
0x8f: {  	[tilespmem:v3+s22+$0x0] =	vst.idx.msk vm9, v8  }
0x90: {  	[tilespmem:v4+s22+$0x0] =	vst.idx.msk vm3, v13  }
0x91: {  	[tilespmem:v6+s22+$0x0] =	vst.idx.msk vm2, v10  }
0x92: {  	_ =	swait.ge [sflag:s25], $0x2000  }
0x93: {  	[sflag:s25] =	ssyncset.done $0x0  }
0x94: {  	s3 =	simm.s32 $0xC000;
	s29 =	simm.s32 $0x4070;
	[sflag:s25] =	ssyncadd.s32 $0xFFFFE000  }
0x95: {  	[tilespmem:s3], [sflag:$0x3] =	stream.strided.gather [hbm4b:s9+s15], $0x2000, s16, s15, $0x38;
	[tilespmem:$0x18100] =	vst v63  }
0x96: {  	v10 =	vld [tilespmem:s29+$0xFFFFFF90]  }
0x97: {  	v8 =	vld [tilespmem:s29+$0xFFFFFFA0]  }
0x98: {  	v11 =	vld [tilespmem:s29+$0xFFFFFFB0]  }
0x99: {  	v13 =	vld [tilespmem:s29+$0xFFFFFFC0]  }
0x9a: {  	v15 =	vld [tilespmem:s29+$0xFFFFFFD0]  }
0x9b: {  	v2 =	vsel vm2, $0x10, v0;
	v16 =	vld [tilespmem:s29+$0xFFFFFFE0]  }
0x9c: {  	v5 =	vadd.s32 v5, v2;
	v4 =	vld [tilespmem:s29+$0xFFFFFFF0]  }
0x9d: {  	v18 =	vor.u32 v1, v5  }
0x9e: {  	vm2 =	vlt.f32 v10, $-2.200000050e+00;
	vm4 =	vlt.f32 v8, $-2.200000050e+00;
	vm7 =	vlt.f32 v11, $-2.200000050e+00  }
0x9f: {  	s31 =	simm.s32 $0x40F0;
	vm5 =	vlt.f32 v13, $-2.200000050e+00;
	vm6 =	vlt.f32 v15, $-2.200000050e+00;
	v2 =	vsel vm2, $0x10, v0  }
0xa0: {  	vm9 =	vlt.f32 v16, $-2.200000050e+00;
	v3 =	vsel vm4, $0x10, v0;
	v2 =	vadd.s32 v5, v2;
	v5 =	vld [tilespmem:s31+$0xFFFFFFA0]  }
0xa1: {  	vm3 =	vlt.f32 v4, $-2.200000050e+00;
	v7 =	vsel vm7, $0x10, v0;
	v6 =	vadd.s32 v2, v3;
	v3 =	vld [tilespmem:s29+$0x0]  }
0xa2: {  	v9 =	vsel vm5, $0x10, v0;
	v14 =	vor.u32 v1, v2;
	v2 =	vld [tilespmem:s31+$0xFFFFFF90];
	v7 =	vadd.s32 v6, v7  }
0xa3: {  	v12 =	vsel vm6, $0x10, v0;
	v19 =	vor.u32 v1, v6;
	v6 =	vld [tilespmem:s31+$0xFFFFFFC0];
	v17 =	vadd.s32 v7, v9  }
0xa4: {  	vm10 =	vmmov vm2;
	v20 =	vor.u32 v1, v7;
	v9 =	vld [tilespmem:s31+$0xFFFFFFB0];
	v12 =	vadd.s32 v17, v12  }
0xa5: {  	v21 =	vor.u32 v1, v17;
	v17 =	vsel vm9, $0x10, v0;
	v22 =	vor.u32 v1, v12  }
0xa6: {  	v7 =	vld [tilespmem:s31+$0xFFFFFFD0];
	v17 =	vadd.s32 v12, v17;
	v12 =	vsel vm3, $0x10, v0;
	vm2 =	vlt.f32 v3, $-2.200000050e+00  }
0xa7: {  	vm8 =	vlt.f32 v2, $-2.200000050e+00;
	v23 =	vadd.s32 v17, v12;
	[tilespmem:v14+s22+$0x0] =	vst.idx.msk vm4, v8;
	vm4 =	vlt.f32 v5, $-2.200000050e+00  }
0xa8: {  	v8 =	vld [tilespmem:s31+$0xFFFFFFE0];
	v12 =	vsel vm2, $0x10, v0;
	v14 =	vsel vm8, $0x10, v0;
	[tilespmem:v19+s22+$0x0] =	vst.idx.msk vm7, v11;
	v11 =	vor.u32 v1, v17  }
0xa9: {  	v12 =	vadd.s32 v23, v12;
	[tilespmem:v20+s22+$0x0] =	vst.idx.msk vm5, v13;
	vm7 =	vlt.f32 v9, $-2.200000050e+00;
	vm5 =	vlt.f32 v6, $-2.200000050e+00  }
0xaa: {  	[tilespmem:v18+s22+$0x0] =	vst.idx.msk vm10, v10;
	v19 =	vadd.s32 v12, v14;
	v14 =	vsel vm4, $0x10, v0;
	v13 =	vsel vm7, $0x10, v0  }
0xab: {  	v10 =	vld [tilespmem:s31+$0x0];
	[tilespmem:v21+s22+$0x0] =	vst.idx.msk vm6, v15;
	v20 =	vsel vm5, $0x10, v0;
	vm6 =	vlt.f32 v7, $-2.200000050e+00;
	v14 =	vadd.s32 v19, v14  }
0xac: {  	v15 =	vor.u32 v1, v23;
	v17 =	vsel vm6, $0x10, v0;
	v18 =	vadd.s32 v14, v13;
	v13 =	vld [tilespmem:s31+$0xFFFFFFF0]  }
0xad: {  	s17 =	simm.s32 $0x408;
	s19 =	simm.s32 $0x4170;
	[tilespmem:v22+s22+$0x0] =	vst.idx.msk vm9, v16;
	v16 =	vor.u32 v1, v19;
	vm9 =	vlt.f32 v8, $-2.200000050e+00;
	v19 =	vadd.s32 v18, v20  }
.LBB2_6:
0xae: {  	v20 =	vld [tilespmem:s19+$0xFFFFFF90];
	s17 =	sadd.s32 $0x8, s17;
	v21 =	vor.u32 v1, v12;
	v12 =	vor.u32 v1, v14;
	v14 =	vor.u32 v1, v18  }
0xaf: {  	vm10 =	vmmov vm8;
	v18 =	vld [tilespmem:s19+$0xFFFFFFA0];
	p0 =	slt.u32 s17, $0x5F8  }
0xb0: {  	v23 =	vor.u32 v1, v19;
	v17 =	vadd.s32 v19, v17;
	v22 =	vld [tilespmem:s19+$0xFFFFFFB0];
	[tilespmem:v11+s22+$0x0] =	vst.idx.msk vm3, v4  }
0xb1: {  	v11 =	vsel vm9, $0x10, v0;
	v19 =	vld [tilespmem:s19+$0xFFFFFFC0];
	vm3 =	vlt.f32 v13, $-2.200000050e+00;
	[tilespmem:v15+s22+$0x0] =	vst.idx.msk vm2, v3;
	vm2 =	vlt.f32 v10, $-2.200000050e+00;
	v3 =	vmovc v10;
	v4 =	vmovc v13  }
0xb2: {  	v13 =	vor.u32 v1, v17;
	v10 =	vadd.s32 v17, v11;
	v24 =	vld [tilespmem:s19+$0xFFFFFFD0];
	[tilespmem:v16+s22+$0x0] =	vst.idx.msk vm4, v5;
	v16 =	vsel vm3, $0x10, v0  }
0xb3: {  	v11 =	vsel vm2, $0x10, v0;
	vm8 =	vlt.f32 v20, $-2.200000050e+00;
	[tilespmem:v12+s22+$0x0] =	vst.idx.msk vm7, v9;
	v15 =	vadd.s32 v10, v16  }
0xb4: {  	v9 =	vsel vm8, $0x10, v0;
	vm4 =	vlt.f32 v18, $-2.200000050e+00;
	v25 =	vld [tilespmem:s19+$0xFFFFFFE0];
	[tilespmem:v14+s22+$0x0] =	vst.idx.msk vm5, v6;
	v12 =	vadd.s32 v15, v11;
	v5 =	vmovc v18  }
.Ltmp4:
0xb5: {  	v11 =	vor.u32 v1, v10;
	v16 =	vadd.s32 v12, v9;
	v17 =	vsel vm4, $0x10, v0;
	[tilespmem:v23+s22+$0x0] =	vst.idx.msk vm6, v7;
	(pc) =	sbr.rel @p0 .LBB2_6-.Ltmp4, $4  }
0xb6: {  	vm7 =	vlt.f32 v22, $-2.200000050e+00;
	v14 =	vadd.s32 v16, v17;
	vm5 =	vlt.f32 v19, $-2.200000050e+00;
	[tilespmem:v21+s22+$0x0] =	vst.idx.msk vm10, v2;
	v2 =	vmovc v20  }
0xb7: {  	v21 =	vsel vm7, $0x10, v0;
	v6 =	vmovc v19;
	v20 =	vsel vm5, $0x10, v0;
	vm6 =	vlt.f32 v24, $-2.200000050e+00;
	v10 =	vld [tilespmem:s19+$0x0];
	[tilespmem:v13+s22+$0x0] =	vst.idx.msk vm9, v8;
	v9 =	vmovc v22  }
0xb8: {  	v15 =	vor.u32 v1, v15;
	v18 =	vadd.s32 v14, v21;
	v7 =	vmovc v24;
	v17 =	vsel vm6, $0x10, v0;
	v13 =	vld [tilespmem:s19+$0xFFFFFFF0]  }
0xb9: {  	v16 =	vor.u32 v1, v16;
	v19 =	vadd.s32 v18, v20;
	s19 =	sadd.s32 $0x80, s19;
	vm9 =	vlt.f32 v25, $-2.200000050e+00;
	v8 =	vmovc v25  }
0xba: {  	_ =	sdelay $0x2  }
0xbb: {  	v14 =	vor.u32 v1, v14  }
0xbc: {  	v18 =	vor.u32 v1, v18  }
0xbd: {  	v12 =	vor.u32 v1, v12;
	vm8 =	vmmov vm8;
	v20 =	vor.u32 v1, v19;
	[tilespmem:v11+s22+$0x0] =	vst.idx.msk vm3, v4  }
0xbe: {  	v4 =	vadd.s32 v19, v17;
	v11 =	vsel vm9, $0x10, v0;
	[tilespmem:v15+s22+$0x0] =	vst.idx.msk vm2, v3;
	vm3 =	vlt.f32 v13, $-2.200000050e+00  }
0xbf: {  	[tilespmem:v16+s22+$0x0] =	vst.idx.msk vm4, v5;
	v3 =	vor.u32 v1, v4;
	v4 =	vadd.s32 v4, v11;
	v5 =	vsel vm3, $0x10, v0  }
0xc0: {  	vm2 =	vlt.f32 v10, $-2.200000050e+00;
	[tilespmem:v14+s22+$0x0] =	vst.idx.msk vm7, v9;
	v5 =	vadd.s32 v4, v5;
	v4 =	vor.u32 v1, v4  }
0xc1: {  	[tilespmem:v18+s22+$0x0] =	vst.idx.msk vm5, v6;
	v6 =	vor.u32 v1, v5  }
0xc2: {  	[tilespmem:v20+s22+$0x0] =	vst.idx.msk vm6, v7  }
0xc3: {  	[tilespmem:v12+s22+$0x0] =	vst.idx.msk vm8, v2  }
0xc4: {  	[tilespmem:v3+s22+$0x0] =	vst.idx.msk vm9, v8  }
0xc5: {  	[tilespmem:v4+s22+$0x0] =	vst.idx.msk vm3, v13  }
0xc6: {  	[tilespmem:v6+s22+$0x0] =	vst.idx.msk vm2, v10  }
0xc7: {  	_ =	swait.ge [sflag:s28], $0x2000  }
0xc8: {  	[sflag:s28] =	ssyncset.done $0x0  }
0xc9: {  	s3 =	simm.s32 $0xE000;
	s29 =	simm.s32 $0x6070;
	[sflag:s28] =	ssyncadd.s32 $0xFFFFE000  }
0xca: {  	[tilespmem:s3], [sflag:$0x4] =	stream.strided.gather [hbm4b:s10+s15], $0x2000, s16, s15, $0x38;
	[tilespmem:$0x18100] =	vst v63  }
0xcb: {  	v2 =	vld [tilespmem:s29+$0xFFFFFF90]  }
0xcc: {  	v9 =	vld [tilespmem:s29+$0xFFFFFFA0]  }
0xcd: {  	v12 =	vld [tilespmem:s29+$0xFFFFFFB0]  }
0xce: {  	v14 =	vld [tilespmem:s29+$0xFFFFFFC0]  }
0xcf: {  	v16 =	vld [tilespmem:s29+$0xFFFFFFD0]  }
0xd0: {  	v3 =	vsel vm2, $0x10, v0;
	v19 =	vld [tilespmem:s29+$0xFFFFFFE0]  }
0xd1: {  	v6 =	vadd.s32 v5, v3  }
0xd2: {  	v17 =	vor.u32 v1, v6  }
0xd3: {  	vm2 =	vlt.f32 v2, $-2.200000050e+00;
	vm4 =	vlt.f32 v9, $-2.200000050e+00;
	vm8 =	vlt.f32 v12, $-2.200000050e+00  }
0xd4: {  	s31 =	simm.s32 $0x60F0;
	v5 =	vld [tilespmem:s29+$0xFFFFFFF0];
	vm5 =	vlt.f32 v14, $-2.200000050e+00;
	vm6 =	vlt.f32 v16, $-2.200000050e+00;
	v3 =	vsel vm2, $0x10, v0  }
0xd5: {  	vm9 =	vlt.f32 v19, $-2.200000050e+00;
	v4 =	vadd.s32 v6, v3;
	v3 =	vsel vm4, $0x10, v0;
	v6 =	vld [tilespmem:s31+$0xFFFFFFA0]  }
0xd6: {  	v8 =	vsel vm8, $0x10, v0;
	v10 =	vsel vm5, $0x10, v0;
	v7 =	vadd.s32 v4, v3;
	v3 =	vld [tilespmem:s29+$0x0]  }
0xd7: {  	v11 =	vsel vm6, $0x10, v0;
	v13 =	vor.u32 v1, v4;
	v4 =	vld [tilespmem:s31+$0xFFFFFF90];
	v8 =	vadd.s32 v7, v8  }
0xd8: {  	vm10 =	vmmov vm2;
	v18 =	vor.u32 v1, v7;
	v15 =	vadd.s32 v8, v10  }
0xd9: {  	vm3 =	vlt.f32 v5, $-2.200000050e+00;
	v20 =	vor.u32 v1, v8;
	v10 =	vld [tilespmem:s31+$0xFFFFFFB0];
	v11 =	vadd.s32 v15, v11  }
0xda: {  	v7 =	vld [tilespmem:s31+$0xFFFFFFC0];
	v21 =	vor.u32 v1, v15;
	v15 =	vsel vm9, $0x10, v0;
	v22 =	vor.u32 v1, v11  }
0xdb: {  	v8 =	vld [tilespmem:s31+$0xFFFFFFD0];
	v15 =	vadd.s32 v11, v15;
	v11 =	vsel vm3, $0x10, v0;
	vm2 =	vlt.f32 v3, $-2.200000050e+00  }
0xdc: {  	vm7 =	vlt.f32 v4, $-2.200000050e+00;
	v23 =	vadd.s32 v15, v11;
	[tilespmem:v13+s22+$0x0] =	vst.idx.msk vm4, v9;
	vm4 =	vlt.f32 v6, $-2.200000050e+00  }
0xdd: {  	v9 =	vld [tilespmem:s31+$0xFFFFFFE0];
	v11 =	vsel vm2, $0x10, v0;
	v13 =	vsel vm7, $0x10, v0;
	[tilespmem:v18+s22+$0x0] =	vst.idx.msk vm8, v12;
	v12 =	vsel vm4, $0x10, v0  }
0xde: {  	[tilespmem:v17+s22+$0x0] =	vst.idx.msk vm10, v2;
	v17 =	vor.u32 v1, v23;
	v11 =	vadd.s32 v23, v11;
	vm8 =	vlt.f32 v10, $-2.200000050e+00  }
0xdf: {  	[tilespmem:v20+s22+$0x0] =	vst.idx.msk vm5, v14;
	vm5 =	vlt.f32 v7, $-2.200000050e+00;
	v24 =	vadd.s32 v11, v13;
	v13 =	vor.u32 v1, v15  }
0xe0: {  	[tilespmem:v21+s22+$0x0] =	vst.idx.msk vm6, v16;
	v14 =	vsel vm8, $0x10, v0;
	vm6 =	vlt.f32 v8, $-2.200000050e+00;
	v15 =	vadd.s32 v24, v12;
	v12 =	vld [tilespmem:s31+$0x0]  }
0xe1: {  	v20 =	vsel vm5, $0x10, v0;
	v2 =	vsel vm6, $0x10, v0;
	v18 =	vadd.s32 v15, v14;
	v14 =	vld [tilespmem:s31+$0xFFFFFFF0]  }
0xe2: {  	s17 =	simm.s32 $0x608;
	s19 =	simm.s32 $0x6170;
	[tilespmem:v22+s22+$0x0] =	vst.idx.msk vm9, v19;
	v16 =	vor.u32 v1, v24;
	vm9 =	vlt.f32 v9, $-2.200000050e+00;
	v19 =	vadd.s32 v18, v20  }
.LBB2_8:
0xe3: {  	v20 =	vld [tilespmem:s19+$0xFFFFFF90];
	s17 =	sadd.s32 $0x8, s17;
	v21 =	vor.u32 v1, v11;
	v11 =	vor.u32 v1, v15;
	v15 =	vor.u32 v1, v18  }
0xe4: {  	vm10 =	vmmov vm7;
	v18 =	vld [tilespmem:s19+$0xFFFFFFA0];
	p0 =	slt.u32 s17, $0x7F8  }
0xe5: {  	v23 =	vor.u32 v1, v19;
	v2 =	vadd.s32 v19, v2;
	v22 =	vld [tilespmem:s19+$0xFFFFFFB0];
	[tilespmem:v13+s22+$0x0] =	vst.idx.msk vm3, v5  }
0xe6: {  	v13 =	vsel vm9, $0x10, v0;
	v19 =	vld [tilespmem:s19+$0xFFFFFFC0];
	vm3 =	vlt.f32 v14, $-2.200000050e+00;
	[tilespmem:v17+s22+$0x0] =	vst.idx.msk vm2, v3;
	vm2 =	vlt.f32 v12, $-2.200000050e+00;
	v3 =	vmovc v12;
	v5 =	vmovc v14  }
0xe7: {  	v14 =	vor.u32 v1, v2;
	v2 =	vadd.s32 v2, v13;
	v24 =	vld [tilespmem:s19+$0xFFFFFFD0];
	[tilespmem:v16+s22+$0x0] =	vst.idx.msk vm4, v6;
	v13 =	vsel vm3, $0x10, v0  }
0xe8: {  	v12 =	vsel vm2, $0x10, v0;
	vm7 =	vlt.f32 v20, $-2.200000050e+00;
	[tilespmem:v11+s22+$0x0] =	vst.idx.msk vm8, v10;
	v16 =	vadd.s32 v2, v13  }
0xe9: {  	v10 =	vsel vm7, $0x10, v0;
	vm4 =	vlt.f32 v18, $-2.200000050e+00;
	v25 =	vld [tilespmem:s19+$0xFFFFFFE0];
	[tilespmem:v15+s22+$0x0] =	vst.idx.msk vm5, v7;
	v11 =	vadd.s32 v16, v12;
	v6 =	vmovc v18  }
.Ltmp5:
0xea: {  	v13 =	vor.u32 v1, v2;
	v26 =	vadd.s32 v11, v10;
	v17 =	vsel vm4, $0x10, v0;
	[tilespmem:v23+s22+$0x0] =	vst.idx.msk vm6, v8;
	(pc) =	sbr.rel @p0 .LBB2_8-.Ltmp5, $4  }
0xeb: {  	vm8 =	vlt.f32 v22, $-2.200000050e+00;
	v15 =	vadd.s32 v26, v17;
	vm5 =	vlt.f32 v19, $-2.200000050e+00;
	[tilespmem:v21+s22+$0x0] =	vst.idx.msk vm10, v4;
	v4 =	vmovc v20  }
0xec: {  	v2 =	vsel vm8, $0x10, v0;
	v7 =	vmovc v19;
	v20 =	vsel vm5, $0x10, v0;
	vm6 =	vlt.f32 v24, $-2.200000050e+00;
	v12 =	vld [tilespmem:s19+$0x0];
	[tilespmem:v14+s22+$0x0] =	vst.idx.msk vm9, v9;
	v10 =	vmovc v22  }
0xed: {  	v17 =	vor.u32 v1, v16;
	v18 =	vadd.s32 v15, v2;
	v8 =	vmovc v24;
	v2 =	vsel vm6, $0x10, v0;
	v14 =	vld [tilespmem:s19+$0xFFFFFFF0]  }
0xee: {  	v16 =	vor.u32 v1, v26;
	v19 =	vadd.s32 v18, v20;
	s19 =	sadd.s32 $0x80, s19;
	vm9 =	vlt.f32 v25, $-2.200000050e+00;
	v9 =	vmovc v25  }
0xef: {  	_ =	sdelay $0x2  }
0xf0: {  	v20 =	vadd.s32 v19, v2;
	v2 =	vsel vm9, $0x10, v0;
	vm10 =	vlt.f32 v14, $-2.200000050e+00  }
0xf1: {  	v21 =	vadd.s32 v20, v2;
	vm11 =	vlt.f32 v12, $-2.200000050e+00;
	v2 =	vsel vm10, $0x10, v0  }
0xf2: {  	v22 =	vadd.s32 v21, v2;
	v2 =	vsel vm11, $0x10, v0  }
0xf3: {  	v2 =	vadd.s32 v22, v2  }
0xf4: {  	v2 =	vshra.s32 v2, $0x4  }
0xf5: {  	(xrf0) =	vadd.scan.msk.s32 $0xffff, v2;
	_ =	sdelay $0x5  }
0xf6: {  	v23, _, _ =	vpop (xrf0)  }
0xf7: {  	(v2sf) =	vpush v23, $0xF;
	_ =	sdelay $0x9  }
0xf8: {  	v15 =	vor.u32 v1, v15  }
0xf9: {  	v18 =	vor.u32 v1, v18  }
0xfa: {  	[tilespmem:v13+s22+$0x0] =	vst.idx.msk vm3, v5;
	v60 =	vor.u32 v1, v19  }
0xfb: {  	[tilespmem:v17+s22+$0x0] =	vst.idx.msk vm2, v3;
	v3 =	vor.u32 v1, v11  }
0xfc: {  	[tilespmem:v16+s22+$0x0] =	vst.idx.msk vm4, v6;
	v61 =	vor.u32 v1, v20  }
0xfd: {  	v62 =	vor.u32 v1, v21;
	[tilespmem:v15+s22+$0x0] =	vst.idx.msk vm8, v10;
	s3 =	spop (v2sf)  }
0xfe: {  	[tilespmem:v18+s22+$0x0] =	vst.idx.msk vm5, v7;
	v63 =	vor.u32 v1, v22;
	p0 =	slt.s32 s3, $0x100  }
.Ltmp6:
0xff: {  	[tilespmem:v60+s22+$0x0] =	vst.idx.msk vm6, v8;
	(pc) =	sbr.rel @p0 .LBB2_29-.Ltmp6, $4  }
0x100: {  	[tilespmem:v3+s22+$0x0] =	vst.idx.msk vm7, v4  }
0x101: {  	[tilespmem:v61+s22+$0x0] =	vst.idx.msk vm9, v9  }
0x102: {  	[tilespmem:v62+s22+$0x0] =	vst.idx.msk vm10, v14  }
0x103: {  	vm3 =	vmmov vm7;
	s19 =	simm.s32 $0x0;
	s17 =	simm.s32 $0x0;
	[tilespmem:v63+s22+$0x0] =	vst.idx.msk vm11, v12  }
0x104: {  	v3 =	vxor.u32 $0x80000000, v2  }
0x105: {  	(xrf0) =	vmax.scan.msk.u32 $0xffff, v3;
	_ =	sdelay $0x5  }
0x106: {  	v3, _, _ =	vpop (xrf0)  }
0x107: {  	(v2sf) =	vpush v3, $0xF;
	_ =	sdelay $0xe  }
0x108: {  	s4 =	spop (v2sf)  }
0x109: {  	s4 =	sadd.s32 $0x80000003, s4  }
0x10a: {  	s17 =	sand.u32 $0x3, s4  }
0x10b: {  	s19 =	sshra.s32 s4, $0x1F;
	p0 =	slt.s32 s4, $0x1;
	p1 =	sne.s32 s17, $0x0  }
0x10c: {  	s31 =	sshrl.u32 s19, $0x1E;
	s17 =	simm.s32 $0x1;
	p0 =	por !p0, !p1  }
.Ltmp7:
0x10d: {  	s4 =	sadd.s32 s31, s4;
	p0 =	por !p0, !p0;
	(pc) =	sbr.rel .LBB2_11-.Ltmp7, $4  }
0x10e: {  	s4 =	sshrl.u32 s4, $0x2;
	s17 =	simm.s32 @!p0 $0x0  }
0x10f: {  	s4 =	ssub.s32 s4, s17  }
0x110: {  	s24 =	simm.s32 $0x0;
	s19 =	sshll.u32 s4, $0x2  }
0x111: {  	s21 =	simm.s32 $0x40000000;
	s17 =	sadd.s32 $0xFFFFFF01, s3;
	p0 =	slt.s32 s19, $0x1  }
.LBB2_29:
0x112: {  	s3 =	simm.s32 $0x20  }
0x113: {  	v6 =	vld [tilespmem:s3+$0x10]  }
0x114: {  	v4 =	vld [tilespmem:s3+$0x0]  }
0x115: {  	v3 =	vld [tilespmem:s3+$0xFFFFFFE0]  }
0x116: {  	s4 =	sshrl.u32 s2, s17;
	v5 =	vld [tilespmem:s3+$0xFFFFFFF0]  }
0x117: {  	s21 =	sor.u32 s4, s19  }
0x118: {  	s4 =	sxor.u32 $0x80000000, s21  }
0x119: {  	v7 =	vimm.s32 $0x0;
	v2 =	vmov s4  }
0x11a: {  	s24 =	simm.s32 $0x0;
	s3 =	simm.s32 $0x60;
	v8 =	vshra.s32 v6, $0x1F;
	v10 =	vshra.s32 v3, $0x1F;
	v9 =	vshra.s32 v4, $0x1F  }
.LBB2_30:
0x11b: {  	v11 =	vld [tilespmem:s3+$0x10];
	v10 =	vand.u32 $0x7FFFFFFF, v10;
	v12 =	vshra.s32 v5, $0x1F;
	v8 =	vand.u32 $0x7FFFFFFF, v8  }
0x11c: {  	v9 =	vand.u32 $0x7FFFFFFF, v9;
	s24 =	sadd.s32 $0x4, s24;
	v13 =	vld [tilespmem:s3+$0x0];
	v10 =	vxor.u32 v3, v10;
	v12 =	vand.u32 $0x7FFFFFFF, v12  }
0x11d: {  	v6 =	vxor.u32 v6, v8;
	p0 =	slt.u32 s24, $0x7FC;
	v3 =	vld [tilespmem:s3+$0xFFFFFFE0];
	vm2 =	vlt.s32 v10, v2;
	v10 =	vxor.u32 v5, v12  }
.Ltmp8:
0x11e: {  	v4 =	vxor.u32 v4, v9;
	v5 =	vld [tilespmem:s3+$0xFFFFFFF0];
	v8 =	vsel vm2, $0x1, v0;
	vm2 =	vlt.s32 v10, v2;
	(pc) =	sbr.rel @p0 .LBB2_30-.Ltmp8, $4  }
0x11f: {  	v7 =	vadd.s32 v8, v7;
	v8 =	vsel vm2, $0x1, v0;
	vm2 =	vlt.s32 v4, v2  }
0x120: {  	v9 =	vadd.s32 v8, v7;
	v7 =	vsel vm2, $0x1, v0;
	vm2 =	vlt.s32 v6, v2;
	v6 =	vmovc v11  }
0x121: {  	v8 =	vshra.s32 v6, $0x1F;
	v7 =	vadd.s32 v7, v9;
	v11 =	vsel vm2, $0x1, v0;
	v4 =	vmovc v13  }
0x122: {  	s3 =	sadd.s32 $0x40, s3;
	v10 =	vshra.s32 v3, $0x1F;
	v9 =	vshra.s32 v4, $0x1F;
	v7 =	vadd.s32 v11, v7  }
0x123: {  	v10 =	vand.u32 $0x7FFFFFFF, v10;
	v11 =	vshra.s32 v5, $0x1F;
	v8 =	vand.u32 $0x7FFFFFFF, v8  }
0x124: {  	v9 =	vand.u32 $0x7FFFFFFF, v9;
	v3 =	vxor.u32 v3, v10;
	v58 =	vand.u32 $0x7FFFFFFF, v11  }
0x125: {  	v59 =	vxor.u32 v6, v8;
	vm2 =	vlt.s32 v3, v2;
	v3 =	vxor.u32 v5, v58  }
0x126: {  	v60 =	vsel vm2, $0x1, v0;
	vm2 =	vlt.s32 v3, v2;
	v3 =	vxor.u32 v4, v9  }
0x127: {  	v61 =	vadd.s32 v60, v7;
	v62 =	vsel vm2, $0x1, v0;
	vm2 =	vlt.s32 v3, v2  }
0x128: {  	v3 =	vadd.s32 v62, v61;
	v63 =	vsel vm2, $0x1, v0;
	vm2 =	vlt.s32 v59, v2  }
0x129: {  	v2 =	vadd.s32 v63, v3;
	v3 =	vsel vm2, $0x1, v0  }
0x12a: {  	v2 =	vadd.s32 v3, v2  }
0x12b: {  	(xrf0) =	vadd.scan.msk.s32 $0xffff, v2;
	_ =	sdelay $0x5  }
0x12c: {  	v2, _, _ =	vpop (xrf0)  }
0x12d: {  	(v2sf) =	vpush v2, $0xF;
	_ =	sdelay $0xe  }
0x12e: {  	s3 =	spop (v2sf)  }
0x12f: {  	s17 =	sadd.s32 $0x1, s17;
	p0 =	sgt.s32 s3, $0xFF  }
0x130: {  	s21 =	smov.u32 @p0 s19;
	p0 =	sne.s32 s17, $0x20  }
.Ltmp9:
0x131: {  	_ = 	snop;
	(pc) =	sbr.rel @p0 .LBB2_29-.Ltmp9, $2  }
0x132: {  	_ =	sdelay $0x2  }
0x133: {  	s19 =	smov.u32 s21  }
0x134: {  	p0 =	sgt.s32 s21, $0xFFFFFFFF;
	s3 =	simm.s32 $0xFFFFFFFF;
	s19 =	simm.s32 $0x20  }
0x135: {  	s3 =	simm.s32 @!p0 $0x80000000;
	v3 =	vld [tilespmem:s19+$0xFFFFFFE0]  }
0x136: {  	v4 =	vld [tilespmem:s19+$0xFFFFFFF0];
	s17 =	sxor.u32 s21, s3  }
0x137: {  	v5 =	vld [tilespmem:s19+$0x0];
	v2 =	vmov s17  }
0x138: {  	v7 =	vld [tilespmem:s19+$0x10];
	v2 =	vbroadcast v2, $0x0;
	_ =	sdelay $0x1  }
0x139: {  	s3 =	simm.s32 $0x60;
	vm2 =	vlt.f32 v3, v2  }
0x13a: {  	v6 =	vld [tilespmem:s3+$0xFFFFFFE0];
	v3 =	vimm.s32 $0x0;
	v8 =	vsel vm2, $0x1, v0;
	vm2 =	vlt.f32 v4, v2  }
0x13b: {  	v4 =	vld [tilespmem:s3+$0xFFFFFFF0];
	v8 =	vadd.s32 v8, v3;
	v9 =	vsel vm2, $0x1, v0;
	vm2 =	vlt.f32 v5, v2  }
0x13c: {  	v5 =	vld [tilespmem:s3+$0x0];
	v8 =	vadd.s32 v9, v8;
	v9 =	vsel vm2, $0x1, v0;
	vm2 =	vlt.f32 v7, v2  }
0x13d: {  	s4 =	simm.s32 $0x4;
	v7 =	vld [tilespmem:s3+$0x10];
	v8 =	vadd.s32 v9, v8;
	v9 =	vsel vm2, $0x1, v0  }
.LBB2_33:
0x13e: {  	s4 =	sadd.s32 $0x4, s4  }
0x13f: {  	v8 =	vadd.s32 v9, v8;
	p0 =	slt.u32 s4, $0x7FC  }
.Ltmp10:
0x140: {  	s3 =	sadd.s32 $0x40, s3;
	vm2 =	vlt.f32 v6, v2;
	(pc) =	sbr.rel @p0 .LBB2_33-.Ltmp10, $4  }
0x141: {  	v6 =	vld [tilespmem:s3+$0xFFFFFFE0];
	v9 =	vsel vm2, $0x1, v0;
	vm2 =	vlt.f32 v4, v2  }
0x142: {  	v4 =	vld [tilespmem:s3+$0xFFFFFFF0];
	v8 =	vadd.s32 v9, v8;
	v9 =	vsel vm2, $0x1, v0;
	vm2 =	vlt.f32 v5, v2  }
0x143: {  	v5 =	vld [tilespmem:s3+$0x0];
	v8 =	vadd.s32 v9, v8;
	v9 =	vsel vm2, $0x1, v0;
	vm2 =	vlt.f32 v7, v2  }
0x144: {  	v7 =	vld [tilespmem:s3+$0x10];
	v8 =	vadd.s32 v9, v8;
	v9 =	vsel vm2, $0x1, v0  }
0x145: {  	v10 =	vld [tilespmem:s19+$0xFFFFFFE0]  }
0x146: {  	vm2 =	vlt.f32 v6, v2;
	v6 =	vld [tilespmem:s19+$0xFFFFFFF0]  }
0x147: {  	v12 =	vld [tilespmem:s19+$0x0];
	v11 =	vsel vm2, $0x1, v0;
	vm2 =	vlt.f32 v4, v2  }
0x148: {  	v4 =	vadd.s32 v9, v8;
	v9 =	vld [tilespmem:s19+$0x10];
	v8 =	vsel vm2, $0x1, v0;
	vm2 =	vlt.f32 v5, v2  }
0x149: {  	v4 =	vadd.s32 v11, v4;
	v5 =	vsel vm2, $0x1, v0;
	vm2 =	vlt.f32 v7, v2  }
0x14a: {  	s3 =	simm.s32 $0x60;
	v4 =	vadd.s32 v8, v4;
	v7 =	vsel vm2, $0x1, v0;
	vm2 =	veq.f32 v10, v2  }
0x14b: {  	v8 =	vadd.s32 v5, v4;
	v4 =	vld [tilespmem:s3+$0xFFFFFFE0];
	v5 =	vsel vm2, $0x1, v0;
	vm2 =	veq.f32 v6, v2  }
0x14c: {  	v3 =	vadd.s32 v5, v3;
	v6 =	vsel vm2, $0x1, v0;
	vm2 =	veq.f32 v12, v2;
	v5 =	vld [tilespmem:s3+$0xFFFFFFF0]  }
0x14d: {  	v10 =	vadd.s32 v6, v3;
	v11 =	vsel vm2, $0x1, v0;
	vm2 =	veq.f32 v9, v2;
	v6 =	vld [tilespmem:s3+$0x0]  }
0x14e: {  	s4 =	simm.s32 $0x4;
	v3 =	vadd.s32 v7, v8;
	v7 =	vld [tilespmem:s3+$0x10];
	v8 =	vadd.s32 v11, v10;
	v9 =	vsel vm2, $0x1, v0  }
.LBB2_35:
0x14f: {  	s4 =	sadd.s32 $0x4, s4  }
0x150: {  	v8 =	vadd.s32 v9, v8;
	p0 =	slt.u32 s4, $0x7FC  }
.Ltmp11:
0x151: {  	s3 =	sadd.s32 $0x40, s3;
	vm2 =	veq.f32 v4, v2;
	(pc) =	sbr.rel @p0 .LBB2_35-.Ltmp11, $4  }
0x152: {  	v4 =	vld [tilespmem:s3+$0xFFFFFFE0];
	v9 =	vsel vm2, $0x1, v0;
	vm2 =	veq.f32 v5, v2  }
0x153: {  	v5 =	vld [tilespmem:s3+$0xFFFFFFF0];
	v8 =	vadd.s32 v9, v8;
	v9 =	vsel vm2, $0x1, v0;
	vm2 =	veq.f32 v6, v2  }
0x154: {  	v6 =	vld [tilespmem:s3+$0x0];
	v8 =	vadd.s32 v9, v8;
	v9 =	vsel vm2, $0x1, v0;
	vm2 =	veq.f32 v7, v2  }
0x155: {  	v7 =	vld [tilespmem:s3+$0x10];
	v8 =	vadd.s32 v9, v8;
	v9 =	vsel vm2, $0x1, v0  }
0x156: {  	_ = 	snop  }
0x157: {  	vm2 =	veq.f32 v4, v2  }
0x158: {  	v60 =	vadd.s32 v9, v8;
	v61 =	vsel vm2, $0x1, v0;
	vm2 =	veq.f32 v5, v2  }
0x159: {  	v4 =	vadd.s32 v61, v60;
	v5 =	vsel vm2, $0x1, v0;
	vm2 =	veq.f32 v6, v2  }
0x15a: {  	v4 =	vadd.s32 v5, v4;
	v62 =	vsel vm2, $0x1, v0;
	vm2 =	veq.f32 v7, v2  }
0x15b: {  	v4 =	vadd.s32 v62, v4;
	v63 =	vsel vm2, $0x1, v0  }
0x15c: {  	(xrf0) =	vadd.scan.msk.s32 $0xffff, v3;
	v4 =	vadd.s32 v63, v4  }
0x15d: {  	(xrf0) =	vadd.scan.msk.s32 $0xffff, v4;
	_ =	sdelay $0x4  }
0x15e: {  	v3, _, _ =	vpop (xrf0)  }
0x15f: {  	(v2sf) =	vpush v3, $0xF;
	v3, _, _ =	vpop (xrf0)  }
0x160: {  	(v2sf) =	vpush v3, $0xF;
	_ =	sdelay $0xd  }
0x161: {  	s3 =	spop (v2sf)  }
0x162: {  	s21 =	ssub.s32 $0x100, s3;
	s4 =	spop (v2sf)  }
0x163: {  	p0 =	seq.s32 s4, s21  }
.Ltmp12:
0x164: {  	_ = 	snop;
	(pc) =	sbr.rel @p0 .LBB2_41-.Ltmp12, $3  }
0x165: {  	_ =	sdelay $0x1  }
0x166: {  	s24 =	simm.s32 $0x0  }
0x167: {  	s19 =	simm.s32 $0x7FFF;
	s26 =	simm.s32 $0x0;
	s29 =	simm.s32 $0x0  }
.LBB2_37:
0x168: {  	s3 =	simm.s32 $0x20  }
0x169: {  	v5 =	vld [tilespmem:s3+$0xFFFFFFE0];
	_ =	sdelay $0x2  }
0x16a: {  	v6 =	vld [tilespmem:s3+$0x10]  }
0x16b: {  	s4 =	sshrl.u32 s18, s29;
	v7 =	vld [tilespmem:s3+$0xFFFFFFF0]  }
0x16c: {  	v4 =	vimm.s32 $0x0;
	s7 =	simm.s32 $0x20;
	s19 =	sor.u32 s4, s26;
	vm6 =	veq.f32 v5, v2;
	v5 =	vld [tilespmem:s3+$0x0]  }
0x16d: {  	s5 =	simm.s32 $0x30;
	v8 =	vor.u32 s24, v1;
	s6 =	simm.s32 $0x10;
	v9 =	vor.u32 s7, v1;
	v3 =	vmov s19  }
0x16e: {  	v10 =	vor.u32 s5, v1;
	v63 =	vor.u32 s6, v1;
	vm4 =	vlt.s32 v8, v3  }
0x16f: {  	vm2 =	vlt.s32 v10, v3;
	vm5 =	vlt.s32 v63, v3;
	vm3 =	vlt.s32 v9, v3  }
0x170: {  	s31 =	simm.s32 $0x0;
	s4 =	simm.s32 $0x0;
	vm7 =	veq.f32 v7, v2;
	s3 =	simm.s32 $0x60;
	vm6 =	vmand vm4, vm6;
	vm4 =	veq.f32 v6, v2  }
.LBB2_38:
0x171: {  	v6 =	vld [tilespmem:s3+$0x10];
	v7 =	vsel vm6, $0x1, v0;
	vm5 =	vmand vm5, vm7;
	vm6 =	veq.f32 v5, v2  }
0x172: {  	s31 =	sadd.s32 $0x4, s31;
	v8 =	vld [tilespmem:s3+$0xFFFFFFE0];
	v4 =	vadd.s32 v7, v4;
	v5 =	vsel vm5, $0x1, v0;
	vm3 =	vmand vm3, vm6  }
0x173: {  	vm2 =	vmand vm2, vm4;
	s4 =	sadd.s32 $0x40, s4;
	p0 =	slt.u32 s31, $0x7FC;
	v7 =	vld [tilespmem:s3+$0xFFFFFFF0];
	v4 =	vadd.s32 v5, v4;
	v9 =	vsel vm3, $0x1, v0  }
.Ltmp13:
0x174: {  	v10 =	vor.u32 s4, v1;
	s5 =	sadd.s32 $0x20, s4;
	s6 =	sadd.s32 $0x30, s4;
	v5 =	vld [tilespmem:s3+$0x0];
	v4 =	vadd.s32 v9, v4;
	v9 =	vsel vm2, $0x1, v0;
	(pc) =	sbr.rel @p0 .LBB2_38-.Ltmp13, $4  }
0x175: {  	s7 =	sadd.s32 $0x10, s4;
	v11 =	vor.u32 s5, v1;
	v12 =	vor.u32 s6, v1;
	v4 =	vadd.s32 v9, v4  }
0x176: {  	vm4 =	vlt.s32 v10, v3;
	vm2 =	vlt.s32 v12, v3;
	v9 =	vor.u32 s7, v1  }
0x177: {  	vm3 =	vlt.s32 v11, v3;
	vm5 =	vlt.s32 v9, v3;
	vm6 =	veq.f32 v8, v2  }
0x178: {  	s3 =	sadd.s32 $0x40, s3;
	vm6 =	vmand vm4, vm6;
	vm7 =	veq.f32 v7, v2;
	vm4 =	veq.f32 v6, v2  }
0x179: {  	v3 =	vsel vm6, $0x1, v0;
	vm5 =	vmand vm5, vm7;
	vm15 =	veq.f32 v5, v2  }
0x17a: {  	v3 =	vadd.s32 v3, v4;
	v61 =	vsel vm5, $0x1, v0;
	vm3 =	vmand vm3, vm15  }
0x17b: {  	vm2 =	vmand vm2, vm4;
	v3 =	vadd.s32 v61, v3;
	v62 =	vsel vm3, $0x1, v0  }
0x17c: {  	v63 =	vsel vm2, $0x1, v0;
	v3 =	vadd.s32 v62, v3  }
0x17d: {  	v3 =	vadd.s32 v63, v3  }
0x17e: {  	(xrf0) =	vadd.scan.msk.s32 $0xffff, v3;
	_ =	sdelay $0x5  }
0x17f: {  	v3, _, _ =	vpop (xrf0)  }
0x180: {  	(v2sf) =	vpush v3, $0xF;
	_ =	sdelay $0xa  }
0x181: {  	s29 =	sadd.s32 $0x1, s29  }
0x182: {  	p1 =	sne.s32 s29, $0xF  }
.Ltmp14:
0x183: {  	_ = 	snop;
	(pc) =	sbr.rel @p1 .LBB2_37-.Ltmp14, $4  }
0x184: {  	_ = 	snop  }
0x185: {  	s3 =	spop (v2sf)  }
0x186: {  	p0 =	slt.s32 s3, s21  }
0x187: {  	s26 =	smov.u32 @p0 s19  }
.Ltmp15:
0x188: {  	(pc) =	sbr.rel .LBB2_41-.Ltmp15, $2  }
0x189: {  	_ =	sdelay $0x2  }
0x18a: {  	s19 =	smov.u32 s26  }
.LBB2_12:
0x18b: {  	v3 =	vimm.s32 $0x0  }
.LBB2_13:
0x18c: {  	(xrf0) =	vadd.scan.msk.s32 $0xffff, v3;
	_ =	sdelay $0x5  }
0x18d: {  	v3, _, _ =	vpop (xrf0)  }
0x18e: {  	(v2sf) =	vpush v3, $0xF;
	_ =	sdelay $0xa  }
0x18f: {  	s24 =	sadd.s32 $0x1, s24  }
0x190: {  	p2 =	seq.s32 s24, $0x1E  }
.Ltmp16:
0x191: {  	_ = 	snop;
	(pc) =	sbr.rel @p2 .LBB2_14-.Ltmp16, $4  }
0x192: {  	_ = 	snop  }
0x193: {  	s3 =	spop (v2sf)  }
0x194: {  	p1 =	slt.s32 s3, s17  }
0x195: {  	s21 =	smov.u32 @p1 s26  }
.LBB2_11:
.Ltmp17:
0x196: {  	(pc) =	sbr.rel @p0 .LBB2_12-.Ltmp17, $3  }
0x197: {  	_ =	sdelay $0x1  }
0x198: {  	s3 =	sshrl.u32 s30, s24  }
0x199: {  	s26 =	sor.u32 s3, s21  }
0x19a: {  	s6 =	simm.s32 $0x10020  }
0x19b: {  	v5 =	vld [tilespmem:s6+$0xFFFFFFE0];
	_ =	sdelay $0x2  }
0x19c: {  	s3 =	sxor.u32 $0x80000000, s26;
	v6 =	vld [tilespmem:s6+$0x10]  }
0x19d: {  	p1 =	sgt.s32 s19, $0x4;
	v3 =	vmov s3;
	v7 =	vld [tilespmem:s6+$0xFFFFFFF0]  }
.Ltmp18:
0x19e: {  	s4 =	simm.s32 $0x0;
	s29 =	simm.s32 $0x2;
	vm6 =	vlt.s32 v5, v3;
	v5 =	vld [tilespmem:s6+$0x0];
	(pc) =	sbr.rel @!p1 .LBB2_23-.Ltmp18, $4  }
0x19f: {  	v4 =	vimm.s32 $0x0;
	s31 =	simm.s32 $0x3;
	s7 =	simm.s32 $0x1;
	v8 =	vmov s4;
	v9 =	vmov s29  }
0x1a0: {  	v10 =	vmov s31;
	v63 =	vmov s7;
	vm4 =	vlt.s32 v8, v2  }
0x1a1: {  	vm2 =	vlt.s32 v10, v2;
	vm5 =	vlt.s32 v63, v2;
	vm3 =	vlt.s32 v9, v2  }
0x1a2: {  	s29 =	simm.s32 $0x4;
	s31 =	simm.s32 $0x10060;
	vm7 =	vlt.s32 v7, v3;
	vm6 =	vmand vm4, vm6;
	vm4 =	vlt.s32 v6, v3  }
.LBB2_22:
0x1a3: {  	v6 =	vld [tilespmem:s31+$0x10];
	v7 =	vsel vm6, $0x1, v0;
	vm5 =	vmand vm5, vm7;
	vm6 =	vlt.s32 v5, v3;
	s3 =	smov.u32 s29  }
0x1a4: {  	s29 =	sadd.s32 $0x4, s29;
	v8 =	vld [tilespmem:s31+$0xFFFFFFE0];
	v4 =	vadd.s32 v7, v4;
	v5 =	vsel vm5, $0x1, v0;
	vm3 =	vmand vm3, vm6  }
0x1a5: {  	vm2 =	vmand vm2, vm4;
	p1 =	slt.s32 s29, s19;
	v7 =	vld [tilespmem:s31+$0xFFFFFFF0];
	v4 =	vadd.s32 v5, v4;
	v9 =	vsel vm3, $0x1, v0  }
.Ltmp19:
0x1a6: {  	v10 =	vmov s3;
	s4 =	sadd.s32 $0x2, s3;
	s5 =	sadd.s32 $0x3, s3;
	v5 =	vld [tilespmem:s31+$0x0];
	v4 =	vadd.s32 v9, v4;
	v9 =	vsel vm2, $0x1, v0;
	(pc) =	sbr.rel @p1 .LBB2_22-.Ltmp19, $4  }
0x1a7: {  	s3 =	sadd.s32 $0x1, s3;
	v11 =	vmov s4;
	v12 =	vmov s5;
	v4 =	vadd.s32 v9, v4  }
0x1a8: {  	vm4 =	vlt.s32 v10, v2;
	vm2 =	vlt.s32 v12, v2;
	v9 =	vmov s3  }
0x1a9: {  	vm3 =	vlt.s32 v11, v2;
	vm5 =	vlt.s32 v9, v2;
	vm6 =	vlt.s32 v8, v3  }
0x1aa: {  	s31 =	sadd.s32 $0x40, s31;
	vm6 =	vmand vm4, vm6;
	vm7 =	vlt.s32 v7, v3;
	vm4 =	vlt.s32 v6, v3  }
.LBB2_23:
.Ltmp20:
0x1ab: {  	v6 =	vsel vm6, $0x1, v0;
	vm5 =	vmand vm5, vm7;
	vm15 =	vlt.s32 v5, v3;
	(pc) =	sbr.rel .LBB2_13-.Ltmp20, $4  }
0x1ac: {  	v3 =	vadd.s32 v6, v4;
	v4 =	vsel vm5, $0x1, v0;
	vm3 =	vmand vm3, vm15  }
0x1ad: {  	vm2 =	vmand vm2, vm4;
	v3 =	vadd.s32 v4, v3;
	v4 =	vsel vm3, $0x1, v0  }
0x1ae: {  	v3 =	vadd.s32 v4, v3;
	v4 =	vsel vm2, $0x1, v0  }
0x1af: {  	v3 =	vadd.s32 v4, v3  }
.LBB2_14:
.Ltmp21:
0x1b0: {  	(pc) =	sbr.rel @p0 .LBB2_15-.Ltmp21, $3  }
0x1b1: {  	_ =	sdelay $0x1  }
0x1b2: {  	s17 =	sxor.u32 $0x80000000, s21  }
0x1b3: {  	v3 =	vmov s17  }
0x1b4: {  	s21 =	simm.s32 $0x10020  }
0x1b5: {  	v8 =	vld [tilespmem:s21+$0xFFFFFFE0];
	_ =	sdelay $0x2  }
0x1b6: {  	v10 =	vld [tilespmem:s21+$0xFFFFFFF0]  }
0x1b7: {  	s3 =	simm.s32 $0x0;
	p0 =	sgt.s32 s19, $0x4;
	v9 =	vld [tilespmem:s21+$0x10]  }
.Ltmp22:
0x1b8: {  	v4 =	vimm.s32 $0x0;
	s31 =	simm.s32 $0x2;
	s4 =	simm.s32 $0x3;
	vm5 =	vgt.s32 v8, v3;
	v8 =	vld [tilespmem:s21+$0x0];
	(pc) =	sbr.rel @!p0 .LBB2_26-.Ltmp22, $4  }
0x1b9: {  	s5 =	simm.s32 $0x1;
	v6 =	vmov s3;
	v5 =	vmov s31;
	v7 =	vmov s4  }
0x1ba: {  	vm2 =	vlt.s32 v6, v2;
	v6 =	vmov s5;
	vm3 =	vlt.s32 v7, v2  }
0x1bb: {  	vm4 =	vlt.s32 v5, v2;
	vm6 =	vlt.s32 v6, v2;
	vm8 =	vgt.s32 v10, v3  }
0x1bc: {  	s24 =	simm.s32 $0x4;
	s26 =	simm.s32 $0x10060;
	vm7 =	vmand vm2, vm5;
	vm5 =	vgt.s32 v9, v3;
	v9 =	vimm.s32 $0x0  }
.LBB2_25:
0x1bd: {  	v10 =	vld [tilespmem:s26+$0x10];
	v11 =	vsel vm7, $0x1, v0;
	vm6 =	vmand vm6, vm8;
	vm7 =	vgt.s32 v8, v3;
	s3 =	smov.u32 s24  }
0x1be: {  	s24 =	sadd.s32 $0x4, s24;
	v12 =	vld [tilespmem:s26+$0xFFFFFFE0];
	v8 =	vadd.s32 v11, v9;
	v9 =	vsel vm6, $0x1, v0;
	vm4 =	vmand vm4, vm7  }
0x1bf: {  	vm3 =	vmand vm3, vm5;
	p0 =	slt.s32 s24, s19;
	v11 =	vld [tilespmem:s26+$0xFFFFFFF0];
	v9 =	vadd.s32 v9, v8;
	v13 =	vsel vm4, $0x1, v0  }
.Ltmp23:
0x1c0: {  	v14 =	vmov s3;
	s4 =	sadd.s32 $0x2, s3;
	s5 =	sadd.s32 $0x3, s3;
	v8 =	vld [tilespmem:s26+$0x0];
	v9 =	vadd.s32 v13, v9;
	v13 =	vsel vm3, $0x1, v0;
	(pc) =	sbr.rel @p0 .LBB2_25-.Ltmp23, $4  }
0x1c1: {  	s3 =	sadd.s32 $0x1, s3;
	v15 =	vmov s4;
	v16 =	vmov s5;
	v9 =	vadd.s32 v13, v9  }
0x1c2: {  	vm5 =	vlt.s32 v14, v2;
	vm3 =	vlt.s32 v16, v2;
	v13 =	vmov s3  }
0x1c3: {  	vm4 =	vlt.s32 v15, v2;
	vm6 =	vlt.s32 v13, v2;
	vm7 =	vgt.s32 v12, v3  }
0x1c4: {  	s26 =	sadd.s32 $0x40, s26;
	vm7 =	vmand vm5, vm7;
	vm8 =	vgt.s32 v11, v3;
	vm5 =	vgt.s32 v10, v3  }
.LBB2_26:
0x1c5: {  	v10 =	vsel vm7, $0x1, v0;
	vm6 =	vmand vm6, vm8;
	vm7 =	vgt.s32 v8, v3  }
0x1c6: {  	v57 =	vadd.s32 v10, v9;
	v58 =	vsel vm6, $0x1, v0;
	vm4 =	vmand vm4, vm7  }
0x1c7: {  	vm3 =	vmand vm3, vm5;
	v8 =	vadd.s32 v58, v57;
	v59 =	vsel vm4, $0x1, v0  }
0x1c8: {  	v60 =	vsel vm3, $0x1, v0;
	v8 =	vadd.s32 v59, v8  }
0x1c9: {  	v8 =	vadd.s32 v60, v8  }
0x1ca: {  	(xrf0) =	vadd.scan.msk.s32 $0xffff, v8;
	_ =	sdelay $0x5  }
0x1cb: {  	v8, _, _ =	vpop (xrf0)  }
0x1cc: {  	(v2sf) =	vpush v8, $0xF;
	_ =	sdelay $0x7  }
0x1cd: {  	v61 =	vld [tilespmem:s21+$0x10]  }
0x1ce: {  	v62 =	vld [tilespmem:s21+$0xFFFFFFE0]  }
0x1cf: {  	v63 =	vld [tilespmem:s21+$0xFFFFFFF0];
	p0 =	sgt.s32 s19, $0x4  }
.Ltmp24:
0x1d0: {  	vm4 =	vlt.s32 v5, v2;
	v5 =	vld [tilespmem:s21+$0x0];
	(pc) =	sbr.rel @!p0 .LBB2_28-.Ltmp24, $3  }
0x1d1: {  	_ =	sdelay $0x1  }
0x1d2: {  	vm5 =	vlt.s32 v6, v2;
	vm3 =	vlt.s32 v7, v2;
	vm6 =	veq.s32 v62, v3  }
0x1d3: {  	s26 =	simm.s32 $0x4;
	s21 =	simm.s32 $0x10060;
	vm7 =	veq.s32 v63, v3;
	vm6 =	vmand vm2, vm6;
	vm2 =	veq.s32 v61, v3;
	s24 =	spop (v2sf)  }
.LBB2_27:
0x1d4: {  	v6 =	vld [tilespmem:s21+$0x10];
	v7 =	vsel vm6, $0x1, v0;
	vm5 =	vmand vm5, vm7;
	vm6 =	veq.s32 v5, v3;
	s3 =	smov.u32 s26  }
0x1d5: {  	s26 =	sadd.s32 $0x4, s26;
	v8 =	vld [tilespmem:s21+$0xFFFFFFE0];
	v4 =	vadd.s32 v7, v4;
	v5 =	vsel vm5, $0x1, v0;
	vm4 =	vmand vm4, vm6  }
0x1d6: {  	vm2 =	vmand vm3, vm2;
	p0 =	slt.s32 s26, s19;
	v7 =	vld [tilespmem:s21+$0xFFFFFFF0];
	v4 =	vadd.s32 v5, v4;
	v9 =	vsel vm4, $0x1, v0  }
.Ltmp25:
0x1d7: {  	v10 =	vmov s3;
	s4 =	sadd.s32 $0x2, s3;
	s5 =	sadd.s32 $0x3, s3;
	v5 =	vld [tilespmem:s21+$0x0];
	v4 =	vadd.s32 v9, v4;
	v9 =	vsel vm2, $0x1, v0;
	(pc) =	sbr.rel @p0 .LBB2_27-.Ltmp25, $4  }
0x1d8: {  	s3 =	sadd.s32 $0x1, s3;
	v11 =	vmov s4;
	v12 =	vmov s5;
	v4 =	vadd.s32 v9, v4  }
0x1d9: {  	vm2 =	vlt.s32 v10, v2;
	vm3 =	vlt.s32 v12, v2;
	v9 =	vmov s3  }
0x1da: {  	vm4 =	vlt.s32 v11, v2;
	vm5 =	vlt.s32 v9, v2;
	vm6 =	veq.s32 v8, v3  }
0x1db: {  	s21 =	sadd.s32 $0x40, s21;
	vm6 =	vmand vm2, vm6;
	vm7 =	veq.s32 v7, v3;
	vm2 =	veq.s32 v6, v3  }
.LBB2_28:
.Ltmp26:
0x1dc: {  	v2 =	vsel vm6, $0x1, v0;
	vm5 =	vmand vm5, vm7;
	vm15 =	veq.s32 v5, v3;
	(pc) =	sbr.rel .LBB2_16-.Ltmp26, $4  }
0x1dd: {  	v2 =	vadd.s32 v2, v4;
	v4 =	vsel vm5, $0x1, v0;
	vm4 =	vmand vm4, vm15  }
0x1de: {  	vm2 =	vmand vm3, vm2;
	v2 =	vadd.s32 v4, v2;
	v4 =	vsel vm4, $0x1, v0  }
0x1df: {  	v2 =	vadd.s32 v4, v2;
	v4 =	vsel vm2, $0x1, v0  }
0x1e0: {  	v2 =	vadd.s32 v4, v2  }
.LBB2_15:
0x1e1: {  	v2 =	vimm.s32 $0x0;
	s24 =	rddreg [dreg:$0x8]  }
.LBB2_16:
0x1e2: {  	(xrf0) =	vadd.scan.msk.s32 $0xffff, v2;
	_ =	sdelay $0x5  }
0x1e3: {  	v2, _, _ =	vpop (xrf0)  }
0x1e4: {  	(v2sf) =	vpush v2, $0xF;
	_ =	sdelay $0xe  }
0x1e5: {  	s21 =	ssub.s32 $0x100, s24;
	s3 =	spop (v2sf)  }
0x1e6: {  	p0 =	seq.s32 s3, s21  }
.Ltmp27:
0x1e7: {  	_ = 	snop;
	(pc) =	sbr.rel @p0 .LBB2_41-.Ltmp27, $2  }
0x1e8: {  	_ =	sdelay $0x2  }
0x1e9: {  	s19 =	simm.s32 $0x7FFF  }
0x1ea: {  	v2 =	vbroadcast v3, $0x0  }
0x1eb: {  	s24 =	simm.s32 $0x0;
	s19 =	simm.s32 $0x0;
	s26 =	simm.s32 $0x0  }
.LBB2_18:
0x1ec: {  	s3 =	simm.s32 $0x20  }
0x1ed: {  	v5 =	vld [tilespmem:s3+$0xFFFFFFE0];
	_ =	sdelay $0x2  }
0x1ee: {  	v6 =	vld [tilespmem:s3+$0x10]  }
0x1ef: {  	s4 =	sshrl.u32 s18, s26;
	v7 =	vld [tilespmem:s3+$0xFFFFFFF0]  }
0x1f0: {  	v4 =	vimm.s32 $0x0;
	s7 =	simm.s32 $0x20;
	s29 =	sor.u32 s4, s19;
	vm6 =	veq.f32 v5, v2;
	v5 =	vld [tilespmem:s3+$0x0]  }
0x1f1: {  	s5 =	simm.s32 $0x30;
	v8 =	vor.u32 s24, v1;
	s31 =	simm.s32 $0x10;
	v9 =	vor.u32 s7, v1;
	v3 =	vmov s29  }
0x1f2: {  	v10 =	vor.u32 s5, v1;
	v63 =	vor.u32 s31, v1;
	vm4 =	vlt.s32 v8, v3  }
0x1f3: {  	vm2 =	vlt.s32 v10, v3;
	vm5 =	vlt.s32 v63, v3;
	vm3 =	vlt.s32 v9, v3  }
0x1f4: {  	s31 =	simm.s32 $0x0;
	s4 =	simm.s32 $0x0;
	vm7 =	veq.f32 v7, v2;
	s3 =	simm.s32 $0x60;
	vm6 =	vmand vm4, vm6;
	vm4 =	veq.f32 v6, v2  }
.LBB2_19:
0x1f5: {  	v6 =	vld [tilespmem:s3+$0x10];
	v7 =	vsel vm6, $0x1, v0;
	vm5 =	vmand vm5, vm7;
	vm6 =	veq.f32 v5, v2  }
0x1f6: {  	s31 =	sadd.s32 $0x4, s31;
	v8 =	vld [tilespmem:s3+$0xFFFFFFE0];
	v4 =	vadd.s32 v7, v4;
	v5 =	vsel vm5, $0x1, v0;
	vm3 =	vmand vm3, vm6  }
0x1f7: {  	vm2 =	vmand vm2, vm4;
	s4 =	sadd.s32 $0x40, s4;
	p0 =	slt.u32 s31, $0x7FC;
	v7 =	vld [tilespmem:s3+$0xFFFFFFF0];
	v4 =	vadd.s32 v5, v4;
	v9 =	vsel vm3, $0x1, v0  }
.Ltmp28:
0x1f8: {  	v10 =	vor.u32 s4, v1;
	s5 =	sadd.s32 $0x20, s4;
	s6 =	sadd.s32 $0x30, s4;
	v5 =	vld [tilespmem:s3+$0x0];
	v4 =	vadd.s32 v9, v4;
	v9 =	vsel vm2, $0x1, v0;
	(pc) =	sbr.rel @p0 .LBB2_19-.Ltmp28, $4  }
0x1f9: {  	s7 =	sadd.s32 $0x10, s4;
	v11 =	vor.u32 s5, v1;
	v12 =	vor.u32 s6, v1;
	v4 =	vadd.s32 v9, v4  }
0x1fa: {  	vm4 =	vlt.s32 v10, v3;
	vm2 =	vlt.s32 v12, v3;
	v9 =	vor.u32 s7, v1  }
0x1fb: {  	vm3 =	vlt.s32 v11, v3;
	vm5 =	vlt.s32 v9, v3;
	vm6 =	veq.f32 v8, v2  }
0x1fc: {  	s3 =	sadd.s32 $0x40, s3;
	vm6 =	vmand vm4, vm6;
	vm7 =	veq.f32 v7, v2;
	vm4 =	veq.f32 v6, v2  }
0x1fd: {  	v3 =	vsel vm6, $0x1, v0;
	vm5 =	vmand vm5, vm7;
	vm15 =	veq.f32 v5, v2  }
0x1fe: {  	v3 =	vadd.s32 v3, v4;
	v61 =	vsel vm5, $0x1, v0;
	vm3 =	vmand vm3, vm15  }
0x1ff: {  	vm2 =	vmand vm2, vm4;
	v3 =	vadd.s32 v61, v3;
	v62 =	vsel vm3, $0x1, v0  }
0x200: {  	v63 =	vsel vm2, $0x1, v0;
	v3 =	vadd.s32 v62, v3  }
0x201: {  	v3 =	vadd.s32 v63, v3  }
0x202: {  	(xrf0) =	vadd.scan.msk.s32 $0xffff, v3;
	_ =	sdelay $0x5  }
0x203: {  	v3, _, _ =	vpop (xrf0)  }
0x204: {  	(v2sf) =	vpush v3, $0xF;
	_ =	sdelay $0xa  }
0x205: {  	s26 =	sadd.s32 $0x1, s26  }
0x206: {  	p1 =	seq.s32 s26, $0xF  }
.Ltmp29:
0x207: {  	_ = 	snop;
	(pc) =	sbr.rel @!p1 .LBB2_18-.Ltmp29, $4  }
0x208: {  	_ = 	snop  }
0x209: {  	s3 =	spop (v2sf)  }
0x20a: {  	p0 =	slt.s32 s3, s21  }
0x20b: {  	s19 =	smov.u32 @p0 s29  }
.LBB2_41:
0x20c: {  	v2 =	vmov s17  }
0x20d: {  	v2 =	vnsel vm0, $0x0, v2  }
0x20e: {  	v2 =	vsel vm1, s19, v2  }
0x20f: {  	s3 =	simm.s32 $0x18080;
	[tilespmem:$0x18080] =	vst v2  }
0x210: {  	[hbm4b:s11+s1] =	stream.linear.scatter [tilespmem:s3], [sflag:$0x5], $0x80, $0x38;
	[tilespmem:$0x18100] =	vst v63  }
0x211: {  	_ =	swait.ge [sflag:s0], $0x80  }
0x212: {  	[sflag:s0] =	ssyncset.done $0x0  }
0x213: {  	[sflag:s0] =	ssyncadd.s32 $0xFFFFFF80  }
0x214: {  	_ =	swait.ge [sflag:s20], $0x2000  }
0x215: {  	[sflag:s20] =	ssyncset.done $0x0  }
0x216: {  	s29 =	simm.s32 $0x8040;
	[sflag:s20] =	ssyncadd.s32 $0xFFFFE000  }
0x217: {  	v10 =	vld [tilespmem:s29+$0xFFFFFFC0]  }
0x218: {  	v8 =	vld [tilespmem:s29+$0xFFFFFFD0]  }
0x219: {  	v11 =	vld [tilespmem:s29+$0xFFFFFFE0]  }
0x21a: {  	v13 =	vld [tilespmem:s29+$0xFFFFFFF0]  }
0x21b: {  	v15 =	vld [tilespmem:s29+$0x0]  }
0x21c: {  	v16 =	vld [tilespmem:s29+$0x10]  }
0x21d: {  	v5 =	vimm.s32 $0x0;
	v4 =	vld [tilespmem:s29+$0x20]  }
0x21e: {  	v18 =	vor.u32 v1, v5  }
0x21f: {  	vm2 =	vlt.f32 v10, $-2.200000050e+00;
	vm4 =	vlt.f32 v8, $-2.200000050e+00;
	vm7 =	vlt.f32 v11, $-2.200000050e+00  }
0x220: {  	s31 =	simm.s32 $0x80C0;
	vm5 =	vlt.f32 v13, $-2.200000050e+00;
	vm6 =	vlt.f32 v15, $-2.200000050e+00;
	v2 =	vsel vm2, $0x10, v0  }
0x221: {  	vm9 =	vlt.f32 v16, $-2.200000050e+00;
	v3 =	vsel vm4, $0x10, v0;
	v2 =	vadd.s32 v5, v2;
	v5 =	vld [tilespmem:s31+$0xFFFFFFD0]  }
0x222: {  	vm3 =	vlt.f32 v4, $-2.200000050e+00;
	v7 =	vsel vm7, $0x10, v0;
	v6 =	vadd.s32 v2, v3;
	v3 =	vld [tilespmem:s29+$0x30]  }
0x223: {  	v9 =	vsel vm5, $0x10, v0;
	v14 =	vor.u32 v1, v2;
	v2 =	vld [tilespmem:s31+$0xFFFFFFC0];
	v7 =	vadd.s32 v6, v7  }
0x224: {  	v12 =	vsel vm6, $0x10, v0;
	v19 =	vor.u32 v1, v6;
	v6 =	vld [tilespmem:s31+$0xFFFFFFF0];
	v17 =	vadd.s32 v7, v9  }
0x225: {  	vm10 =	vmmov vm2;
	v20 =	vor.u32 v1, v7;
	v9 =	vld [tilespmem:s31+$0xFFFFFFE0];
	v12 =	vadd.s32 v17, v12  }
0x226: {  	v21 =	vor.u32 v1, v17;
	v17 =	vsel vm9, $0x10, v0;
	v22 =	vor.u32 v1, v12  }
0x227: {  	v7 =	vld [tilespmem:s31+$0x0];
	v17 =	vadd.s32 v12, v17;
	v12 =	vsel vm3, $0x10, v0;
	vm2 =	vlt.f32 v3, $-2.200000050e+00  }
0x228: {  	vm8 =	vlt.f32 v2, $-2.200000050e+00;
	v23 =	vadd.s32 v17, v12;
	[tilespmem:v14+s22+$0x0] =	vst.idx.msk vm4, v8;
	vm4 =	vlt.f32 v5, $-2.200000050e+00  }
0x229: {  	v8 =	vld [tilespmem:s31+$0x10];
	v12 =	vsel vm2, $0x10, v0;
	v14 =	vsel vm8, $0x10, v0;
	[tilespmem:v19+s22+$0x0] =	vst.idx.msk vm7, v11;
	v11 =	vor.u32 v1, v17  }
0x22a: {  	v12 =	vadd.s32 v23, v12;
	[tilespmem:v20+s22+$0x0] =	vst.idx.msk vm5, v13;
	vm7 =	vlt.f32 v9, $-2.200000050e+00;
	vm5 =	vlt.f32 v6, $-2.200000050e+00  }
0x22b: {  	[tilespmem:v18+s22+$0x0] =	vst.idx.msk vm10, v10;
	v19 =	vadd.s32 v12, v14;
	v14 =	vsel vm4, $0x10, v0;
	v13 =	vsel vm7, $0x10, v0  }
0x22c: {  	v10 =	vld [tilespmem:s31+$0x30];
	[tilespmem:v21+s22+$0x0] =	vst.idx.msk vm6, v15;
	v20 =	vsel vm5, $0x10, v0;
	vm6 =	vlt.f32 v7, $-2.200000050e+00;
	v14 =	vadd.s32 v19, v14  }
0x22d: {  	v15 =	vor.u32 v1, v23;
	v17 =	vsel vm6, $0x10, v0;
	v18 =	vadd.s32 v14, v13;
	v13 =	vld [tilespmem:s31+$0x20]  }
0x22e: {  	s17 =	simm.s32 $0x8;
	s19 =	simm.s32 $0x8140;
	[tilespmem:v22+s22+$0x0] =	vst.idx.msk vm9, v16;
	v16 =	vor.u32 v1, v19;
	vm9 =	vlt.f32 v8, $-2.200000050e+00;
	v19 =	vadd.s32 v18, v20  }
.LBB2_42:
0x22f: {  	v20 =	vld [tilespmem:s19+$0xFFFFFFC0];
	s17 =	sadd.s32 $0x8, s17;
	v21 =	vor.u32 v1, v12;
	v12 =	vor.u32 v1, v14;
	v14 =	vor.u32 v1, v18  }
0x230: {  	vm10 =	vmmov vm8;
	v18 =	vld [tilespmem:s19+$0xFFFFFFD0];
	p0 =	slt.u32 s17, $0x1F8  }
0x231: {  	v23 =	vor.u32 v1, v19;
	v17 =	vadd.s32 v19, v17;
	v22 =	vld [tilespmem:s19+$0xFFFFFFE0];
	[tilespmem:v11+s22+$0x0] =	vst.idx.msk vm3, v4  }
0x232: {  	v11 =	vsel vm9, $0x10, v0;
	v19 =	vld [tilespmem:s19+$0xFFFFFFF0];
	vm3 =	vlt.f32 v13, $-2.200000050e+00;
	[tilespmem:v15+s22+$0x0] =	vst.idx.msk vm2, v3;
	vm2 =	vlt.f32 v10, $-2.200000050e+00;
	v3 =	vmovc v10;
	v4 =	vmovc v13  }
0x233: {  	v13 =	vor.u32 v1, v17;
	v10 =	vadd.s32 v17, v11;
	v24 =	vld [tilespmem:s19+$0x0];
	[tilespmem:v16+s22+$0x0] =	vst.idx.msk vm4, v5;
	v16 =	vsel vm3, $0x10, v0  }
0x234: {  	v11 =	vsel vm2, $0x10, v0;
	vm8 =	vlt.f32 v20, $-2.200000050e+00;
	[tilespmem:v12+s22+$0x0] =	vst.idx.msk vm7, v9;
	v15 =	vadd.s32 v10, v16  }
0x235: {  	v9 =	vsel vm8, $0x10, v0;
	vm4 =	vlt.f32 v18, $-2.200000050e+00;
	v25 =	vld [tilespmem:s19+$0x10];
	[tilespmem:v14+s22+$0x0] =	vst.idx.msk vm5, v6;
	v12 =	vadd.s32 v15, v11;
	v5 =	vmovc v18  }
.Ltmp30:
0x236: {  	v11 =	vor.u32 v1, v10;
	v16 =	vadd.s32 v12, v9;
	v17 =	vsel vm4, $0x10, v0;
	[tilespmem:v23+s22+$0x0] =	vst.idx.msk vm6, v7;
	(pc) =	sbr.rel @p0 .LBB2_42-.Ltmp30, $4  }
0x237: {  	vm7 =	vlt.f32 v22, $-2.200000050e+00;
	v14 =	vadd.s32 v16, v17;
	vm5 =	vlt.f32 v19, $-2.200000050e+00;
	[tilespmem:v21+s22+$0x0] =	vst.idx.msk vm10, v2;
	v2 =	vmovc v20  }
0x238: {  	v21 =	vsel vm7, $0x10, v0;
	v6 =	vmovc v19;
	v20 =	vsel vm5, $0x10, v0;
	vm6 =	vlt.f32 v24, $-2.200000050e+00;
	v10 =	vld [tilespmem:s19+$0x30];
	[tilespmem:v13+s22+$0x0] =	vst.idx.msk vm9, v8;
	v9 =	vmovc v22  }
0x239: {  	v15 =	vor.u32 v1, v15;
	v18 =	vadd.s32 v14, v21;
	v7 =	vmovc v24;
	v17 =	vsel vm6, $0x10, v0;
	v13 =	vld [tilespmem:s19+$0x20]  }
0x23a: {  	v16 =	vor.u32 v1, v16;
	v19 =	vadd.s32 v18, v20;
	s19 =	sadd.s32 $0x80, s19;
	vm9 =	vlt.f32 v25, $-2.200000050e+00;
	v8 =	vmovc v25  }
0x23b: {  	_ =	sdelay $0x2  }
0x23c: {  	v14 =	vor.u32 v1, v14  }
0x23d: {  	v18 =	vor.u32 v1, v18  }
0x23e: {  	v12 =	vor.u32 v1, v12;
	vm8 =	vmmov vm8;
	v20 =	vor.u32 v1, v19;
	[tilespmem:v11+s22+$0x0] =	vst.idx.msk vm3, v4  }
0x23f: {  	v4 =	vadd.s32 v19, v17;
	v11 =	vsel vm9, $0x10, v0;
	[tilespmem:v15+s22+$0x0] =	vst.idx.msk vm2, v3;
	vm3 =	vlt.f32 v13, $-2.200000050e+00  }
0x240: {  	[tilespmem:v16+s22+$0x0] =	vst.idx.msk vm4, v5;
	v3 =	vor.u32 v1, v4;
	v4 =	vadd.s32 v4, v11;
	v5 =	vsel vm3, $0x10, v0  }
0x241: {  	vm2 =	vlt.f32 v10, $-2.200000050e+00;
	[tilespmem:v14+s22+$0x0] =	vst.idx.msk vm7, v9;
	v5 =	vadd.s32 v4, v5;
	v4 =	vor.u32 v1, v4  }
0x242: {  	[tilespmem:v18+s22+$0x0] =	vst.idx.msk vm5, v6;
	v6 =	vor.u32 v1, v5  }
0x243: {  	[tilespmem:v20+s22+$0x0] =	vst.idx.msk vm6, v7  }
0x244: {  	[tilespmem:v12+s22+$0x0] =	vst.idx.msk vm8, v2  }
0x245: {  	[tilespmem:v3+s22+$0x0] =	vst.idx.msk vm9, v8  }
0x246: {  	[tilespmem:v4+s22+$0x0] =	vst.idx.msk vm3, v13  }
0x247: {  	[tilespmem:v6+s22+$0x0] =	vst.idx.msk vm2, v10  }
0x248: {  	_ =	swait.ge [sflag:s23], $0x2000  }
0x249: {  	[sflag:s23] =	ssyncset.done $0x0  }
0x24a: {  	s3 =	simm.s32 $0xA070;
	[sflag:s23] =	ssyncadd.s32 $0xFFFFE000  }
0x24b: {  	v10 =	vld [tilespmem:s3+$0xFFFFFF90]  }
0x24c: {  	v8 =	vld [tilespmem:s3+$0xFFFFFFA0]  }
0x24d: {  	v11 =	vld [tilespmem:s3+$0xFFFFFFB0]  }
0x24e: {  	v13 =	vld [tilespmem:s3+$0xFFFFFFC0]  }
0x24f: {  	v15 =	vld [tilespmem:s3+$0xFFFFFFD0]  }
0x250: {  	v2 =	vsel vm2, $0x10, v0;
	v16 =	vld [tilespmem:s3+$0xFFFFFFE0]  }
0x251: {  	v5 =	vadd.s32 v5, v2;
	v4 =	vld [tilespmem:s3+$0xFFFFFFF0]  }
0x252: {  	v18 =	vor.u32 v1, v5  }
0x253: {  	vm2 =	vlt.f32 v10, $-2.200000050e+00;
	vm4 =	vlt.f32 v8, $-2.200000050e+00;
	vm7 =	vlt.f32 v11, $-2.200000050e+00  }
0x254: {  	s31 =	simm.s32 $0xA0F0;
	vm5 =	vlt.f32 v13, $-2.200000050e+00;
	vm6 =	vlt.f32 v15, $-2.200000050e+00;
	v2 =	vsel vm2, $0x10, v0  }
0x255: {  	vm9 =	vlt.f32 v16, $-2.200000050e+00;
	v3 =	vsel vm4, $0x10, v0;
	v2 =	vadd.s32 v5, v2;
	v5 =	vld [tilespmem:s31+$0xFFFFFFA0]  }
0x256: {  	vm3 =	vlt.f32 v4, $-2.200000050e+00;
	v7 =	vsel vm7, $0x10, v0;
	v6 =	vadd.s32 v2, v3;
	v3 =	vld [tilespmem:s3+$0x0]  }
0x257: {  	v9 =	vsel vm5, $0x10, v0;
	v14 =	vor.u32 v1, v2;
	v2 =	vld [tilespmem:s31+$0xFFFFFF90];
	v7 =	vadd.s32 v6, v7  }
0x258: {  	v12 =	vsel vm6, $0x10, v0;
	v19 =	vor.u32 v1, v6;
	v6 =	vld [tilespmem:s31+$0xFFFFFFC0];
	v17 =	vadd.s32 v7, v9  }
0x259: {  	vm10 =	vmmov vm2;
	v20 =	vor.u32 v1, v7;
	v9 =	vld [tilespmem:s31+$0xFFFFFFB0];
	v12 =	vadd.s32 v17, v12  }
0x25a: {  	v21 =	vor.u32 v1, v17;
	v17 =	vsel vm9, $0x10, v0;
	v22 =	vor.u32 v1, v12  }
0x25b: {  	v7 =	vld [tilespmem:s31+$0xFFFFFFD0];
	v17 =	vadd.s32 v12, v17;
	v12 =	vsel vm3, $0x10, v0;
	vm2 =	vlt.f32 v3, $-2.200000050e+00  }
0x25c: {  	vm8 =	vlt.f32 v2, $-2.200000050e+00;
	v23 =	vadd.s32 v17, v12;
	[tilespmem:v14+s22+$0x0] =	vst.idx.msk vm4, v8;
	vm4 =	vlt.f32 v5, $-2.200000050e+00  }
0x25d: {  	v8 =	vld [tilespmem:s31+$0xFFFFFFE0];
	v12 =	vsel vm2, $0x10, v0;
	v14 =	vsel vm8, $0x10, v0;
	[tilespmem:v19+s22+$0x0] =	vst.idx.msk vm7, v11;
	v11 =	vor.u32 v1, v17  }
0x25e: {  	v12 =	vadd.s32 v23, v12;
	[tilespmem:v20+s22+$0x0] =	vst.idx.msk vm5, v13;
	vm7 =	vlt.f32 v9, $-2.200000050e+00;
	vm5 =	vlt.f32 v6, $-2.200000050e+00  }
0x25f: {  	[tilespmem:v18+s22+$0x0] =	vst.idx.msk vm10, v10;
	v19 =	vadd.s32 v12, v14;
	v14 =	vsel vm4, $0x10, v0;
	v13 =	vsel vm7, $0x10, v0  }
0x260: {  	v10 =	vld [tilespmem:s31+$0x0];
	[tilespmem:v21+s22+$0x0] =	vst.idx.msk vm6, v15;
	v20 =	vsel vm5, $0x10, v0;
	vm6 =	vlt.f32 v7, $-2.200000050e+00;
	v14 =	vadd.s32 v19, v14  }
0x261: {  	v15 =	vor.u32 v1, v23;
	v17 =	vsel vm6, $0x10, v0;
	v18 =	vadd.s32 v14, v13;
	v13 =	vld [tilespmem:s31+$0xFFFFFFF0]  }
0x262: {  	s17 =	simm.s32 $0x208;
	s19 =	simm.s32 $0xA170;
	[tilespmem:v22+s22+$0x0] =	vst.idx.msk vm9, v16;
	v16 =	vor.u32 v1, v19;
	vm9 =	vlt.f32 v8, $-2.200000050e+00;
	v19 =	vadd.s32 v18, v20  }
.LBB2_44:
0x263: {  	v20 =	vld [tilespmem:s19+$0xFFFFFF90];
	s17 =	sadd.s32 $0x8, s17;
	v21 =	vor.u32 v1, v12;
	v12 =	vor.u32 v1, v14;
	v14 =	vor.u32 v1, v18  }
0x264: {  	vm10 =	vmmov vm8;
	v18 =	vld [tilespmem:s19+$0xFFFFFFA0];
	p0 =	slt.u32 s17, $0x3F8  }
0x265: {  	v23 =	vor.u32 v1, v19;
	v17 =	vadd.s32 v19, v17;
	v22 =	vld [tilespmem:s19+$0xFFFFFFB0];
	[tilespmem:v11+s22+$0x0] =	vst.idx.msk vm3, v4  }
0x266: {  	v11 =	vsel vm9, $0x10, v0;
	v19 =	vld [tilespmem:s19+$0xFFFFFFC0];
	vm3 =	vlt.f32 v13, $-2.200000050e+00;
	[tilespmem:v15+s22+$0x0] =	vst.idx.msk vm2, v3;
	vm2 =	vlt.f32 v10, $-2.200000050e+00;
	v3 =	vmovc v10;
	v4 =	vmovc v13  }
0x267: {  	v13 =	vor.u32 v1, v17;
	v10 =	vadd.s32 v17, v11;
	v24 =	vld [tilespmem:s19+$0xFFFFFFD0];
	[tilespmem:v16+s22+$0x0] =	vst.idx.msk vm4, v5;
	v16 =	vsel vm3, $0x10, v0  }
0x268: {  	v11 =	vsel vm2, $0x10, v0;
	vm8 =	vlt.f32 v20, $-2.200000050e+00;
	[tilespmem:v12+s22+$0x0] =	vst.idx.msk vm7, v9;
	v15 =	vadd.s32 v10, v16  }
0x269: {  	v9 =	vsel vm8, $0x10, v0;
	vm4 =	vlt.f32 v18, $-2.200000050e+00;
	v25 =	vld [tilespmem:s19+$0xFFFFFFE0];
	[tilespmem:v14+s22+$0x0] =	vst.idx.msk vm5, v6;
	v12 =	vadd.s32 v15, v11;
	v5 =	vmovc v18  }
.Ltmp31:
0x26a: {  	v11 =	vor.u32 v1, v10;
	v16 =	vadd.s32 v12, v9;
	v17 =	vsel vm4, $0x10, v0;
	[tilespmem:v23+s22+$0x0] =	vst.idx.msk vm6, v7;
	(pc) =	sbr.rel @p0 .LBB2_44-.Ltmp31, $4  }
0x26b: {  	vm7 =	vlt.f32 v22, $-2.200000050e+00;
	v14 =	vadd.s32 v16, v17;
	vm5 =	vlt.f32 v19, $-2.200000050e+00;
	[tilespmem:v21+s22+$0x0] =	vst.idx.msk vm10, v2;
	v2 =	vmovc v20  }
0x26c: {  	v21 =	vsel vm7, $0x10, v0;
	v6 =	vmovc v19;
	v20 =	vsel vm5, $0x10, v0;
	vm6 =	vlt.f32 v24, $-2.200000050e+00;
	v10 =	vld [tilespmem:s19+$0x0];
	[tilespmem:v13+s22+$0x0] =	vst.idx.msk vm9, v8;
	v9 =	vmovc v22  }
0x26d: {  	v15 =	vor.u32 v1, v15;
	v18 =	vadd.s32 v14, v21;
	v7 =	vmovc v24;
	v17 =	vsel vm6, $0x10, v0;
	v13 =	vld [tilespmem:s19+$0xFFFFFFF0]  }
0x26e: {  	v16 =	vor.u32 v1, v16;
	v19 =	vadd.s32 v18, v20;
	s19 =	sadd.s32 $0x80, s19;
	vm9 =	vlt.f32 v25, $-2.200000050e+00;
	v8 =	vmovc v25  }
0x26f: {  	_ =	sdelay $0x2  }
0x270: {  	v14 =	vor.u32 v1, v14  }
0x271: {  	v18 =	vor.u32 v1, v18  }
0x272: {  	v12 =	vor.u32 v1, v12;
	vm8 =	vmmov vm8;
	v20 =	vor.u32 v1, v19;
	[tilespmem:v11+s22+$0x0] =	vst.idx.msk vm3, v4  }
0x273: {  	v4 =	vadd.s32 v19, v17;
	v11 =	vsel vm9, $0x10, v0;
	[tilespmem:v15+s22+$0x0] =	vst.idx.msk vm2, v3;
	vm3 =	vlt.f32 v13, $-2.200000050e+00  }
0x274: {  	[tilespmem:v16+s22+$0x0] =	vst.idx.msk vm4, v5;
	v3 =	vor.u32 v1, v4;
	v4 =	vadd.s32 v4, v11;
	v5 =	vsel vm3, $0x10, v0  }
0x275: {  	vm2 =	vlt.f32 v10, $-2.200000050e+00;
	[tilespmem:v14+s22+$0x0] =	vst.idx.msk vm7, v9;
	v5 =	vadd.s32 v4, v5;
	v4 =	vor.u32 v1, v4  }
0x276: {  	[tilespmem:v18+s22+$0x0] =	vst.idx.msk vm5, v6;
	v6 =	vor.u32 v1, v5  }
0x277: {  	[tilespmem:v20+s22+$0x0] =	vst.idx.msk vm6, v7  }
0x278: {  	[tilespmem:v12+s22+$0x0] =	vst.idx.msk vm8, v2  }
0x279: {  	[tilespmem:v3+s22+$0x0] =	vst.idx.msk vm9, v8  }
0x27a: {  	[tilespmem:v4+s22+$0x0] =	vst.idx.msk vm3, v13  }
0x27b: {  	[tilespmem:v6+s22+$0x0] =	vst.idx.msk vm2, v10  }
0x27c: {  	_ =	swait.ge [sflag:s25], $0x2000  }
0x27d: {  	[sflag:s25] =	ssyncset.done $0x0  }
0x27e: {  	s3 =	simm.s32 $0xC070;
	[sflag:s25] =	ssyncadd.s32 $0xFFFFE000  }
0x27f: {  	v10 =	vld [tilespmem:s3+$0xFFFFFF90]  }
0x280: {  	v8 =	vld [tilespmem:s3+$0xFFFFFFA0]  }
0x281: {  	v11 =	vld [tilespmem:s3+$0xFFFFFFB0]  }
0x282: {  	v13 =	vld [tilespmem:s3+$0xFFFFFFC0]  }
0x283: {  	v15 =	vld [tilespmem:s3+$0xFFFFFFD0]  }
0x284: {  	v2 =	vsel vm2, $0x10, v0;
	v16 =	vld [tilespmem:s3+$0xFFFFFFE0]  }
0x285: {  	v5 =	vadd.s32 v5, v2;
	v4 =	vld [tilespmem:s3+$0xFFFFFFF0]  }
0x286: {  	v18 =	vor.u32 v1, v5  }
0x287: {  	vm2 =	vlt.f32 v10, $-2.200000050e+00;
	vm4 =	vlt.f32 v8, $-2.200000050e+00;
	vm7 =	vlt.f32 v11, $-2.200000050e+00  }
0x288: {  	s31 =	simm.s32 $0xC0F0;
	vm5 =	vlt.f32 v13, $-2.200000050e+00;
	vm6 =	vlt.f32 v15, $-2.200000050e+00;
	v2 =	vsel vm2, $0x10, v0  }
0x289: {  	vm9 =	vlt.f32 v16, $-2.200000050e+00;
	v3 =	vsel vm4, $0x10, v0;
	v2 =	vadd.s32 v5, v2;
	v5 =	vld [tilespmem:s31+$0xFFFFFFA0]  }
0x28a: {  	vm3 =	vlt.f32 v4, $-2.200000050e+00;
	v7 =	vsel vm7, $0x10, v0;
	v6 =	vadd.s32 v2, v3;
	v3 =	vld [tilespmem:s3+$0x0]  }
0x28b: {  	v9 =	vsel vm5, $0x10, v0;
	v14 =	vor.u32 v1, v2;
	v2 =	vld [tilespmem:s31+$0xFFFFFF90];
	v7 =	vadd.s32 v6, v7  }
0x28c: {  	v12 =	vsel vm6, $0x10, v0;
	v19 =	vor.u32 v1, v6;
	v6 =	vld [tilespmem:s31+$0xFFFFFFC0];
	v17 =	vadd.s32 v7, v9  }
0x28d: {  	vm10 =	vmmov vm2;
	v20 =	vor.u32 v1, v7;
	v9 =	vld [tilespmem:s31+$0xFFFFFFB0];
	v12 =	vadd.s32 v17, v12  }
0x28e: {  	v21 =	vor.u32 v1, v17;
	v17 =	vsel vm9, $0x10, v0;
	v22 =	vor.u32 v1, v12  }
0x28f: {  	v7 =	vld [tilespmem:s31+$0xFFFFFFD0];
	v17 =	vadd.s32 v12, v17;
	v12 =	vsel vm3, $0x10, v0;
	vm2 =	vlt.f32 v3, $-2.200000050e+00  }
0x290: {  	vm8 =	vlt.f32 v2, $-2.200000050e+00;
	v23 =	vadd.s32 v17, v12;
	[tilespmem:v14+s22+$0x0] =	vst.idx.msk vm4, v8;
	vm4 =	vlt.f32 v5, $-2.200000050e+00  }
0x291: {  	v8 =	vld [tilespmem:s31+$0xFFFFFFE0];
	v12 =	vsel vm2, $0x10, v0;
	v14 =	vsel vm8, $0x10, v0;
	[tilespmem:v19+s22+$0x0] =	vst.idx.msk vm7, v11;
	v11 =	vor.u32 v1, v17  }
0x292: {  	v12 =	vadd.s32 v23, v12;
	[tilespmem:v20+s22+$0x0] =	vst.idx.msk vm5, v13;
	vm7 =	vlt.f32 v9, $-2.200000050e+00;
	vm5 =	vlt.f32 v6, $-2.200000050e+00  }
0x293: {  	[tilespmem:v18+s22+$0x0] =	vst.idx.msk vm10, v10;
	v19 =	vadd.s32 v12, v14;
	v14 =	vsel vm4, $0x10, v0;
	v13 =	vsel vm7, $0x10, v0  }
0x294: {  	v10 =	vld [tilespmem:s31+$0x0];
	[tilespmem:v21+s22+$0x0] =	vst.idx.msk vm6, v15;
	v20 =	vsel vm5, $0x10, v0;
	vm6 =	vlt.f32 v7, $-2.200000050e+00;
	v14 =	vadd.s32 v19, v14  }
0x295: {  	v15 =	vor.u32 v1, v23;
	v17 =	vsel vm6, $0x10, v0;
	v18 =	vadd.s32 v14, v13;
	v13 =	vld [tilespmem:s31+$0xFFFFFFF0]  }
0x296: {  	s17 =	simm.s32 $0x408;
	s19 =	simm.s32 $0xC170;
	[tilespmem:v22+s22+$0x0] =	vst.idx.msk vm9, v16;
	v16 =	vor.u32 v1, v19;
	vm9 =	vlt.f32 v8, $-2.200000050e+00;
	v19 =	vadd.s32 v18, v20  }
.LBB2_46:
0x297: {  	v20 =	vld [tilespmem:s19+$0xFFFFFF90];
	s17 =	sadd.s32 $0x8, s17;
	v21 =	vor.u32 v1, v12;
	v12 =	vor.u32 v1, v14;
	v14 =	vor.u32 v1, v18  }
0x298: {  	vm10 =	vmmov vm8;
	v18 =	vld [tilespmem:s19+$0xFFFFFFA0];
	p0 =	slt.u32 s17, $0x5F8  }
0x299: {  	v23 =	vor.u32 v1, v19;
	v17 =	vadd.s32 v19, v17;
	v22 =	vld [tilespmem:s19+$0xFFFFFFB0];
	[tilespmem:v11+s22+$0x0] =	vst.idx.msk vm3, v4  }
0x29a: {  	v11 =	vsel vm9, $0x10, v0;
	v19 =	vld [tilespmem:s19+$0xFFFFFFC0];
	vm3 =	vlt.f32 v13, $-2.200000050e+00;
	[tilespmem:v15+s22+$0x0] =	vst.idx.msk vm2, v3;
	vm2 =	vlt.f32 v10, $-2.200000050e+00;
	v3 =	vmovc v10;
	v4 =	vmovc v13  }
0x29b: {  	v13 =	vor.u32 v1, v17;
	v10 =	vadd.s32 v17, v11;
	v24 =	vld [tilespmem:s19+$0xFFFFFFD0];
	[tilespmem:v16+s22+$0x0] =	vst.idx.msk vm4, v5;
	v16 =	vsel vm3, $0x10, v0  }
0x29c: {  	v11 =	vsel vm2, $0x10, v0;
	vm8 =	vlt.f32 v20, $-2.200000050e+00;
	[tilespmem:v12+s22+$0x0] =	vst.idx.msk vm7, v9;
	v15 =	vadd.s32 v10, v16  }
0x29d: {  	v9 =	vsel vm8, $0x10, v0;
	vm4 =	vlt.f32 v18, $-2.200000050e+00;
	v25 =	vld [tilespmem:s19+$0xFFFFFFE0];
	[tilespmem:v14+s22+$0x0] =	vst.idx.msk vm5, v6;
	v12 =	vadd.s32 v15, v11;
	v5 =	vmovc v18  }
.Ltmp32:
0x29e: {  	v11 =	vor.u32 v1, v10;
	v16 =	vadd.s32 v12, v9;
	v17 =	vsel vm4, $0x10, v0;
	[tilespmem:v23+s22+$0x0] =	vst.idx.msk vm6, v7;
	(pc) =	sbr.rel @p0 .LBB2_46-.Ltmp32, $4  }
0x29f: {  	vm7 =	vlt.f32 v22, $-2.200000050e+00;
	v14 =	vadd.s32 v16, v17;
	vm5 =	vlt.f32 v19, $-2.200000050e+00;
	[tilespmem:v21+s22+$0x0] =	vst.idx.msk vm10, v2;
	v2 =	vmovc v20  }
0x2a0: {  	v21 =	vsel vm7, $0x10, v0;
	v6 =	vmovc v19;
	v20 =	vsel vm5, $0x10, v0;
	vm6 =	vlt.f32 v24, $-2.200000050e+00;
	v10 =	vld [tilespmem:s19+$0x0];
	[tilespmem:v13+s22+$0x0] =	vst.idx.msk vm9, v8;
	v9 =	vmovc v22  }
0x2a1: {  	v15 =	vor.u32 v1, v15;
	v18 =	vadd.s32 v14, v21;
	v7 =	vmovc v24;
	v17 =	vsel vm6, $0x10, v0;
	v13 =	vld [tilespmem:s19+$0xFFFFFFF0]  }
0x2a2: {  	v16 =	vor.u32 v1, v16;
	v19 =	vadd.s32 v18, v20;
	s19 =	sadd.s32 $0x80, s19;
	vm9 =	vlt.f32 v25, $-2.200000050e+00;
	v8 =	vmovc v25  }
0x2a3: {  	_ =	sdelay $0x2  }
0x2a4: {  	v14 =	vor.u32 v1, v14  }
0x2a5: {  	v18 =	vor.u32 v1, v18  }
0x2a6: {  	v12 =	vor.u32 v1, v12;
	vm8 =	vmmov vm8;
	v20 =	vor.u32 v1, v19;
	[tilespmem:v11+s22+$0x0] =	vst.idx.msk vm3, v4  }
0x2a7: {  	v4 =	vadd.s32 v19, v17;
	v11 =	vsel vm9, $0x10, v0;
	[tilespmem:v15+s22+$0x0] =	vst.idx.msk vm2, v3;
	vm3 =	vlt.f32 v13, $-2.200000050e+00  }
0x2a8: {  	[tilespmem:v16+s22+$0x0] =	vst.idx.msk vm4, v5;
	v3 =	vor.u32 v1, v4;
	v4 =	vadd.s32 v4, v11;
	v5 =	vsel vm3, $0x10, v0  }
0x2a9: {  	vm2 =	vlt.f32 v10, $-2.200000050e+00;
	[tilespmem:v14+s22+$0x0] =	vst.idx.msk vm7, v9;
	v5 =	vadd.s32 v4, v5;
	v4 =	vor.u32 v1, v4  }
0x2aa: {  	[tilespmem:v18+s22+$0x0] =	vst.idx.msk vm5, v6;
	v6 =	vor.u32 v1, v5  }
0x2ab: {  	[tilespmem:v20+s22+$0x0] =	vst.idx.msk vm6, v7  }
0x2ac: {  	[tilespmem:v12+s22+$0x0] =	vst.idx.msk vm8, v2  }
0x2ad: {  	[tilespmem:v3+s22+$0x0] =	vst.idx.msk vm9, v8  }
0x2ae: {  	[tilespmem:v4+s22+$0x0] =	vst.idx.msk vm3, v13  }
0x2af: {  	[tilespmem:v6+s22+$0x0] =	vst.idx.msk vm2, v10  }
0x2b0: {  	_ =	swait.ge [sflag:s28], $0x2000  }
0x2b1: {  	[sflag:s28] =	ssyncset.done $0x0  }
0x2b2: {  	s3 =	simm.s32 $0xE070;
	[sflag:s28] =	ssyncadd.s32 $0xFFFFE000  }
0x2b3: {  	v2 =	vld [tilespmem:s3+$0xFFFFFF90]  }
0x2b4: {  	v9 =	vld [tilespmem:s3+$0xFFFFFFA0]  }
0x2b5: {  	v12 =	vld [tilespmem:s3+$0xFFFFFFB0]  }
0x2b6: {  	v14 =	vld [tilespmem:s3+$0xFFFFFFC0]  }
0x2b7: {  	v16 =	vld [tilespmem:s3+$0xFFFFFFD0]  }
0x2b8: {  	v3 =	vsel vm2, $0x10, v0;
	v19 =	vld [tilespmem:s3+$0xFFFFFFE0]  }
0x2b9: {  	v6 =	vadd.s32 v5, v3  }
0x2ba: {  	v17 =	vor.u32 v1, v6  }
0x2bb: {  	vm2 =	vlt.f32 v2, $-2.200000050e+00;
	vm4 =	vlt.f32 v9, $-2.200000050e+00;
	vm8 =	vlt.f32 v12, $-2.200000050e+00  }
0x2bc: {  	s31 =	simm.s32 $0xE0F0;
	v5 =	vld [tilespmem:s3+$0xFFFFFFF0];
	vm5 =	vlt.f32 v14, $-2.200000050e+00;
	vm6 =	vlt.f32 v16, $-2.200000050e+00;
	v3 =	vsel vm2, $0x10, v0  }
0x2bd: {  	vm9 =	vlt.f32 v19, $-2.200000050e+00;
	v4 =	vadd.s32 v6, v3;
	v3 =	vsel vm4, $0x10, v0;
	v6 =	vld [tilespmem:s31+$0xFFFFFFA0]  }
0x2be: {  	v8 =	vsel vm8, $0x10, v0;
	v10 =	vsel vm5, $0x10, v0;
	v7 =	vadd.s32 v4, v3;
	v3 =	vld [tilespmem:s3+$0x0]  }
0x2bf: {  	v11 =	vsel vm6, $0x10, v0;
	v13 =	vor.u32 v1, v4;
	v4 =	vld [tilespmem:s31+$0xFFFFFF90];
	v8 =	vadd.s32 v7, v8  }
0x2c0: {  	vm10 =	vmmov vm2;
	v18 =	vor.u32 v1, v7;
	v15 =	vadd.s32 v8, v10  }
0x2c1: {  	vm3 =	vlt.f32 v5, $-2.200000050e+00;
	v20 =	vor.u32 v1, v8;
	v10 =	vld [tilespmem:s31+$0xFFFFFFB0];
	v11 =	vadd.s32 v15, v11  }
0x2c2: {  	v7 =	vld [tilespmem:s31+$0xFFFFFFC0];
	v21 =	vor.u32 v1, v15;
	v15 =	vsel vm9, $0x10, v0;
	v22 =	vor.u32 v1, v11  }
0x2c3: {  	v8 =	vld [tilespmem:s31+$0xFFFFFFD0];
	v15 =	vadd.s32 v11, v15;
	v11 =	vsel vm3, $0x10, v0;
	vm2 =	vlt.f32 v3, $-2.200000050e+00  }
0x2c4: {  	vm7 =	vlt.f32 v4, $-2.200000050e+00;
	v23 =	vadd.s32 v15, v11;
	[tilespmem:v13+s22+$0x0] =	vst.idx.msk vm4, v9;
	vm4 =	vlt.f32 v6, $-2.200000050e+00  }
0x2c5: {  	v9 =	vld [tilespmem:s31+$0xFFFFFFE0];
	v11 =	vsel vm2, $0x10, v0;
	v13 =	vsel vm7, $0x10, v0;
	[tilespmem:v18+s22+$0x0] =	vst.idx.msk vm8, v12;
	v12 =	vsel vm4, $0x10, v0  }
0x2c6: {  	[tilespmem:v17+s22+$0x0] =	vst.idx.msk vm10, v2;
	v17 =	vor.u32 v1, v23;
	v11 =	vadd.s32 v23, v11;
	vm8 =	vlt.f32 v10, $-2.200000050e+00  }
0x2c7: {  	[tilespmem:v20+s22+$0x0] =	vst.idx.msk vm5, v14;
	vm5 =	vlt.f32 v7, $-2.200000050e+00;
	v24 =	vadd.s32 v11, v13;
	v13 =	vor.u32 v1, v15  }
0x2c8: {  	[tilespmem:v21+s22+$0x0] =	vst.idx.msk vm6, v16;
	v14 =	vsel vm8, $0x10, v0;
	vm6 =	vlt.f32 v8, $-2.200000050e+00;
	v15 =	vadd.s32 v24, v12;
	v12 =	vld [tilespmem:s31+$0x0]  }
0x2c9: {  	v20 =	vsel vm5, $0x10, v0;
	v2 =	vsel vm6, $0x10, v0;
	v18 =	vadd.s32 v15, v14;
	v14 =	vld [tilespmem:s31+$0xFFFFFFF0]  }
0x2ca: {  	s17 =	simm.s32 $0x608;
	s19 =	simm.s32 $0xE170;
	[tilespmem:v22+s22+$0x0] =	vst.idx.msk vm9, v19;
	v16 =	vor.u32 v1, v24;
	vm9 =	vlt.f32 v9, $-2.200000050e+00;
	v19 =	vadd.s32 v18, v20  }
.LBB2_48:
0x2cb: {  	v20 =	vld [tilespmem:s19+$0xFFFFFF90];
	s17 =	sadd.s32 $0x8, s17;
	v21 =	vor.u32 v1, v11;
	v11 =	vor.u32 v1, v15;
	v15 =	vor.u32 v1, v18  }
0x2cc: {  	vm10 =	vmmov vm7;
	v18 =	vld [tilespmem:s19+$0xFFFFFFA0];
	p0 =	slt.u32 s17, $0x7F8  }
0x2cd: {  	v23 =	vor.u32 v1, v19;
	v2 =	vadd.s32 v19, v2;
	v22 =	vld [tilespmem:s19+$0xFFFFFFB0];
	[tilespmem:v13+s22+$0x0] =	vst.idx.msk vm3, v5  }
0x2ce: {  	v13 =	vsel vm9, $0x10, v0;
	v19 =	vld [tilespmem:s19+$0xFFFFFFC0];
	vm3 =	vlt.f32 v14, $-2.200000050e+00;
	[tilespmem:v17+s22+$0x0] =	vst.idx.msk vm2, v3;
	vm2 =	vlt.f32 v12, $-2.200000050e+00;
	v3 =	vmovc v12;
	v5 =	vmovc v14  }
0x2cf: {  	v14 =	vor.u32 v1, v2;
	v2 =	vadd.s32 v2, v13;
	v24 =	vld [tilespmem:s19+$0xFFFFFFD0];
	[tilespmem:v16+s22+$0x0] =	vst.idx.msk vm4, v6;
	v13 =	vsel vm3, $0x10, v0  }
0x2d0: {  	v12 =	vsel vm2, $0x10, v0;
	vm7 =	vlt.f32 v20, $-2.200000050e+00;
	[tilespmem:v11+s22+$0x0] =	vst.idx.msk vm8, v10;
	v16 =	vadd.s32 v2, v13  }
0x2d1: {  	v10 =	vsel vm7, $0x10, v0;
	vm4 =	vlt.f32 v18, $-2.200000050e+00;
	v25 =	vld [tilespmem:s19+$0xFFFFFFE0];
	[tilespmem:v15+s22+$0x0] =	vst.idx.msk vm5, v7;
	v11 =	vadd.s32 v16, v12;
	v6 =	vmovc v18  }
.Ltmp33:
0x2d2: {  	v13 =	vor.u32 v1, v2;
	v26 =	vadd.s32 v11, v10;
	v17 =	vsel vm4, $0x10, v0;
	[tilespmem:v23+s22+$0x0] =	vst.idx.msk vm6, v8;
	(pc) =	sbr.rel @p0 .LBB2_48-.Ltmp33, $4  }
0x2d3: {  	vm8 =	vlt.f32 v22, $-2.200000050e+00;
	v15 =	vadd.s32 v26, v17;
	vm5 =	vlt.f32 v19, $-2.200000050e+00;
	[tilespmem:v21+s22+$0x0] =	vst.idx.msk vm10, v4;
	v4 =	vmovc v20  }
0x2d4: {  	v2 =	vsel vm8, $0x10, v0;
	v7 =	vmovc v19;
	v20 =	vsel vm5, $0x10, v0;
	vm6 =	vlt.f32 v24, $-2.200000050e+00;
	v12 =	vld [tilespmem:s19+$0x0];
	[tilespmem:v14+s22+$0x0] =	vst.idx.msk vm9, v9;
	v10 =	vmovc v22  }
0x2d5: {  	v17 =	vor.u32 v1, v16;
	v18 =	vadd.s32 v15, v2;
	v8 =	vmovc v24;
	v2 =	vsel vm6, $0x10, v0;
	v14 =	vld [tilespmem:s19+$0xFFFFFFF0]  }
0x2d6: {  	v16 =	vor.u32 v1, v26;
	v19 =	vadd.s32 v18, v20;
	s19 =	sadd.s32 $0x80, s19;
	vm9 =	vlt.f32 v25, $-2.200000050e+00;
	v9 =	vmovc v25  }
0x2d7: {  	_ =	sdelay $0x2  }
0x2d8: {  	v20 =	vadd.s32 v19, v2;
	v2 =	vsel vm9, $0x10, v0;
	vm10 =	vlt.f32 v14, $-2.200000050e+00  }
0x2d9: {  	v21 =	vadd.s32 v20, v2;
	vm11 =	vlt.f32 v12, $-2.200000050e+00;
	v2 =	vsel vm10, $0x10, v0  }
0x2da: {  	v22 =	vadd.s32 v21, v2;
	v2 =	vsel vm11, $0x10, v0  }
0x2db: {  	v2 =	vadd.s32 v22, v2  }
0x2dc: {  	v2 =	vshra.s32 v2, $0x4  }
0x2dd: {  	(xrf0) =	vadd.scan.msk.s32 $0xffff, v2;
	_ =	sdelay $0x5  }
0x2de: {  	v23, _, _ =	vpop (xrf0)  }
0x2df: {  	(v2sf) =	vpush v23, $0xF;
	_ =	sdelay $0x9  }
0x2e0: {  	v15 =	vor.u32 v1, v15  }
0x2e1: {  	v18 =	vor.u32 v1, v18  }
0x2e2: {  	[tilespmem:v13+s22+$0x0] =	vst.idx.msk vm3, v5;
	v60 =	vor.u32 v1, v19  }
0x2e3: {  	[tilespmem:v17+s22+$0x0] =	vst.idx.msk vm2, v3;
	v3 =	vor.u32 v1, v11  }
0x2e4: {  	[tilespmem:v16+s22+$0x0] =	vst.idx.msk vm4, v6;
	v61 =	vor.u32 v1, v20  }
0x2e5: {  	v62 =	vor.u32 v1, v21;
	[tilespmem:v15+s22+$0x0] =	vst.idx.msk vm8, v10;
	s3 =	spop (v2sf)  }
0x2e6: {  	[tilespmem:v18+s22+$0x0] =	vst.idx.msk vm5, v7;
	v63 =	vor.u32 v1, v22;
	p0 =	slt.s32 s3, $0x100  }
.Ltmp34:
0x2e7: {  	[tilespmem:v60+s22+$0x0] =	vst.idx.msk vm6, v8;
	(pc) =	sbr.rel @p0 .LBB2_69-.Ltmp34, $4  }
0x2e8: {  	[tilespmem:v3+s22+$0x0] =	vst.idx.msk vm7, v4  }
0x2e9: {  	[tilespmem:v61+s22+$0x0] =	vst.idx.msk vm9, v9  }
0x2ea: {  	[tilespmem:v62+s22+$0x0] =	vst.idx.msk vm10, v14  }
0x2eb: {  	vm3 =	vmmov vm7;
	s19 =	simm.s32 $0x0;
	s17 =	simm.s32 $0x0;
	[tilespmem:v63+s22+$0x0] =	vst.idx.msk vm11, v12  }
0x2ec: {  	v3 =	vxor.u32 $0x80000000, v2  }
0x2ed: {  	(xrf0) =	vmax.scan.msk.u32 $0xffff, v3;
	_ =	sdelay $0x5  }
0x2ee: {  	v3, _, _ =	vpop (xrf0)  }
0x2ef: {  	(v2sf) =	vpush v3, $0xF;
	_ =	sdelay $0xe  }
0x2f0: {  	s4 =	spop (v2sf)  }
0x2f1: {  	s4 =	sadd.s32 $0x80000003, s4  }
0x2f2: {  	s5 =	sand.u32 $0x3, s4  }
0x2f3: {  	s6 =	sshra.s32 s4, $0x1F;
	p0 =	slt.s32 s4, $0x1;
	p1 =	sne.s32 s5, $0x0  }
0x2f4: {  	s31 =	sshrl.u32 s6, $0x1E;
	s5 =	simm.s32 $0x1;
	p0 =	por !p0, !p1  }
.Ltmp35:
0x2f5: {  	s4 =	sadd.s32 s31, s4;
	p0 =	por !p0, !p0;
	(pc) =	sbr.rel .LBB2_51-.Ltmp35, $4  }
0x2f6: {  	s4 =	sshrl.u32 s4, $0x2;
	s5 =	simm.s32 @!p0 $0x0  }
0x2f7: {  	s4 =	ssub.s32 s4, s5  }
0x2f8: {  	s17 =	sadd.s32 $0xFFFFFF01, s3;
	s19 =	sshll.u32 s4, $0x2  }
0x2f9: {  	s24 =	simm.s32 $0x0;
	s21 =	simm.s32 $0x40000000;
	p0 =	slt.s32 s19, $0x1  }
.LBB2_69:
0x2fa: {  	s3 =	simm.s32 $0x8020  }
0x2fb: {  	v6 =	vld [tilespmem:s3+$0x10]  }
0x2fc: {  	v4 =	vld [tilespmem:s3+$0x0]  }
0x2fd: {  	v3 =	vld [tilespmem:s3+$0xFFFFFFE0]  }
0x2fe: {  	s4 =	sshrl.u32 s2, s17;
	v5 =	vld [tilespmem:s3+$0xFFFFFFF0]  }
0x2ff: {  	s21 =	sor.u32 s4, s19  }
0x300: {  	s4 =	sxor.u32 $0x80000000, s21  }
0x301: {  	v7 =	vimm.s32 $0x0;
	v2 =	vmov s4  }
0x302: {  	s24 =	simm.s32 $0x0;
	s3 =	simm.s32 $0x8060;
	v8 =	vshra.s32 v6, $0x1F;
	v10 =	vshra.s32 v3, $0x1F;
	v9 =	vshra.s32 v4, $0x1F  }
.LBB2_70:
0x303: {  	v11 =	vld [tilespmem:s3+$0x10];
	v10 =	vand.u32 $0x7FFFFFFF, v10;
	v12 =	vshra.s32 v5, $0x1F;
	v8 =	vand.u32 $0x7FFFFFFF, v8  }
0x304: {  	v9 =	vand.u32 $0x7FFFFFFF, v9;
	s24 =	sadd.s32 $0x4, s24;
	v13 =	vld [tilespmem:s3+$0x0];
	v10 =	vxor.u32 v3, v10;
	v12 =	vand.u32 $0x7FFFFFFF, v12  }
0x305: {  	v6 =	vxor.u32 v6, v8;
	p0 =	slt.u32 s24, $0x7FC;
	v3 =	vld [tilespmem:s3+$0xFFFFFFE0];
	vm2 =	vlt.s32 v10, v2;
	v10 =	vxor.u32 v5, v12  }
.Ltmp36:
0x306: {  	v4 =	vxor.u32 v4, v9;
	v5 =	vld [tilespmem:s3+$0xFFFFFFF0];
	v8 =	vsel vm2, $0x1, v0;
	vm2 =	vlt.s32 v10, v2;
	(pc) =	sbr.rel @p0 .LBB2_70-.Ltmp36, $4  }
0x307: {  	v7 =	vadd.s32 v8, v7;
	v8 =	vsel vm2, $0x1, v0;
	vm2 =	vlt.s32 v4, v2  }
0x308: {  	v9 =	vadd.s32 v8, v7;
	v7 =	vsel vm2, $0x1, v0;
	vm2 =	vlt.s32 v6, v2;
	v6 =	vmovc v11  }
0x309: {  	v8 =	vshra.s32 v6, $0x1F;
	v7 =	vadd.s32 v7, v9;
	v11 =	vsel vm2, $0x1, v0;
	v4 =	vmovc v13  }
0x30a: {  	s3 =	sadd.s32 $0x40, s3;
	v10 =	vshra.s32 v3, $0x1F;
	v9 =	vshra.s32 v4, $0x1F;
	v7 =	vadd.s32 v11, v7  }
0x30b: {  	v10 =	vand.u32 $0x7FFFFFFF, v10;
	v11 =	vshra.s32 v5, $0x1F;
	v8 =	vand.u32 $0x7FFFFFFF, v8  }
0x30c: {  	v9 =	vand.u32 $0x7FFFFFFF, v9;
	v3 =	vxor.u32 v3, v10;
	v58 =	vand.u32 $0x7FFFFFFF, v11  }
0x30d: {  	v59 =	vxor.u32 v6, v8;
	vm2 =	vlt.s32 v3, v2;
	v3 =	vxor.u32 v5, v58  }
0x30e: {  	v60 =	vsel vm2, $0x1, v0;
	vm2 =	vlt.s32 v3, v2;
	v3 =	vxor.u32 v4, v9  }
0x30f: {  	v61 =	vadd.s32 v60, v7;
	v62 =	vsel vm2, $0x1, v0;
	vm2 =	vlt.s32 v3, v2  }
0x310: {  	v3 =	vadd.s32 v62, v61;
	v63 =	vsel vm2, $0x1, v0;
	vm2 =	vlt.s32 v59, v2  }
0x311: {  	v2 =	vadd.s32 v63, v3;
	v3 =	vsel vm2, $0x1, v0  }
0x312: {  	v2 =	vadd.s32 v3, v2  }
0x313: {  	(xrf0) =	vadd.scan.msk.s32 $0xffff, v2;
	_ =	sdelay $0x5  }
0x314: {  	v2, _, _ =	vpop (xrf0)  }
0x315: {  	(v2sf) =	vpush v2, $0xF;
	_ =	sdelay $0xe  }
0x316: {  	s3 =	spop (v2sf)  }
0x317: {  	s17 =	sadd.s32 $0x1, s17;
	p0 =	sgt.s32 s3, $0xFF  }
0x318: {  	s21 =	smov.u32 @p0 s19;
	p0 =	sne.s32 s17, $0x20  }
.Ltmp37:
0x319: {  	_ = 	snop;
	(pc) =	sbr.rel @p0 .LBB2_69-.Ltmp37, $2  }
0x31a: {  	_ =	sdelay $0x2  }
0x31b: {  	s19 =	smov.u32 s21  }
0x31c: {  	p0 =	sgt.s32 s21, $0xFFFFFFFF;
	s3 =	simm.s32 $0xFFFFFFFF;
	s19 =	simm.s32 $0x8020  }
0x31d: {  	s3 =	simm.s32 @!p0 $0x80000000;
	v3 =	vld [tilespmem:s19+$0xFFFFFFE0]  }
0x31e: {  	v4 =	vld [tilespmem:s19+$0xFFFFFFF0];
	s17 =	sxor.u32 s21, s3  }
0x31f: {  	v5 =	vld [tilespmem:s19+$0x0];
	v2 =	vmov s17  }
0x320: {  	v7 =	vld [tilespmem:s19+$0x10];
	v2 =	vbroadcast v2, $0x0;
	_ =	sdelay $0x1  }
0x321: {  	s3 =	simm.s32 $0x8060;
	vm2 =	vlt.f32 v3, v2  }
0x322: {  	v6 =	vld [tilespmem:s3+$0xFFFFFFE0];
	v3 =	vimm.s32 $0x0;
	v8 =	vsel vm2, $0x1, v0;
	vm2 =	vlt.f32 v4, v2  }
0x323: {  	v4 =	vld [tilespmem:s3+$0xFFFFFFF0];
	v8 =	vadd.s32 v8, v3;
	v9 =	vsel vm2, $0x1, v0;
	vm2 =	vlt.f32 v5, v2  }
0x324: {  	v5 =	vld [tilespmem:s3+$0x0];
	v8 =	vadd.s32 v9, v8;
	v9 =	vsel vm2, $0x1, v0;
	vm2 =	vlt.f32 v7, v2  }
0x325: {  	s4 =	simm.s32 $0x4;
	v7 =	vld [tilespmem:s3+$0x10];
	v8 =	vadd.s32 v9, v8;
	v9 =	vsel vm2, $0x1, v0  }
.LBB2_73:
0x326: {  	s4 =	sadd.s32 $0x4, s4  }
0x327: {  	v8 =	vadd.s32 v9, v8;
	p0 =	slt.u32 s4, $0x7FC  }
.Ltmp38:
0x328: {  	s3 =	sadd.s32 $0x40, s3;
	vm2 =	vlt.f32 v6, v2;
	(pc) =	sbr.rel @p0 .LBB2_73-.Ltmp38, $4  }
0x329: {  	v6 =	vld [tilespmem:s3+$0xFFFFFFE0];
	v9 =	vsel vm2, $0x1, v0;
	vm2 =	vlt.f32 v4, v2  }
0x32a: {  	v4 =	vld [tilespmem:s3+$0xFFFFFFF0];
	v8 =	vadd.s32 v9, v8;
	v9 =	vsel vm2, $0x1, v0;
	vm2 =	vlt.f32 v5, v2  }
0x32b: {  	v5 =	vld [tilespmem:s3+$0x0];
	v8 =	vadd.s32 v9, v8;
	v9 =	vsel vm2, $0x1, v0;
	vm2 =	vlt.f32 v7, v2  }
0x32c: {  	v7 =	vld [tilespmem:s3+$0x10];
	v8 =	vadd.s32 v9, v8;
	v9 =	vsel vm2, $0x1, v0  }
0x32d: {  	v10 =	vld [tilespmem:s19+$0xFFFFFFE0]  }
0x32e: {  	vm2 =	vlt.f32 v6, v2;
	v6 =	vld [tilespmem:s19+$0xFFFFFFF0]  }
0x32f: {  	v12 =	vld [tilespmem:s19+$0x0];
	v11 =	vsel vm2, $0x1, v0;
	vm2 =	vlt.f32 v4, v2  }
0x330: {  	v4 =	vadd.s32 v9, v8;
	v9 =	vld [tilespmem:s19+$0x10];
	v8 =	vsel vm2, $0x1, v0;
	vm2 =	vlt.f32 v5, v2  }
0x331: {  	v4 =	vadd.s32 v11, v4;
	v5 =	vsel vm2, $0x1, v0;
	vm2 =	vlt.f32 v7, v2  }
0x332: {  	s3 =	simm.s32 $0x8060;
	v4 =	vadd.s32 v8, v4;
	v7 =	vsel vm2, $0x1, v0;
	vm2 =	veq.f32 v10, v2  }
0x333: {  	v8 =	vadd.s32 v5, v4;
	v4 =	vld [tilespmem:s3+$0xFFFFFFE0];
	v5 =	vsel vm2, $0x1, v0;
	vm2 =	veq.f32 v6, v2  }
0x334: {  	v3 =	vadd.s32 v5, v3;
	v6 =	vsel vm2, $0x1, v0;
	vm2 =	veq.f32 v12, v2;
	v5 =	vld [tilespmem:s3+$0xFFFFFFF0]  }
0x335: {  	v10 =	vadd.s32 v6, v3;
	v11 =	vsel vm2, $0x1, v0;
	vm2 =	veq.f32 v9, v2;
	v6 =	vld [tilespmem:s3+$0x0]  }
0x336: {  	s4 =	simm.s32 $0x4;
	v3 =	vadd.s32 v7, v8;
	v7 =	vld [tilespmem:s3+$0x10];
	v8 =	vadd.s32 v11, v10;
	v9 =	vsel vm2, $0x1, v0  }
.LBB2_75:
0x337: {  	s4 =	sadd.s32 $0x4, s4  }
0x338: {  	v8 =	vadd.s32 v9, v8;
	p0 =	slt.u32 s4, $0x7FC  }
.Ltmp39:
0x339: {  	s3 =	sadd.s32 $0x40, s3;
	vm2 =	veq.f32 v4, v2;
	(pc) =	sbr.rel @p0 .LBB2_75-.Ltmp39, $4  }
0x33a: {  	v4 =	vld [tilespmem:s3+$0xFFFFFFE0];
	v9 =	vsel vm2, $0x1, v0;
	vm2 =	veq.f32 v5, v2  }
0x33b: {  	v5 =	vld [tilespmem:s3+$0xFFFFFFF0];
	v8 =	vadd.s32 v9, v8;
	v9 =	vsel vm2, $0x1, v0;
	vm2 =	veq.f32 v6, v2  }
0x33c: {  	v6 =	vld [tilespmem:s3+$0x0];
	v8 =	vadd.s32 v9, v8;
	v9 =	vsel vm2, $0x1, v0;
	vm2 =	veq.f32 v7, v2  }
0x33d: {  	v7 =	vld [tilespmem:s3+$0x10];
	v8 =	vadd.s32 v9, v8;
	v9 =	vsel vm2, $0x1, v0  }
0x33e: {  	_ = 	snop  }
0x33f: {  	vm2 =	veq.f32 v4, v2  }
0x340: {  	v60 =	vadd.s32 v9, v8;
	v61 =	vsel vm2, $0x1, v0;
	vm2 =	veq.f32 v5, v2  }
0x341: {  	v4 =	vadd.s32 v61, v60;
	v5 =	vsel vm2, $0x1, v0;
	vm2 =	veq.f32 v6, v2  }
0x342: {  	v4 =	vadd.s32 v5, v4;
	v62 =	vsel vm2, $0x1, v0;
	vm2 =	veq.f32 v7, v2  }
0x343: {  	v4 =	vadd.s32 v62, v4;
	v63 =	vsel vm2, $0x1, v0  }
0x344: {  	(xrf0) =	vadd.scan.msk.s32 $0xffff, v3;
	v4 =	vadd.s32 v63, v4  }
0x345: {  	(xrf0) =	vadd.scan.msk.s32 $0xffff, v4;
	_ =	sdelay $0x4  }
0x346: {  	v3, _, _ =	vpop (xrf0)  }
0x347: {  	(v2sf) =	vpush v3, $0xF;
	v3, _, _ =	vpop (xrf0)  }
0x348: {  	(v2sf) =	vpush v3, $0xF;
	_ =	sdelay $0xd  }
0x349: {  	s3 =	spop (v2sf)  }
0x34a: {  	s21 =	ssub.s32 $0x100, s3;
	s4 =	spop (v2sf)  }
0x34b: {  	p0 =	seq.s32 s4, s21  }
.Ltmp40:
0x34c: {  	_ = 	snop;
	(pc) =	sbr.rel @p0 .LBB2_81-.Ltmp40, $3  }
0x34d: {  	_ =	sdelay $0x1  }
0x34e: {  	s24 =	simm.s32 $0x0  }
0x34f: {  	s19 =	simm.s32 $0x7FFF;
	s26 =	simm.s32 $0x0;
	s29 =	simm.s32 $0x0  }
.LBB2_77:
0x350: {  	s3 =	simm.s32 $0x8020  }
0x351: {  	v5 =	vld [tilespmem:s3+$0xFFFFFFE0];
	_ =	sdelay $0x2  }
0x352: {  	v6 =	vld [tilespmem:s3+$0x10]  }
0x353: {  	s4 =	sshrl.u32 s18, s29;
	v7 =	vld [tilespmem:s3+$0xFFFFFFF0]  }
0x354: {  	v4 =	vimm.s32 $0x0;
	s7 =	simm.s32 $0x20;
	s19 =	sor.u32 s4, s26;
	vm6 =	veq.f32 v5, v2;
	v5 =	vld [tilespmem:s3+$0x0]  }
0x355: {  	s5 =	simm.s32 $0x30;
	v8 =	vor.u32 s24, v1;
	s6 =	simm.s32 $0x10;
	v9 =	vor.u32 s7, v1;
	v3 =	vmov s19  }
0x356: {  	v10 =	vor.u32 s5, v1;
	v63 =	vor.u32 s6, v1;
	vm4 =	vlt.s32 v8, v3  }
0x357: {  	vm2 =	vlt.s32 v10, v3;
	vm5 =	vlt.s32 v63, v3;
	vm3 =	vlt.s32 v9, v3  }
0x358: {  	s31 =	simm.s32 $0x0;
	s4 =	simm.s32 $0x0;
	vm7 =	veq.f32 v7, v2;
	s3 =	simm.s32 $0x8060;
	vm6 =	vmand vm4, vm6;
	vm4 =	veq.f32 v6, v2  }
.LBB2_78:
0x359: {  	v6 =	vld [tilespmem:s3+$0x10];
	v7 =	vsel vm6, $0x1, v0;
	vm5 =	vmand vm5, vm7;
	vm6 =	veq.f32 v5, v2  }
0x35a: {  	s31 =	sadd.s32 $0x4, s31;
	v8 =	vld [tilespmem:s3+$0xFFFFFFE0];
	v4 =	vadd.s32 v7, v4;
	v5 =	vsel vm5, $0x1, v0;
	vm3 =	vmand vm3, vm6  }
0x35b: {  	vm2 =	vmand vm2, vm4;
	s4 =	sadd.s32 $0x40, s4;
	p0 =	slt.u32 s31, $0x7FC;
	v7 =	vld [tilespmem:s3+$0xFFFFFFF0];
	v4 =	vadd.s32 v5, v4;
	v9 =	vsel vm3, $0x1, v0  }
.Ltmp41:
0x35c: {  	v10 =	vor.u32 s4, v1;
	s5 =	sadd.s32 $0x20, s4;
	s6 =	sadd.s32 $0x30, s4;
	v5 =	vld [tilespmem:s3+$0x0];
	v4 =	vadd.s32 v9, v4;
	v9 =	vsel vm2, $0x1, v0;
	(pc) =	sbr.rel @p0 .LBB2_78-.Ltmp41, $4  }
0x35d: {  	s7 =	sadd.s32 $0x10, s4;
	v11 =	vor.u32 s5, v1;
	v12 =	vor.u32 s6, v1;
	v4 =	vadd.s32 v9, v4  }
0x35e: {  	vm4 =	vlt.s32 v10, v3;
	vm2 =	vlt.s32 v12, v3;
	v9 =	vor.u32 s7, v1  }
0x35f: {  	vm3 =	vlt.s32 v11, v3;
	vm5 =	vlt.s32 v9, v3;
	vm6 =	veq.f32 v8, v2  }
0x360: {  	s3 =	sadd.s32 $0x40, s3;
	vm6 =	vmand vm4, vm6;
	vm7 =	veq.f32 v7, v2;
	vm4 =	veq.f32 v6, v2  }
0x361: {  	v3 =	vsel vm6, $0x1, v0;
	vm5 =	vmand vm5, vm7;
	vm15 =	veq.f32 v5, v2  }
0x362: {  	v3 =	vadd.s32 v3, v4;
	v61 =	vsel vm5, $0x1, v0;
	vm3 =	vmand vm3, vm15  }
0x363: {  	vm2 =	vmand vm2, vm4;
	v3 =	vadd.s32 v61, v3;
	v62 =	vsel vm3, $0x1, v0  }
0x364: {  	v63 =	vsel vm2, $0x1, v0;
	v3 =	vadd.s32 v62, v3  }
0x365: {  	v3 =	vadd.s32 v63, v3  }
0x366: {  	(xrf0) =	vadd.scan.msk.s32 $0xffff, v3;
	_ =	sdelay $0x5  }
0x367: {  	v3, _, _ =	vpop (xrf0)  }
0x368: {  	(v2sf) =	vpush v3, $0xF;
	_ =	sdelay $0xa  }
0x369: {  	s29 =	sadd.s32 $0x1, s29  }
0x36a: {  	p1 =	sne.s32 s29, $0xF  }
.Ltmp42:
0x36b: {  	_ = 	snop;
	(pc) =	sbr.rel @p1 .LBB2_77-.Ltmp42, $4  }
0x36c: {  	_ = 	snop  }
0x36d: {  	s3 =	spop (v2sf)  }
0x36e: {  	p0 =	slt.s32 s3, s21  }
0x36f: {  	s26 =	smov.u32 @p0 s19  }
.Ltmp43:
0x370: {  	(pc) =	sbr.rel .LBB2_81-.Ltmp43, $2  }
0x371: {  	_ =	sdelay $0x2  }
0x372: {  	s19 =	smov.u32 s26  }
.LBB2_52:
0x373: {  	v3 =	vimm.s32 $0x0  }
.LBB2_53:
0x374: {  	(xrf0) =	vadd.scan.msk.s32 $0xffff, v3;
	_ =	sdelay $0x5  }
0x375: {  	v3, _, _ =	vpop (xrf0)  }
0x376: {  	(v2sf) =	vpush v3, $0xF;
	_ =	sdelay $0xa  }
0x377: {  	s24 =	sadd.s32 $0x1, s24  }
0x378: {  	p2 =	seq.s32 s24, $0x1E  }
.Ltmp44:
0x379: {  	_ = 	snop;
	(pc) =	sbr.rel @p2 .LBB2_54-.Ltmp44, $4  }
0x37a: {  	_ = 	snop  }
0x37b: {  	s3 =	spop (v2sf)  }
0x37c: {  	p1 =	slt.s32 s3, s17  }
0x37d: {  	s21 =	smov.u32 @p1 s26  }
.LBB2_51:
.Ltmp45:
0x37e: {  	(pc) =	sbr.rel @p0 .LBB2_52-.Ltmp45, $3  }
0x37f: {  	_ =	sdelay $0x1  }
0x380: {  	s3 =	sshrl.u32 s30, s24  }
0x381: {  	s26 =	sor.u32 s3, s21  }
0x382: {  	s3 =	sxor.u32 $0x80000000, s26  }
0x383: {  	v3 =	vmov s3;
	s3 =	simm.s32 $0x10020  }
0x384: {  	v5 =	vld [tilespmem:s3+$0xFFFFFFE0];
	_ =	sdelay $0x2  }
0x385: {  	v6 =	vld [tilespmem:s3+$0x10]  }
0x386: {  	p1 =	sgt.s32 s19, $0x4;
	v7 =	vld [tilespmem:s3+$0xFFFFFFF0]  }
.Ltmp46:
0x387: {  	s4 =	simm.s32 $0x0;
	s5 =	simm.s32 $0x2;
	vm6 =	vlt.s32 v5, v3;
	v5 =	vld [tilespmem:s3+$0x0];
	(pc) =	sbr.rel @!p1 .LBB2_63-.Ltmp46, $4  }
0x388: {  	v4 =	vimm.s32 $0x0;
	s6 =	simm.s32 $0x3;
	s7 =	simm.s32 $0x1;
	v8 =	vmov s4;
	v9 =	vmov s5  }
0x389: {  	v10 =	vmov s6;
	v63 =	vmov s7;
	vm4 =	vlt.s32 v8, v2  }
0x38a: {  	vm2 =	vlt.s32 v10, v2;
	vm5 =	vlt.s32 v63, v2;
	vm3 =	vlt.s32 v9, v2  }
0x38b: {  	s29 =	simm.s32 $0x4;
	s31 =	simm.s32 $0x10060;
	vm7 =	vlt.s32 v7, v3;
	vm6 =	vmand vm4, vm6;
	vm4 =	vlt.s32 v6, v3  }
.LBB2_62:
0x38c: {  	v6 =	vld [tilespmem:s31+$0x10];
	v7 =	vsel vm6, $0x1, v0;
	vm5 =	vmand vm5, vm7;
	vm6 =	vlt.s32 v5, v3;
	s3 =	smov.u32 s29  }
0x38d: {  	s29 =	sadd.s32 $0x4, s29;
	v8 =	vld [tilespmem:s31+$0xFFFFFFE0];
	v4 =	vadd.s32 v7, v4;
	v5 =	vsel vm5, $0x1, v0;
	vm3 =	vmand vm3, vm6  }
0x38e: {  	vm2 =	vmand vm2, vm4;
	p1 =	slt.s32 s29, s19;
	v7 =	vld [tilespmem:s31+$0xFFFFFFF0];
	v4 =	vadd.s32 v5, v4;
	v9 =	vsel vm3, $0x1, v0  }
.Ltmp47:
0x38f: {  	v10 =	vmov s3;
	s4 =	sadd.s32 $0x2, s3;
	s5 =	sadd.s32 $0x3, s3;
	v5 =	vld [tilespmem:s31+$0x0];
	v4 =	vadd.s32 v9, v4;
	v9 =	vsel vm2, $0x1, v0;
	(pc) =	sbr.rel @p1 .LBB2_62-.Ltmp47, $4  }
0x390: {  	s3 =	sadd.s32 $0x1, s3;
	v11 =	vmov s4;
	v12 =	vmov s5;
	v4 =	vadd.s32 v9, v4  }
0x391: {  	vm4 =	vlt.s32 v10, v2;
	vm2 =	vlt.s32 v12, v2;
	v9 =	vmov s3  }
0x392: {  	vm3 =	vlt.s32 v11, v2;
	vm5 =	vlt.s32 v9, v2;
	vm6 =	vlt.s32 v8, v3  }
0x393: {  	s31 =	sadd.s32 $0x40, s31;
	vm6 =	vmand vm4, vm6;
	vm7 =	vlt.s32 v7, v3;
	vm4 =	vlt.s32 v6, v3  }
.LBB2_63:
.Ltmp48:
0x394: {  	v6 =	vsel vm6, $0x1, v0;
	vm5 =	vmand vm5, vm7;
	vm15 =	vlt.s32 v5, v3;
	(pc) =	sbr.rel .LBB2_53-.Ltmp48, $4  }
0x395: {  	v3 =	vadd.s32 v6, v4;
	v4 =	vsel vm5, $0x1, v0;
	vm3 =	vmand vm3, vm15  }
0x396: {  	vm2 =	vmand vm2, vm4;
	v3 =	vadd.s32 v4, v3;
	v4 =	vsel vm3, $0x1, v0  }
0x397: {  	v3 =	vadd.s32 v4, v3;
	v4 =	vsel vm2, $0x1, v0  }
0x398: {  	v3 =	vadd.s32 v4, v3  }
.LBB2_54:
.Ltmp49:
0x399: {  	(pc) =	sbr.rel @p0 .LBB2_55-.Ltmp49, $3  }
0x39a: {  	_ =	sdelay $0x1  }
0x39b: {  	s17 =	sxor.u32 $0x80000000, s21  }
0x39c: {  	v3 =	vmov s17  }
0x39d: {  	s21 =	simm.s32 $0x10020  }
0x39e: {  	v8 =	vld [tilespmem:s21+$0xFFFFFFE0];
	_ =	sdelay $0x2  }
0x39f: {  	v10 =	vld [tilespmem:s21+$0xFFFFFFF0]  }
0x3a0: {  	s3 =	simm.s32 $0x0;
	p0 =	sgt.s32 s19, $0x4;
	v9 =	vld [tilespmem:s21+$0x10]  }
.Ltmp50:
0x3a1: {  	v4 =	vimm.s32 $0x0;
	s31 =	simm.s32 $0x2;
	s4 =	simm.s32 $0x3;
	vm5 =	vgt.s32 v8, v3;
	v8 =	vld [tilespmem:s21+$0x0];
	(pc) =	sbr.rel @!p0 .LBB2_66-.Ltmp50, $4  }
0x3a2: {  	s5 =	simm.s32 $0x1;
	v6 =	vmov s3;
	v5 =	vmov s31;
	v7 =	vmov s4  }
0x3a3: {  	vm2 =	vlt.s32 v6, v2;
	v6 =	vmov s5;
	vm3 =	vlt.s32 v7, v2  }
0x3a4: {  	vm4 =	vlt.s32 v5, v2;
	vm6 =	vlt.s32 v6, v2;
	vm8 =	vgt.s32 v10, v3  }
0x3a5: {  	s24 =	simm.s32 $0x4;
	s26 =	simm.s32 $0x10060;
	vm7 =	vmand vm2, vm5;
	vm5 =	vgt.s32 v9, v3;
	v9 =	vimm.s32 $0x0  }
.LBB2_65:
0x3a6: {  	v10 =	vld [tilespmem:s26+$0x10];
	v11 =	vsel vm7, $0x1, v0;
	vm6 =	vmand vm6, vm8;
	vm7 =	vgt.s32 v8, v3;
	s3 =	smov.u32 s24  }
0x3a7: {  	s24 =	sadd.s32 $0x4, s24;
	v12 =	vld [tilespmem:s26+$0xFFFFFFE0];
	v8 =	vadd.s32 v11, v9;
	v9 =	vsel vm6, $0x1, v0;
	vm4 =	vmand vm4, vm7  }
0x3a8: {  	vm3 =	vmand vm3, vm5;
	p0 =	slt.s32 s24, s19;
	v11 =	vld [tilespmem:s26+$0xFFFFFFF0];
	v9 =	vadd.s32 v9, v8;
	v13 =	vsel vm4, $0x1, v0  }
.Ltmp51:
0x3a9: {  	v14 =	vmov s3;
	s4 =	sadd.s32 $0x2, s3;
	s5 =	sadd.s32 $0x3, s3;
	v8 =	vld [tilespmem:s26+$0x0];
	v9 =	vadd.s32 v13, v9;
	v13 =	vsel vm3, $0x1, v0;
	(pc) =	sbr.rel @p0 .LBB2_65-.Ltmp51, $4  }
0x3aa: {  	s3 =	sadd.s32 $0x1, s3;
	v15 =	vmov s4;
	v16 =	vmov s5;
	v9 =	vadd.s32 v13, v9  }
0x3ab: {  	vm5 =	vlt.s32 v14, v2;
	vm3 =	vlt.s32 v16, v2;
	v13 =	vmov s3  }
0x3ac: {  	vm4 =	vlt.s32 v15, v2;
	vm6 =	vlt.s32 v13, v2;
	vm7 =	vgt.s32 v12, v3  }
0x3ad: {  	s26 =	sadd.s32 $0x40, s26;
	vm7 =	vmand vm5, vm7;
	vm8 =	vgt.s32 v11, v3;
	vm5 =	vgt.s32 v10, v3  }
.LBB2_66:
0x3ae: {  	v10 =	vsel vm7, $0x1, v0;
	vm6 =	vmand vm6, vm8;
	vm7 =	vgt.s32 v8, v3  }
0x3af: {  	v57 =	vadd.s32 v10, v9;
	v58 =	vsel vm6, $0x1, v0;
	vm4 =	vmand vm4, vm7  }
0x3b0: {  	vm3 =	vmand vm3, vm5;
	v8 =	vadd.s32 v58, v57;
	v59 =	vsel vm4, $0x1, v0  }
0x3b1: {  	v60 =	vsel vm3, $0x1, v0;
	v8 =	vadd.s32 v59, v8  }
0x3b2: {  	v8 =	vadd.s32 v60, v8  }
0x3b3: {  	(xrf0) =	vadd.scan.msk.s32 $0xffff, v8;
	_ =	sdelay $0x5  }
0x3b4: {  	v8, _, _ =	vpop (xrf0)  }
0x3b5: {  	(v2sf) =	vpush v8, $0xF;
	_ =	sdelay $0x7  }
0x3b6: {  	v61 =	vld [tilespmem:s21+$0x10]  }
0x3b7: {  	v62 =	vld [tilespmem:s21+$0xFFFFFFE0]  }
0x3b8: {  	v63 =	vld [tilespmem:s21+$0xFFFFFFF0];
	p0 =	sgt.s32 s19, $0x4  }
.Ltmp52:
0x3b9: {  	vm4 =	vlt.s32 v5, v2;
	v5 =	vld [tilespmem:s21+$0x0];
	(pc) =	sbr.rel @!p0 .LBB2_68-.Ltmp52, $3  }
0x3ba: {  	_ =	sdelay $0x1  }
0x3bb: {  	vm5 =	vlt.s32 v6, v2;
	vm3 =	vlt.s32 v7, v2;
	vm6 =	veq.s32 v62, v3  }
0x3bc: {  	s26 =	simm.s32 $0x4;
	s21 =	simm.s32 $0x10060;
	vm7 =	veq.s32 v63, v3;
	vm6 =	vmand vm2, vm6;
	vm2 =	veq.s32 v61, v3;
	s24 =	spop (v2sf)  }
.LBB2_67:
0x3bd: {  	v6 =	vld [tilespmem:s21+$0x10];
	v7 =	vsel vm6, $0x1, v0;
	vm5 =	vmand vm5, vm7;
	vm6 =	veq.s32 v5, v3;
	s3 =	smov.u32 s26  }
0x3be: {  	s26 =	sadd.s32 $0x4, s26;
	v8 =	vld [tilespmem:s21+$0xFFFFFFE0];
	v4 =	vadd.s32 v7, v4;
	v5 =	vsel vm5, $0x1, v0;
	vm4 =	vmand vm4, vm6  }
0x3bf: {  	vm2 =	vmand vm3, vm2;
	p0 =	slt.s32 s26, s19;
	v7 =	vld [tilespmem:s21+$0xFFFFFFF0];
	v4 =	vadd.s32 v5, v4;
	v9 =	vsel vm4, $0x1, v0  }
.Ltmp53:
0x3c0: {  	v10 =	vmov s3;
	s4 =	sadd.s32 $0x2, s3;
	s5 =	sadd.s32 $0x3, s3;
	v5 =	vld [tilespmem:s21+$0x0];
	v4 =	vadd.s32 v9, v4;
	v9 =	vsel vm2, $0x1, v0;
	(pc) =	sbr.rel @p0 .LBB2_67-.Ltmp53, $4  }
0x3c1: {  	s3 =	sadd.s32 $0x1, s3;
	v11 =	vmov s4;
	v12 =	vmov s5;
	v4 =	vadd.s32 v9, v4  }
0x3c2: {  	vm2 =	vlt.s32 v10, v2;
	vm3 =	vlt.s32 v12, v2;
	v9 =	vmov s3  }
0x3c3: {  	vm4 =	vlt.s32 v11, v2;
	vm5 =	vlt.s32 v9, v2;
	vm6 =	veq.s32 v8, v3  }
0x3c4: {  	s21 =	sadd.s32 $0x40, s21;
	vm6 =	vmand vm2, vm6;
	vm7 =	veq.s32 v7, v3;
	vm2 =	veq.s32 v6, v3  }
.LBB2_68:
.Ltmp54:
0x3c5: {  	v2 =	vsel vm6, $0x1, v0;
	vm5 =	vmand vm5, vm7;
	vm15 =	veq.s32 v5, v3;
	(pc) =	sbr.rel .LBB2_56-.Ltmp54, $4  }
0x3c6: {  	v2 =	vadd.s32 v2, v4;
	v4 =	vsel vm5, $0x1, v0;
	vm4 =	vmand vm4, vm15  }
0x3c7: {  	vm2 =	vmand vm3, vm2;
	v2 =	vadd.s32 v4, v2;
	v4 =	vsel vm4, $0x1, v0  }
0x3c8: {  	v2 =	vadd.s32 v4, v2;
	v4 =	vsel vm2, $0x1, v0  }
0x3c9: {  	v2 =	vadd.s32 v4, v2  }
.LBB2_55:
0x3ca: {  	v2 =	vimm.s32 $0x0;
	s24 =	rddreg [dreg:$0x8]  }
.LBB2_56:
0x3cb: {  	(xrf0) =	vadd.scan.msk.s32 $0xffff, v2;
	_ =	sdelay $0x5  }
0x3cc: {  	v2, _, _ =	vpop (xrf0)  }
0x3cd: {  	(v2sf) =	vpush v2, $0xF;
	_ =	sdelay $0xe  }
0x3ce: {  	s21 =	ssub.s32 $0x100, s24;
	s3 =	spop (v2sf)  }
0x3cf: {  	p0 =	seq.s32 s3, s21  }
.Ltmp55:
0x3d0: {  	_ = 	snop;
	(pc) =	sbr.rel @p0 .LBB2_81-.Ltmp55, $2  }
0x3d1: {  	_ =	sdelay $0x2  }
0x3d2: {  	s19 =	simm.s32 $0x7FFF  }
0x3d3: {  	v2 =	vbroadcast v3, $0x0  }
0x3d4: {  	s24 =	simm.s32 $0x0;
	s19 =	simm.s32 $0x0;
	s26 =	simm.s32 $0x0  }
.LBB2_58:
0x3d5: {  	s3 =	simm.s32 $0x8020  }
0x3d6: {  	v5 =	vld [tilespmem:s3+$0xFFFFFFE0];
	_ =	sdelay $0x2  }
0x3d7: {  	v6 =	vld [tilespmem:s3+$0x10]  }
0x3d8: {  	s4 =	sshrl.u32 s18, s26;
	v7 =	vld [tilespmem:s3+$0xFFFFFFF0]  }
0x3d9: {  	v4 =	vimm.s32 $0x0;
	s7 =	simm.s32 $0x20;
	s29 =	sor.u32 s4, s19;
	vm6 =	veq.f32 v5, v2;
	v5 =	vld [tilespmem:s3+$0x0]  }
0x3da: {  	s5 =	simm.s32 $0x30;
	v8 =	vor.u32 s24, v1;
	s6 =	simm.s32 $0x10;
	v9 =	vor.u32 s7, v1;
	v3 =	vmov s29  }
0x3db: {  	v10 =	vor.u32 s5, v1;
	v63 =	vor.u32 s6, v1;
	vm4 =	vlt.s32 v8, v3  }
0x3dc: {  	vm2 =	vlt.s32 v10, v3;
	vm5 =	vlt.s32 v63, v3;
	vm3 =	vlt.s32 v9, v3  }
0x3dd: {  	s31 =	simm.s32 $0x0;
	s4 =	simm.s32 $0x0;
	vm7 =	veq.f32 v7, v2;
	s3 =	simm.s32 $0x8060;
	vm6 =	vmand vm4, vm6;
	vm4 =	veq.f32 v6, v2  }
.LBB2_59:
0x3de: {  	v6 =	vld [tilespmem:s3+$0x10];
	v7 =	vsel vm6, $0x1, v0;
	vm5 =	vmand vm5, vm7;
	vm6 =	veq.f32 v5, v2  }
0x3df: {  	s31 =	sadd.s32 $0x4, s31;
	v8 =	vld [tilespmem:s3+$0xFFFFFFE0];
	v4 =	vadd.s32 v7, v4;
	v5 =	vsel vm5, $0x1, v0;
	vm3 =	vmand vm3, vm6  }
0x3e0: {  	vm2 =	vmand vm2, vm4;
	s4 =	sadd.s32 $0x40, s4;
	p0 =	slt.u32 s31, $0x7FC;
	v7 =	vld [tilespmem:s3+$0xFFFFFFF0];
	v4 =	vadd.s32 v5, v4;
	v9 =	vsel vm3, $0x1, v0  }
.Ltmp56:
0x3e1: {  	v10 =	vor.u32 s4, v1;
	s5 =	sadd.s32 $0x20, s4;
	s6 =	sadd.s32 $0x30, s4;
	v5 =	vld [tilespmem:s3+$0x0];
	v4 =	vadd.s32 v9, v4;
	v9 =	vsel vm2, $0x1, v0;
	(pc) =	sbr.rel @p0 .LBB2_59-.Ltmp56, $4  }
0x3e2: {  	s7 =	sadd.s32 $0x10, s4;
	v11 =	vor.u32 s5, v1;
	v12 =	vor.u32 s6, v1;
	v4 =	vadd.s32 v9, v4  }
0x3e3: {  	vm4 =	vlt.s32 v10, v3;
	vm2 =	vlt.s32 v12, v3;
	v9 =	vor.u32 s7, v1  }
0x3e4: {  	vm3 =	vlt.s32 v11, v3;
	vm5 =	vlt.s32 v9, v3;
	vm6 =	veq.f32 v8, v2  }
0x3e5: {  	s3 =	sadd.s32 $0x40, s3;
	vm6 =	vmand vm4, vm6;
	vm7 =	veq.f32 v7, v2;
	vm4 =	veq.f32 v6, v2  }
0x3e6: {  	v3 =	vsel vm6, $0x1, v0;
	vm5 =	vmand vm5, vm7;
	vm15 =	veq.f32 v5, v2  }
0x3e7: {  	v3 =	vadd.s32 v3, v4;
	v61 =	vsel vm5, $0x1, v0;
	vm3 =	vmand vm3, vm15  }
0x3e8: {  	vm2 =	vmand vm2, vm4;
	v3 =	vadd.s32 v61, v3;
	v62 =	vsel vm3, $0x1, v0  }
0x3e9: {  	v63 =	vsel vm2, $0x1, v0;
	v3 =	vadd.s32 v62, v3  }
0x3ea: {  	v3 =	vadd.s32 v63, v3  }
0x3eb: {  	(xrf0) =	vadd.scan.msk.s32 $0xffff, v3;
	_ =	sdelay $0x5  }
0x3ec: {  	v3, _, _ =	vpop (xrf0)  }
0x3ed: {  	(v2sf) =	vpush v3, $0xF;
	_ =	sdelay $0xa  }
0x3ee: {  	s26 =	sadd.s32 $0x1, s26  }
0x3ef: {  	p1 =	seq.s32 s26, $0xF  }
.Ltmp57:
0x3f0: {  	_ = 	snop;
	(pc) =	sbr.rel @!p1 .LBB2_58-.Ltmp57, $4  }
.Ltmp58:
0x3f1: {  	_ = 	snop;
	(pc) =	sbr.rel @p1 .LBB2_81-.Ltmp58, $4  }
0x3f2: {  	s3 =	spop (v2sf)  }
0x3f3: {  	p0 =	slt.s32 s3, s21  }
0x3f4: {  	s19 =	smov.u32 @p0 s29  }
0x3f5: {  	_ = 	snop  }
.LBB2_82:
0x3f6: {  	_ =	sfence.sel $0x180000  }
0x3f7: {  	[bflag:$0x0] =	sbarrier.arrive $0xFFFF  }
0x3f8: {  	_ =	strace $0x90000047  }
0x3f9: {  	s0 =	stileid.u32;
	[bflag:$0x2] =	sbarrier.arrive $0xFFFF  }
0x3fa: {  	p0 =	sne.s32 s0, $0x0;
	s0 =	rddreg [dreg:$0x2]  }
0x3fb: {  	s0 =	sadd.s32 @!p0 $0x100000, s0  }
0x3fc: {  	[sflag:s0] =	ssyncadd.tile.s32 @!p0 $0x1;
	_ =	shalt  }
.Lfunc_end2:
_tile_overlayer_lowered:
.L_overlay_start_2:
0x3fd: {  	(tag) =	ssettag $0x2  }
0x3fe: {  	s0 =	rddreg [dreg:$0x0];
	s2 =	stileid.u32  }
0x3ff: {  	s1 =	rddreg [dreg:$0x1];
	p0 =	sne.s32 s2, $0x0  }
0x400: {  	s3 =	rddreg [dreg:$0x2];
	[bflag:$0x3] =	sbarrier.arrive $0xFFFF;
	s2 =	simm.s32 @!p0 $0x1C05  }
0x401: {  	[timem:s3], [sflag:s2] =	dma.local @!p0 [hbm:s0], s1  }
0x402: {  	s0 =	simm.s32 @!p0 $0x5  }
0x403: {  	_ =	swait.ge @!p0 [sflag:s0], s1  }
0x404: {  	s1 =	ssub.s32 @!p0 $0x0, s1;
	[sflag:s0] =	ssyncset.done @!p0 $0x0  }
0x405: {  	[sflag:s0] =	ssyncadd.s32 @!p0 s1  }
0x406: {  	[bflag:$0x3] =	sbarrier.arrive $0xFFFF  }
0x407: {  	_ =	shalt  }

</sc_bundles>
